<compile_context>
chip_gen: v7x
topology: tpu7x:2x2x1
jax: 0.10.2.dev20260603
libtpu: 0.0.44.dev20260713+nightly
codegen_flags: <defaults>
</compile_context>

<pallas_src>
import functools

import jax
import jax.numpy as jnp
from jax import lax
from jax.experimental import pallas as pl
from jax.experimental.pallas import tpu as pltpu
from jax.experimental.pallas import tpu_sc as plsc

D_MODEL = 64
SCALE = 8.0
LANES = 16
NC, NS = 2, 16
D_PER_CORE = D_MODEL // NC
JH = 10
IH = 2


@functools.lru_cache(maxsize=None)
def _make_lookup(npos: int, nbatch: int, vocab: int):
    i_per_s = nbatch // NS
    iw = i_per_s // IH
    jw = npos // JH
    nseg = JH * IH
    seg = jw * iw
    vmain = vocab // 128 * 128
    vpad = vmain + 128
    chunk = (vmain // NS) // 128 * 128
    last_chunk = vmain - (NS - 1) * chunk
    mesh = plsc.VectorSubcoreMesh(core_axis_name="c", subcore_axis_name="s")

    @functools.partial(
        pl.kernel,
        mesh=mesh,
        out_type=jax.ShapeDtypeStruct((npos, D_MODEL, nbatch), jnp.float32),
        scratch_types=[
            pltpu.VMEM((nseg * seg,), jnp.int32),
            pltpu.VMEM((seg,), jnp.float32),
            pltpu.VMEM((seg,), jnp.float32),
            pltpu.VMEM((seg,), jnp.float32),
            pltpu.VMEM((jw, iw), jnp.float32),
            pltpu.VMEM((jw, iw), jnp.float32),
            pltpu.VMEM_SHARED((vpad,), jnp.float32),
            pltpu.SemaphoreType.DMA,
            pltpu.SemaphoreType.DMA,
            pltpu.SemaphoreType.DMA,
            pltpu.SemaphoreType.DMA,
        ],
    )
    def lookup(xr_hbm, wt_hbm, tail_hbm, out_hbm, idx_v, g0, g1, g2,
               o0, o1, wrow, ssem, gsem, osem0, osem1):
        cid = lax.axis_index("c")
        sid = lax.axis_index("s")
        ibase = sid * i_per_s

        pltpu.sync_copy(xr_hbm.at[sid], idx_v)

        gbufs = [g0, g1, g2]
        obufs = [o0, o1]
        osems = [osem0, osem1]

        def stage_row(d, wait):
            @pl.when(sid < NS - 1)
            def _():
                cp = pltpu.make_async_copy(
                    wt_hbm.at[d, pl.ds(sid * chunk, chunk)],
                    wrow.at[pl.ds(sid * chunk, chunk)],
                    ssem,
                )
                cp.wait() if wait else cp.start()

            @pl.when(sid == NS - 1)
            def _():
                cp = pltpu.make_async_copy(
                    wt_hbm.at[d, pl.ds((NS - 1) * chunk, last_chunk)],
                    wrow.at[pl.ds((NS - 1) * chunk, last_chunk)],
                    ssem,
                )
                tp = pltpu.make_async_copy(
                    tail_hbm.at[d], wrow.at[pl.ds(vmain, 128)], ssem
                )
                if wait:
                    cp.wait()
                    tp.wait()
                else:
                    cp.start()
                    tp.start()

        def gather_cp(s, p):
            return pltpu.make_async_copy(
                wrow.at[idx_v.at[pl.ds(s * seg, seg)]], gbufs[p], gsem
            )

        def out_cp(d, s, p):
            ih = s // JH
            jh = s % JH
            return pltpu.make_async_copy(
                obufs[p],
                out_hbm.at[pl.ds(jh * jw, jw), d,
                           pl.ds(ibase + ih * iw, iw)],
                osems[p],
            )

        def scale_seg(gp, op):
            gb, ob = gbufs[gp], obufs[op]

            def srow(j, _):
                for u in range(iw // LANES):
                    ob[j, pl.ds(u * LANES, LANES)] = (
                        gb[pl.ds(j * iw + u * LANES, LANES)] * SCALE
                    )
                return 0

            lax.fori_loop(0, jw, srow, 0)

        stage_row(cid * D_PER_CORE, wait=False)

        def feature_body(dl, _):
            d = cid * D_PER_CORE + dl
            stage_row(d, wait=True)
            plsc.subcore_barrier()

            gather_cp(0, 0).start()
            gather_cp(1, 1).start()

            def hex_body(k, _):
                for qo in range(6):
                    s = 6 * k + qo
                    gq = qo % 3
                    gather_cp(s, gq).wait()

                    @pl.when(s + 2 < nseg)
                    def _():
                        gather_cp(s + 2, (gq + 2) % 3).start()

                    po = qo % 2

                    @pl.when((dl > 0) | (s >= 2))
                    def _():
                        prev_d = jnp.where(s >= 2, d, d - 1)
                        prev_s = jnp.where(s >= 2, s - 2, s + nseg - 2)
                        out_cp(prev_d, prev_s, po).wait()

                    scale_seg(gq, po)
                    out_cp(d, s, po).start()
                return 0

            lax.fori_loop(0, 3, hex_body, 0)
            for s in range(18, nseg):
                gq = s % 3
                gather_cp(s, gq).wait()
                if s == nseg - 1:
                    plsc.subcore_barrier()

                    @pl.when(dl + 1 < D_PER_CORE)
                    def _():
                        stage_row(d + 1, wait=False)

                po = s % 2
                prev_d, prev_s = d, s - 2
                out_cp(prev_d, prev_s, po).wait()
                scale_seg(gq, po)
                out_cp(d, s, po).start()

            return 0

        lax.fori_loop(0, D_PER_CORE, feature_body, 0)

        d_last = cid * D_PER_CORE + D_PER_CORE - 1
        out_cp(d_last, nseg - 2, 0).wait()
        out_cp(d_last, nseg - 1, 1).wait()

    return lookup


def kernel(x, W):
    nbatch, npos = x.shape
    vocab = W.shape[0]
    i_per_s = nbatch // NS
    iw = i_per_s // IH
    jw = npos // JH
    xr = (
        x.T.astype(jnp.int32)
        .reshape(JH, jw, NS, IH, iw)
        .transpose(2, 3, 0, 1, 4)
        .reshape(NS, JH * IH * jw * iw)
    )
    wt = W.T
    vmain = vocab // 128 * 128
    tail = jnp.pad(wt[:, vmain:], ((0, 0), (0, 128 - (vocab - vmain))))
    out = _make_lookup(npos, nbatch, vocab)(xr, wt, tail)
    return out.transpose(2, 0, 1)

# --- scband reference (transcript-rebuilt; emitter-appended) ---
"""Pipeline reference for scband-token-embedding-56083682951799 (READ-ONLY COPY).

The authoritative reference and input builder live on the scoring server;
editing this copy changes nothing except your own understanding.
"""

import jax, jax.numpy as jnp
import numpy as np
import math

D_MODEL = 64
VOCAB_SIZE = 1000000

def setup_inputs(seed: int = 0) -> dict:
    key = jax.random.key(seed)
    k1, k2 = jax.random.split(key)
    x = jax.random.randint(k1, (4096, 200), 0, VOCAB_SIZE, dtype=jnp.int64)
    W = jax.random.normal(k2, (VOCAB_SIZE, D_MODEL), dtype=jnp.float32)
    return {"x": x, "W": W}

def reference(x, W):
    out = jnp.take(W, x, axis=0) * math.sqrt(D_MODEL)
    return out

if __name__ == "__main__":
    import jax
    _d = setup_inputs()
    print(jax.jit(kernel)(*tuple(_d.values())))

</pallas_src>

<mosaic_0001>
#map = affine_map<(d0, d1) -> (0, 0)>
#map1 = affine_map<(d0, d1) -> (0, 0, 0)>
module attributes {stable_mosaic.version = 14 : i64} {
  func.func @lookup(%arg0: i32, %arg1: i32, %arg2: memref<16x51200xi32, #tpu.memory_space<hbm>>, %arg3: memref<64x1000000xf32, #tpu.memory_space<hbm>>, %arg4: memref<64x128xf32, #tpu.memory_space<hbm>>, %arg5: memref<200x64x4096xf32, #tpu.memory_space<hbm>>, %arg6: memref<51200xi32, #tpu.memory_space<vmem>>, %arg7: memref<2560xf32, #tpu.memory_space<vmem>>, %arg8: memref<2560xf32, #tpu.memory_space<vmem>>, %arg9: memref<2560xf32, #tpu.memory_space<vmem>>, %arg10: memref<20x128xf32, #tpu.memory_space<vmem>>, %arg11: memref<20x128xf32, #tpu.memory_space<vmem>>, %arg12: memref<1000064xf32, #tpu.memory_space<vmem_shared>>, %arg13: memref<!tpu.dma_semaphore, #tpu.memory_space<semaphore_mem>>, %arg14: memref<!tpu.dma_semaphore, #tpu.memory_space<semaphore_mem>>, %arg15: memref<!tpu.dma_semaphore, #tpu.memory_space<semaphore_mem>>, %arg16: memref<!tpu.dma_semaphore, #tpu.memory_space<semaphore_mem>>) attributes {dimension_semantics = [#tpu.dimension_semantics<core_parallel>, #tpu.dimension_semantics<subcore_parallel>], iteration_bounds = array<i64: 2, 16>, scalar_prefetch = 0 : i64, scratch_operands = 11 : i64, tpu.core_type = #tpu.core_type<sc_vector_subcore>, window_params = [{transform_indices = #map}, {transform_indices = #map}, {transform_indices = #map}, {transform_indices = #map1}]} {
    %mul3A = arith.constant 256 : i32
    %mul3A_0 = arith.muli %arg1, %mul3A : i32
    "tpu.region"() ({
      %run_scoped3A = tpu.sem_alloc : memref<!tpu.dma_semaphore, #tpu.memory_space<semaphore_mem>>
      %dma_start3A = arith.constant 0 : i32
      %dma_start3A_34 = tpu.memref_slice %arg2[%arg1, %dma_start3A] : memref<16x51200xi32, #tpu.memory_space<hbm>> -> memref<1x51200xi32, #tpu.memory_space<hbm>>
      %dma_start3A_35 = tpu.memref_squeeze %dma_start3A_34 : memref<1x51200xi32, #tpu.memory_space<hbm>> -> memref<51200xi32, #tpu.memory_space<hbm>>
      %dma_start3A_36 = arith.constant 0 : i32
      %dma_start3A_37 = tpu.memref_slice %arg2[%arg1, %dma_start3A_36] : memref<16x51200xi32, #tpu.memory_space<hbm>> -> memref<1x51200xi32, #tpu.memory_space<hbm>>
      %dma_start3A_38 = tpu.memref_squeeze %dma_start3A_37 : memref<1x51200xi32, #tpu.memory_space<hbm>> -> memref<51200xi32, #tpu.memory_space<hbm>>
      tpu.enqueue_dma source(%dma_start3A_38 : memref<51200xi32, #tpu.memory_space<hbm>>) target(%arg6 : memref<51200xi32, #tpu.memory_space<vmem>>) target_semaphore(%run_scoped3A : memref<!tpu.dma_semaphore, #tpu.memory_space<semaphore_mem>>)
      %dma_wait3A_39 = arith.constant 0 : i32
      %dma_wait3A_40 = tpu.memref_slice %arg2[%arg1, %dma_wait3A_39] : memref<16x51200xi32, #tpu.memory_space<hbm>> -> memref<1x51200xi32, #tpu.memory_space<hbm>>
      %dma_wait3A_41 = tpu.memref_squeeze %dma_wait3A_40 : memref<1x51200xi32, #tpu.memory_space<hbm>> -> memref<51200xi32, #tpu.memory_space<hbm>>
      %dma_wait3A_42 = arith.constant 0 : i32
      %dma_wait3A_43 = tpu.memref_slice %arg2[%arg1, %dma_wait3A_42] : memref<16x51200xi32, #tpu.memory_space<hbm>> -> memref<1x51200xi32, #tpu.memory_space<hbm>>
      %dma_wait3A_44 = tpu.memref_squeeze %dma_wait3A_43 : memref<1x51200xi32, #tpu.memory_space<hbm>> -> memref<51200xi32, #tpu.memory_space<hbm>>
      tpu.wait_dma2 semaphore(%run_scoped3A : memref<!tpu.dma_semaphore, #tpu.memory_space<semaphore_mem>>) src(%dma_wait3A_44 : memref<51200xi32, #tpu.memory_space<hbm>>) dst(%arg6 : memref<51200xi32, #tpu.memory_space<vmem>>)
      tpu.yield
    }) : () -> ()
    %mul3A_1 = arith.constant 32 : i32
    %mul3A_2 = arith.muli %arg0, %mul3A_1 : i32
    %lt3A = arith.constant 15 : i32
    %lt3A_3 = arith.cmpi slt, %arg1, %lt3A : i32
    %convert_element_type3A = arith.extui %lt3A_3 : i1 to i32
    %cond3A = arith.constant 0 : i32
    %cond3A_4 = arith.cmpi ne, %convert_element_type3A, %cond3A : i32
    scf.if %cond3A_4 {
      %mul3A_34 = arith.constant 62464 : i32
      %mul3A_35 = arith.muli %arg1, %mul3A_34 : i32
      %mul3A_36 = arith.constant 62464 : i32
      %mul3A_37 = arith.muli %arg1, %mul3A_36 : i32
      %dma_start3A = tpu.memref_slice %arg12[%mul3A_37] : memref<1000064xf32, #tpu.memory_space<vmem_shared>> -> memref<62464xf32, #tpu.memory_space<vmem_shared>>
      %dma_start3A_38 = tpu.memref_slice %arg3[%mul3A_2, %mul3A_35] : memref<64x1000000xf32, #tpu.memory_space<hbm>> -> memref<1x62464xf32, #tpu.memory_space<hbm>>
      %dma_start3A_39 = tpu.memref_squeeze %dma_start3A_38 : memref<1x62464xf32, #tpu.memory_space<hbm>> -> memref<62464xf32, #tpu.memory_space<hbm>>
      tpu.enqueue_dma source(%dma_start3A_39 : memref<62464xf32, #tpu.memory_space<hbm>>) target(%dma_start3A : memref<62464xf32, #tpu.memory_space<vmem_shared>>) target_semaphore(%arg13 : memref<!tpu.dma_semaphore, #tpu.memory_space<semaphore_mem>>)
    } else {
    }
    %eq3A = arith.constant 15 : i32
    %eq3A_5 = arith.cmpi eq, %arg1, %eq3A : i32
    %convert_element_type3A_6 = arith.extui %eq3A_5 : i1 to i32
    %cond3A_7 = arith.constant 0 : i32
    %cond3A_8 = arith.cmpi ne, %convert_element_type3A_6, %cond3A_7 : i32
    scf.if %cond3A_8 {
      %dma_start3A = arith.constant 936960 : i32
      %dma_start3A_34 = tpu.memref_slice %arg12[%dma_start3A] : memref<1000064xf32, #tpu.memory_space<vmem_shared>> -> memref<62976xf32, #tpu.memory_space<vmem_shared>>
      %dma_start3A_35 = arith.constant 936960 : i32
      %dma_start3A_36 = tpu.memref_slice %arg3[%mul3A_2, %dma_start3A_35] : memref<64x1000000xf32, #tpu.memory_space<hbm>> -> memref<1x62976xf32, #tpu.memory_space<hbm>>
      %dma_start3A_37 = tpu.memref_squeeze %dma_start3A_36 : memref<1x62976xf32, #tpu.memory_space<hbm>> -> memref<62976xf32, #tpu.memory_space<hbm>>
      tpu.enqueue_dma source(%dma_start3A_37 : memref<62976xf32, #tpu.memory_space<hbm>>) target(%dma_start3A_34 : memref<62976xf32, #tpu.memory_space<vmem_shared>>) target_semaphore(%arg13 : memref<!tpu.dma_semaphore, #tpu.memory_space<semaphore_mem>>)
      %dma_start3A_38 = arith.constant 999936 : i32
      %dma_start3A_39 = tpu.memref_slice %arg12[%dma_start3A_38] : memref<1000064xf32, #tpu.memory_space<vmem_shared>> -> memref<128xf32, #tpu.memory_space<vmem_shared>>
      %dma_start3A_40 = arith.constant 0 : i32
      %dma_start3A_41 = tpu.memref_slice %arg4[%mul3A_2, %dma_start3A_40] : memref<64x128xf32, #tpu.memory_space<hbm>> -> memref<1x128xf32, #tpu.memory_space<hbm>>
      %dma_start3A_42 = tpu.memref_squeeze %dma_start3A_41 : memref<1x128xf32, #tpu.memory_space<hbm>> -> memref<128xf32, #tpu.memory_space<hbm>>
      tpu.enqueue_dma source(%dma_start3A_42 : memref<128xf32, #tpu.memory_space<hbm>>) target(%dma_start3A_39 : memref<128xf32, #tpu.memory_space<vmem_shared>>) target_semaphore(%arg13 : memref<!tpu.dma_semaphore, #tpu.memory_space<semaphore_mem>>)
    } else {
    }
    %scan3A = arith.constant 0 : i32
    %scan3A_9 = arith.constant 0 : i32
    %scan3A_10 = arith.constant 32 : i32
    %scan3A_11 = arith.addi %scan3A_9, %scan3A_10 : i32
    %scan3A_12 = arith.constant 1 : i32
    %scan3A_13 = scf.for %scan3A_34 = %scan3A_9 to %scan3A_11 step %scan3A_12 iter_args(%scan3A_35 = %scan3A) -> (i32)  : i32 {
      %mul3A_36 = arith.constant 32 : i32
      %mul3A_37 = arith.muli %arg0, %mul3A_36 : i32
      %add3A_38 = arith.addi %mul3A_37, %scan3A_34 : i32
      %lt3A_39 = arith.constant 15 : i32
      %lt3A_40 = arith.cmpi slt, %arg1, %lt3A_39 : i32
      %convert_element_type3A_41 = arith.extui %lt3A_40 : i1 to i32
      %cond3A_42 = arith.constant 0 : i32
      %cond3A_43 = arith.cmpi ne, %convert_element_type3A_41, %cond3A_42 : i32
      scf.if %cond3A_43 {
        %mul3A_126 = arith.constant 62464 : i32
        %mul3A_127 = arith.muli %arg1, %mul3A_126 : i32
        %mul3A_128 = arith.constant 62464 : i32
        %mul3A_129 = arith.muli %arg1, %mul3A_128 : i32
        %dma_wait3A_130 = tpu.memref_slice %arg12[%mul3A_129] : memref<1000064xf32, #tpu.memory_space<vmem_shared>> -> memref<62464xf32, #tpu.memory_space<vmem_shared>>
        %dma_wait3A_131 = tpu.memref_slice %arg3[%add3A_38, %mul3A_127] : memref<64x1000000xf32, #tpu.memory_space<hbm>> -> memref<1x62464xf32, #tpu.memory_space<hbm>>
        %dma_wait3A_132 = tpu.memref_squeeze %dma_wait3A_131 : memref<1x62464xf32, #tpu.memory_space<hbm>> -> memref<62464xf32, #tpu.memory_space<hbm>>
        tpu.wait_dma2 semaphore(%arg13 : memref<!tpu.dma_semaphore, #tpu.memory_space<semaphore_mem>>) src(%dma_wait3A_132 : memref<62464xf32, #tpu.memory_space<hbm>>) dst(%dma_wait3A_130 : memref<62464xf32, #tpu.memory_space<vmem_shared>>)
      } else {
      }
      %eq3A_44 = arith.constant 15 : i32
      %eq3A_45 = arith.cmpi eq, %arg1, %eq3A_44 : i32
      %convert_element_type3A_46 = arith.extui %eq3A_45 : i1 to i32
      %cond3A_47 = arith.constant 0 : i32
      %cond3A_48 = arith.cmpi ne, %convert_element_type3A_46, %cond3A_47 : i32
      scf.if %cond3A_48 {
        %dma_wait3A_126 = arith.constant 936960 : i32
        %dma_wait3A_127 = tpu.memref_slice %arg12[%dma_wait3A_126] : memref<1000064xf32, #tpu.memory_space<vmem_shared>> -> memref<62976xf32, #tpu.memory_space<vmem_shared>>
        %dma_wait3A_128 = arith.constant 936960 : i32
        %dma_wait3A_129 = tpu.memref_slice %arg3[%add3A_38, %dma_wait3A_128] : memref<64x1000000xf32, #tpu.memory_space<hbm>> -> memref<1x62976xf32, #tpu.memory_space<hbm>>
        %dma_wait3A_130 = tpu.memref_squeeze %dma_wait3A_129 : memref<1x62976xf32, #tpu.memory_space<hbm>> -> memref<62976xf32, #tpu.memory_space<hbm>>
        tpu.wait_dma2 semaphore(%arg13 : memref<!tpu.dma_semaphore, #tpu.memory_space<semaphore_mem>>) src(%dma_wait3A_130 : memref<62976xf32, #tpu.memory_space<hbm>>) dst(%dma_wait3A_127 : memref<62976xf32, #tpu.memory_space<vmem_shared>>)
        %dma_wait3A_131 = arith.constant 999936 : i32
        %dma_wait3A_132 = tpu.memref_slice %arg12[%dma_wait3A_131] : memref<1000064xf32, #tpu.memory_space<vmem_shared>> -> memref<128xf32, #tpu.memory_space<vmem_shared>>
        %dma_wait3A_133 = arith.constant 0 : i32
        %dma_wait3A_134 = tpu.memref_slice %arg4[%add3A_38, %dma_wait3A_133] : memref<64x128xf32, #tpu.memory_space<hbm>> -> memref<1x128xf32, #tpu.memory_space<hbm>>
        %dma_wait3A_135 = tpu.memref_squeeze %dma_wait3A_134 : memref<1x128xf32, #tpu.memory_space<hbm>> -> memref<128xf32, #tpu.memory_space<hbm>>
        tpu.wait_dma2 semaphore(%arg13 : memref<!tpu.dma_semaphore, #tpu.memory_space<semaphore_mem>>) src(%dma_wait3A_135 : memref<128xf32, #tpu.memory_space<hbm>>) dst(%dma_wait3A_132 : memref<128xf32, #tpu.memory_space<vmem_shared>>)
      } else {
      }
      %barrier3A = arith.constant 0 : index
      tpu.barrier barrier_id(%barrier3A)
      %dma_start3A = arith.constant 0 : i32
      %dma_start3A_49 = tpu.memref_slice %arg6[%dma_start3A] : memref<51200xi32, #tpu.memory_space<vmem>> -> memref<2560xi32, #tpu.memory_space<vmem>>
      %dma_start3A_50 = arith.constant 0 : i32
      %dma_start3A_51 = tpu.memref_slice %arg12[%dma_start3A_50] : memref<1000064xf32, #tpu.memory_space<vmem_shared>> -> memref<1000064xf32, #tpu.memory_space<vmem_shared>>
      tpu.enqueue_indirect_dma source(%dma_start3A_51 : memref<1000064xf32, #tpu.memory_space<vmem_shared>>) target(%arg7 : memref<2560xf32, #tpu.memory_space<vmem>>) offsets(%dma_start3A_49 : memref<2560xi32, #tpu.memory_space<vmem>>) semaphore(%arg14 : memref<!tpu.dma_semaphore, #tpu.memory_space<semaphore_mem>>)
      %dma_start3A_52 = arith.constant 2560 : i32
      %dma_start3A_53 = tpu.memref_slice %arg6[%dma_start3A_52] : memref<51200xi32, #tpu.memory_space<vmem>> -> memref<2560xi32, #tpu.memory_space<vmem>>
      %dma_start3A_54 = arith.constant 0 : i32
      %dma_start3A_55 = tpu.memref_slice %arg12[%dma_start3A_54] : memref<1000064xf32, #tpu.memory_space<vmem_shared>> -> memref<1000064xf32, #tpu.memory_space<vmem_shared>>
      tpu.enqueue_indirect_dma source(%dma_start3A_55 : memref<1000064xf32, #tpu.memory_space<vmem_shared>>) target(%arg8 : memref<2560xf32, #tpu.memory_space<vmem>>) offsets(%dma_start3A_53 : memref<2560xi32, #tpu.memory_space<vmem>>) semaphore(%arg14 : memref<!tpu.dma_semaphore, #tpu.memory_space<semaphore_mem>>)
      %scan3A_56 = arith.constant 0 : i32
      %scan3A_57 = arith.constant 0 : i32
      %scan3A_58 = arith.constant 3 : i32
      %scan3A_59 = arith.addi %scan3A_57, %scan3A_58 : i32
      %scan3A_60 = arith.constant 1 : i32
      %scan3A_61 = scf.for %scan3A_126 = %scan3A_57 to %scan3A_59 step %scan3A_60 iter_args(%scan3A_127 = %scan3A_56) -> (i32)  : i32 {
        %mul3A_128 = arith.constant 6 : i32
        %mul3A_129 = arith.muli %mul3A_128, %scan3A_126 : i32
        %add3A_130 = arith.constant 0 : i32
        %add3A_131 = arith.addi %mul3A_129, %add3A_130 : i32
        %mul3A_132 = arith.constant 2560 : i32
        %mul3A_133 = arith.muli %add3A_131, %mul3A_132 : i32
        %dma_wait3A_134 = tpu.memref_slice %arg6[%mul3A_133] : memref<51200xi32, #tpu.memory_space<vmem>> -> memref<2560xi32, #tpu.memory_space<vmem>>
        %dma_wait3A_135 = arith.constant 0 : i32
        %dma_wait3A_136 = tpu.memref_slice %arg12[%dma_wait3A_135] : memref<1000064xf32, #tpu.memory_space<vmem_shared>> -> memref<1000064xf32, #tpu.memory_space<vmem_shared>>
        tpu.wait_indirect_dma semaphore(%arg14 : memref<!tpu.dma_semaphore, #tpu.memory_space<semaphore_mem>>) src(%dma_wait3A_136 : memref<1000064xf32, #tpu.memory_space<vmem_shared>>) dst(%arg7 : memref<2560xf32, #tpu.memory_space<vmem>>)
        %add3A_137 = arith.constant 2 : i32
        %add3A_138 = arith.addi %add3A_131, %add3A_137 : i32
        %lt3A_139 = arith.constant 20 : i32
        %lt3A_140 = arith.cmpi slt, %add3A_138, %lt3A_139 : i32
        %convert_element_type3A_141 = arith.extui %lt3A_140 : i1 to i32
        %cond3A_142 = arith.constant 0 : i32
        %cond3A_143 = arith.cmpi ne, %convert_element_type3A_141, %cond3A_142 : i32
        scf.if %cond3A_143 {
          %add3A_599 = arith.constant 2 : i32
          %add3A_600 = arith.addi %add3A_131, %add3A_599 : i32
          %mul3A_601 = arith.constant 2560 : i32
          %mul3A_602 = arith.muli %add3A_600, %mul3A_601 : i32
          %dma_start3A_603 = tpu.memref_slice %arg6[%mul3A_602] : memref<51200xi32, #tpu.memory_space<vmem>> -> memref<2560xi32, #tpu.memory_space<vmem>>
          %dma_start3A_604 = arith.constant 0 : i32
          %dma_start3A_605 = tpu.memref_slice %arg12[%dma_start3A_604] : memref<1000064xf32, #tpu.memory_space<vmem_shared>> -> memref<1000064xf32, #tpu.memory_space<vmem_shared>>
          tpu.enqueue_indirect_dma source(%dma_start3A_605 : memref<1000064xf32, #tpu.memory_space<vmem_shared>>) target(%arg9 : memref<2560xf32, #tpu.memory_space<vmem>>) offsets(%dma_start3A_603 : memref<2560xi32, #tpu.memory_space<vmem>>) semaphore(%arg14 : memref<!tpu.dma_semaphore, #tpu.memory_space<semaphore_mem>>)
        } else {
        }
        %gt3A = arith.constant 0 : i32
        %gt3A_144 = arith.cmpi sgt, %scan3A_34, %gt3A : i32
        %ge3A = arith.constant 2 : i32
        %ge3A_145 = arith.cmpi sge, %add3A_131, %ge3A : i32
        %or3A = arith.ori %gt3A_144, %ge3A_145 : i1
        %convert_element_type3A_146 = arith.extui %or3A : i1 to i32
        %cond3A_147 = arith.constant 0 : i32
        %cond3A_148 = arith.cmpi ne, %convert_element_type3A_146, %cond3A_147 : i32
        scf.if %cond3A_148 {
          %ge3A_599 = arith.constant 2 : i32
          %ge3A_600 = arith.cmpi sge, %add3A_131, %ge3A_599 : i32
          %sub3A_601 = arith.constant 1 : i32
          %sub3A_602 = arith.subi %add3A_38, %sub3A_601 : i32
          %select_n3A_603 = arith.select %ge3A_600, %add3A_38, %sub3A_602 : i32
          %ge3A_604 = arith.constant 2 : i32
          %ge3A_605 = arith.cmpi sge, %add3A_131, %ge3A_604 : i32
          %sub3A_606 = arith.constant 2 : i32
          %sub3A_607 = arith.subi %add3A_131, %sub3A_606 : i32
          %add3A_608 = arith.constant 20 : i32
          %add3A_609 = arith.addi %add3A_131, %add3A_608 : i32
          %sub3A_610 = arith.constant 2 : i32
          %sub3A_611 = arith.subi %add3A_609, %sub3A_610 : i32
          %select_n3A_612 = arith.select %ge3A_605, %sub3A_607, %sub3A_611 : i32
          %jit3A_613 = arith.constant 10 : i32
          %div3A_614 = arith.divsi %select_n3A_612, %jit3A_613 : i32
          %sign3A_615 = arith.constant 0 : i32
          %sign3A_616 = arith.cmpi sgt, %select_n3A_612, %sign3A_615 : i32
          %sign3A_617 = arith.extui %sign3A_616 : i1 to i32
          %sign3A_618 = arith.constant 0 : i32
          %sign3A_619 = arith.cmpi slt, %select_n3A_612, %sign3A_618 : i32
          %sign3A_620 = arith.extui %sign3A_619 : i1 to i32
          %sign3A_621 = arith.subi %sign3A_617, %sign3A_620 : i32
          %sign3A_622 = arith.constant 0 : i32
          %sign3A_623 = arith.cmpi sgt, %jit3A_613, %sign3A_622 : i32
          %sign3A_624 = arith.extui %sign3A_623 : i1 to i32
          %sign3A_625 = arith.constant 0 : i32
          %sign3A_626 = arith.cmpi slt, %jit3A_613, %sign3A_625 : i32
          %sign3A_627 = arith.extui %sign3A_626 : i1 to i32
          %sign3A_628 = arith.subi %sign3A_624, %sign3A_627 : i32
          %ne3A_629 = arith.cmpi ne, %sign3A_621, %sign3A_628 : i32
          %rem3A_630 = arith.remsi %select_n3A_612, %jit3A_613 : i32
          %ne3A_631 = arith.constant 0 : i32
          %ne3A_632 = arith.cmpi ne, %rem3A_630, %ne3A_631 : i32
          %and3A_633 = arith.andi %ne3A_629, %ne3A_632 : i1
          %sub3A_634 = arith.constant 1 : i32
          %sub3A_635 = arith.subi %div3A_614, %sub3A_634 : i32
          %select_n3A_636 = arith.select %and3A_633, %sub3A_635, %div3A_614 : i32
          %jit3A_637 = arith.constant 10 : i32
          %eq3A_638 = arith.constant 0 : i32
          %eq3A_639 = arith.cmpi eq, %jit3A_637, %eq3A_638 : i32
          %jit3A_640 = arith.constant 1 : i32
          %select_n3A_641 = arith.select %eq3A_639, %jit3A_640, %jit3A_637 : i32
          %rem3A_642 = arith.remsi %select_n3A_612, %select_n3A_641 : i32
          %ne3A_643 = arith.constant 0 : i32
          %ne3A_644 = arith.cmpi ne, %rem3A_642, %ne3A_643 : i32
          %lt3A_645 = arith.constant 0 : i32
          %lt3A_646 = arith.cmpi slt, %rem3A_642, %lt3A_645 : i32
          %lt3A_647 = arith.constant 0 : i32
          %lt3A_648 = arith.cmpi slt, %select_n3A_641, %lt3A_647 : i32
          %ne3A_649 = arith.xori %lt3A_646, %lt3A_648 : i1
          %and3A_650 = arith.andi %ne3A_649, %ne3A_644 : i1
          %add3A_651 = arith.addi %rem3A_642, %select_n3A_641 : i32
          %select_n3A_652 = arith.select %and3A_650, %add3A_651, %rem3A_642 : i32
          %mul3A_653 = arith.constant 20 : i32
          %mul3A_654 = arith.muli %select_n3A_652, %mul3A_653 : i32
          %mul3A_655 = arith.constant 128 : i32
          %mul3A_656 = arith.muli %select_n3A_636, %mul3A_655 : i32
          %add3A_657 = arith.addi %mul3A_0, %mul3A_656 : i32
          %dma_wait3A_658 = tpu.memref_slice %arg5[%mul3A_654, %select_n3A_603, %add3A_657] : memref<200x64x4096xf32, #tpu.memory_space<hbm>> -> memref<20x1x128xf32, #tpu.memory_space<hbm>>
          %dma_wait3A_659 = tpu.memref_squeeze %dma_wait3A_658 : memref<20x1x128xf32, #tpu.memory_space<hbm>> -> memref<20x128xf32, #tpu.memory_space<hbm>>
          %dma_wait3A_660 = tpu.memref_slice %arg5[%mul3A_654, %select_n3A_603, %add3A_657] : memref<200x64x4096xf32, #tpu.memory_space<hbm>> -> memref<20x1x128xf32, #tpu.memory_space<hbm>>
          %dma_wait3A_661 = tpu.memref_squeeze %dma_wait3A_660 : memref<20x1x128xf32, #tpu.memory_space<hbm>> -> memref<20x128xf32, #tpu.memory_space<hbm>>
          tpu.wait_dma2 semaphore(%arg15 : memref<!tpu.dma_semaphore, #tpu.memory_space<semaphore_mem>>) src(%arg10 : memref<20x128xf32, #tpu.memory_space<vmem>>) dst(%dma_wait3A_661 : memref<20x128xf32, #tpu.memory_space<hbm>>)
        } else {
        }
        %scan3A_149 = arith.constant 0 : i32
        %scan3A_150 = arith.constant 0 : i32
        %scan3A_151 = arith.constant 20 : i32
        %scan3A_152 = arith.addi %scan3A_150, %scan3A_151 : i32
        %scan3A_153 = arith.constant 1 : i32
        %scan3A_154 = scf.for %scan3A_599 = %scan3A_150 to %scan3A_152 step %scan3A_153 iter_args(%scan3A_600 = %scan3A_149) -> (i32)  : i32 {
          %mul3A_601 = arith.constant 128 : i32
          %mul3A_602 = arith.muli %scan3A_599, %mul3A_601 : i32
          %add3A_603 = arith.constant 0 : i32
          %add3A_604 = arith.addi %mul3A_602, %add3A_603 : i32
          %get3A = arith.index_cast %add3A_604 : i32 to index
          %get3A_605 = tpu.vector_load %arg7[%get3A] {strides = array<i32>} : memref<2560xf32, #tpu.memory_space<vmem>>, vector<16xf32>,
          %get3A_606 = vector.shape_cast %get3A_605 : vector<16xf32> to vector<16xf32>
          %mul3A_607 = arith.constant 8.000000e+00 : f32
          %mul3A_608 = vector.broadcast %mul3A_607 : f32 to vector<16xf32>
          %mul3A_609 = arith.mulf %get3A_606, %mul3A_608 : vector<16xf32>
          %swap3A = arith.index_cast %scan3A_599 : i32 to index
          %swap3A_610 = arith.constant 0 : index
          %swap3A_611 = tpu.vector_load %arg10[%swap3A, %swap3A_610] {strides = array<i32>} : memref<20x128xf32, #tpu.memory_space<vmem>>, vector<1x16xf32>,
          %swap3A_612 = vector.shape_cast %swap3A_611 : vector<1x16xf32> to vector<16xf32>
          %swap3A_613 = vector.shape_cast %mul3A_609 : vector<16xf32> to vector<1x16xf32>
          tpu.vector_store %arg10[%swap3A, %swap3A_610], %swap3A_613 {strides = array<i32>} : memref<20x128xf32, #tpu.memory_space<vmem>>, vector<1x16xf32>,
          %mul3A_614 = arith.constant 128 : i32
          %mul3A_615 = arith.muli %scan3A_599, %mul3A_614 : i32
          %add3A_616 = arith.constant 16 : i32
          %add3A_617 = arith.addi %mul3A_615, %add3A_616 : i32
          %get3A_618 = arith.index_cast %add3A_617 : i32 to index
          %get3A_619 = tpu.vector_load %arg7[%get3A_618] {strides = array<i32>} : memref<2560xf32, #tpu.memory_space<vmem>>, vector<16xf32>,
          %get3A_620 = vector.shape_cast %get3A_619 : vector<16xf32> to vector<16xf32>
          %mul3A_621 = arith.constant 8.000000e+00 : f32
          %mul3A_622 = vector.broadcast %mul3A_621 : f32 to vector<16xf32>
          %mul3A_623 = arith.mulf %get3A_620, %mul3A_622 : vector<16xf32>
          %swap3A_624 = arith.index_cast %scan3A_599 : i32 to index
          %swap3A_625 = arith.constant 16 : index
          %swap3A_626 = tpu.vector_load %arg10[%swap3A_624, %swap3A_625] {strides = array<i32>} : memref<20x128xf32, #tpu.memory_space<vmem>>, vector<1x16xf32>,
          %swap3A_627 = vector.shape_cast %swap3A_626 : vector<1x16xf32> to vector<16xf32>
          %swap3A_628 = vector.shape_cast %mul3A_623 : vector<16xf32> to vector<1x16xf32>
          tpu.vector_store %arg10[%swap3A_624, %swap3A_625], %swap3A_628 {strides = array<i32>} : memref<20x128xf32, #tpu.memory_space<vmem>>, vector<1x16xf32>,
          %mul3A_629 = arith.constant 128 : i32
          %mul3A_630 = arith.muli %scan3A_599, %mul3A_629 : i32
          %add3A_631 = arith.constant 32 : i32
          %add3A_632 = arith.addi %mul3A_630, %add3A_631 : i32
          %get3A_633 = arith.index_cast %add3A_632 : i32 to index
          %get3A_634 = tpu.vector_load %arg7[%get3A_633] {strides = array<i32>} : memref<2560xf32, #tpu.memory_space<vmem>>, vector<16xf32>,
          %get3A_635 = vector.shape_cast %get3A_634 : vector<16xf32> to vector<16xf32>
          %mul3A_636 = arith.constant 8.000000e+00 : f32
          %mul3A_637 = vector.broadcast %mul3A_636 : f32 to vector<16xf32>
          %mul3A_638 = arith.mulf %get3A_635, %mul3A_637 : vector<16xf32>
          %swap3A_639 = arith.index_cast %scan3A_599 : i32 to index
          %swap3A_640 = arith.constant 32 : index
          %swap3A_641 = tpu.vector_load %arg10[%swap3A_639, %swap3A_640] {strides = array<i32>} : memref<20x128xf32, #tpu.memory_space<vmem>>, vector<1x16xf32>,
          %swap3A_642 = vector.shape_cast %swap3A_641 : vector<1x16xf32> to vector<16xf32>
          %swap3A_643 = vector.shape_cast %mul3A_638 : vector<16xf32> to vector<1x16xf32>
          tpu.vector_store %arg10[%swap3A_639, %swap3A_640], %swap3A_643 {strides = array<i32>} : memref<20x128xf32, #tpu.memory_space<vmem>>, vector<1x16xf32>,
          %mul3A_644 = arith.constant 128 : i32
          %mul3A_645 = arith.muli %scan3A_599, %mul3A_644 : i32
          %add3A_646 = arith.constant 48 : i32
          %add3A_647 = arith.addi %mul3A_645, %add3A_646 : i32
          %get3A_648 = arith.index_cast %add3A_647 : i32 to index
          %get3A_649 = tpu.vector_load %arg7[%get3A_648] {strides = array<i32>} : memref<2560xf32, #tpu.memory_space<vmem>>, vector<16xf32>,
          %get3A_650 = vector.shape_cast %get3A_649 : vector<16xf32> to vector<16xf32>
          %mul3A_651 = arith.constant 8.000000e+00 : f32
          %mul3A_652 = vector.broadcast %mul3A_651 : f32 to vector<16xf32>
          %mul3A_653 = arith.mulf %get3A_650, %mul3A_652 : vector<16xf32>
          %swap3A_654 = arith.index_cast %scan3A_599 : i32 to index
          %swap3A_655 = arith.constant 48 : index
          %swap3A_656 = tpu.vector_load %arg10[%swap3A_654, %swap3A_655] {strides = array<i32>} : memref<20x128xf32, #tpu.memory_space<vmem>>, vector<1x16xf32>,
          %swap3A_657 = vector.shape_cast %swap3A_656 : vector<1x16xf32> to vector<16xf32>
          %swap3A_658 = vector.shape_cast %mul3A_653 : vector<16xf32> to vector<1x16xf32>
          tpu.vector_store %arg10[%swap3A_654, %swap3A_655], %swap3A_658 {strides = array<i32>} : memref<20x128xf32, #tpu.memory_space<vmem>>, vector<1x16xf32>,
          %mul3A_659 = arith.constant 128 : i32
          %mul3A_660 = arith.muli %scan3A_599, %mul3A_659 : i32
          %add3A_661 = arith.constant 64 : i32
          %add3A_662 = arith.addi %mul3A_660, %add3A_661 : i32
          %get3A_663 = arith.index_cast %add3A_662 : i32 to index
          %get3A_664 = tpu.vector_load %arg7[%get3A_663] {strides = array<i32>} : memref<2560xf32, #tpu.memory_space<vmem>>, vector<16xf32>,
          %get3A_665 = vector.shape_cast %get3A_664 : vector<16xf32> to vector<16xf32>
          %mul3A_666 = arith.constant 8.000000e+00 : f32
          %mul3A_667 = vector.broadcast %mul3A_666 : f32 to vector<16xf32>
          %mul3A_668 = arith.mulf %get3A_665, %mul3A_667 : vector<16xf32>
          %swap3A_669 = arith.index_cast %scan3A_599 : i32 to index
          %swap3A_670 = arith.constant 64 : index
          %swap3A_671 = tpu.vector_load %arg10[%swap3A_669, %swap3A_670] {strides = array<i32>} : memref<20x128xf32, #tpu.memory_space<vmem>>, vector<1x16xf32>,
          %swap3A_672 = vector.shape_cast %swap3A_671 : vector<1x16xf32> to vector<16xf32>
          %swap3A_673 = vector.shape_cast %mul3A_668 : vector<16xf32> to vector<1x16xf32>
          tpu.vector_store %arg10[%swap3A_669, %swap3A_670], %swap3A_673 {strides = array<i32>} : memref<20x128xf32, #tpu.memory_space<vmem>>, vector<1x16xf32>,
          %mul3A_674 = arith.constant 128 : i32
          %mul3A_675 = arith.muli %scan3A_599, %mul3A_674 : i32
          %add3A_676 = arith.constant 80 : i32
          %add3A_677 = arith.addi %mul3A_675, %add3A_676 : i32
          %get3A_678 = arith.index_cast %add3A_677 : i32 to index
          %get3A_679 = tpu.vector_load %arg7[%get3A_678] {strides = array<i32>} : memref<2560xf32, #tpu.memory_space<vmem>>, vector<16xf32>,
          %get3A_680 = vector.shape_cast %get3A_679 : vector<16xf32> to vector<16xf32>
          %mul3A_681 = arith.constant 8.000000e+00 : f32
          %mul3A_682 = vector.broadcast %mul3A_681 : f32 to vector<16xf32>
          %mul3A_683 = arith.mulf %get3A_680, %mul3A_682 : vector<16xf32>
          %swap3A_684 = arith.index_cast %scan3A_599 : i32 to index
          %swap3A_685 = arith.constant 80 : index
          %swap3A_686 = tpu.vector_load %arg10[%swap3A_684, %swap3A_685] {strides = array<i32>} : memref<20x128xf32, #tpu.memory_space<vmem>>, vector<1x16xf32>,
          %swap3A_687 = vector.shape_cast %swap3A_686 : vector<1x16xf32> to vector<16xf32>
          %swap3A_688 = vector.shape_cast %mul3A_683 : vector<16xf32> to vector<1x16xf32>
          tpu.vector_store %arg10[%swap3A_684, %swap3A_685], %swap3A_688 {strides = array<i32>} : memref<20x128xf32, #tpu.memory_space<vmem>>, vector<1x16xf32>,
          %mul3A_689 = arith.constant 128 : i32
          %mul3A_690 = arith.muli %scan3A_599, %mul3A_689 : i32
          %add3A_691 = arith.constant 96 : i32
          %add3A_692 = arith.addi %mul3A_690, %add3A_691 : i32
          %get3A_693 = arith.index_cast %add3A_692 : i32 to index
          %get3A_694 = tpu.vector_load %arg7[%get3A_693] {strides = array<i32>} : memref<2560xf32, #tpu.memory_space<vmem>>, vector<16xf32>,
          %get3A_695 = vector.shape_cast %get3A_694 : vector<16xf32> to vector<16xf32>
          %mul3A_696 = arith.constant 8.000000e+00 : f32
          %mul3A_697 = vector.broadcast %mul3A_696 : f32 to vector<16xf32>
          %mul3A_698 = arith.mulf %get3A_695, %mul3A_697 : vector<16xf32>
          %swap3A_699 = arith.index_cast %scan3A_599 : i32 to index
          %swap3A_700 = arith.constant 96 : index
          %swap3A_701 = tpu.vector_load %arg10[%swap3A_699, %swap3A_700] {strides = array<i32>} : memref<20x128xf32, #tpu.memory_space<vmem>>, vector<1x16xf32>,
          %swap3A_702 = vector.shape_cast %swap3A_701 : vector<1x16xf32> to vector<16xf32>
          %swap3A_703 = vector.shape_cast %mul3A_698 : vector<16xf32> to vector<1x16xf32>
          tpu.vector_store %arg10[%swap3A_699, %swap3A_700], %swap3A_703 {strides = array<i32>} : memref<20x128xf32, #tpu.memory_space<vmem>>, vector<1x16xf32>,
          %mul3A_704 = arith.constant 128 : i32
          %mul3A_705 = arith.muli %scan3A_599, %mul3A_704 : i32
          %add3A_706 = arith.constant 112 : i32
          %add3A_707 = arith.addi %mul3A_705, %add3A_706 : i32
          %get3A_708 = arith.index_cast %add3A_707 : i32 to index
          %get3A_709 = tpu.vector_load %arg7[%get3A_708] {strides = array<i32>} : memref<2560xf32, #tpu.memory_space<vmem>>, vector<16xf32>,
          %get3A_710 = vector.shape_cast %get3A_709 : vector<16xf32> to vector<16xf32>
          %mul3A_711 = arith.constant 8.000000e+00 : f32
          %mul3A_712 = vector.broadcast %mul3A_711 : f32 to vector<16xf32>
          %mul3A_713 = arith.mulf %get3A_710, %mul3A_712 : vector<16xf32>
          %swap3A_714 = arith.index_cast %scan3A_599 : i32 to index
          %swap3A_715 = arith.constant 112 : index
          %swap3A_716 = tpu.vector_load %arg10[%swap3A_714, %swap3A_715] {strides = array<i32>} : memref<20x128xf32, #tpu.memory_space<vmem>>, vector<1x16xf32>,
          %swap3A_717 = vector.shape_cast %swap3A_716 : vector<1x16xf32> to vector<16xf32>
          %swap3A_718 = vector.shape_cast %mul3A_713 : vector<16xf32> to vector<1x16xf32>
          tpu.vector_store %arg10[%swap3A_714, %swap3A_715], %swap3A_718 {strides = array<i32>} : memref<20x128xf32, #tpu.memory_space<vmem>>, vector<1x16xf32>,
          %scan3A_719 = arith.constant 0 : i32
          scf.yield %scan3A_719 : i32
        }
        %scan3A_155 = arith.constant 20 : i32
        %jit3A = arith.constant 10 : i32
        %div3A = arith.divsi %add3A_131, %jit3A : i32
        %sign3A = arith.constant 0 : i32
        %sign3A_156 = arith.cmpi sgt, %add3A_131, %sign3A : i32
        %sign3A_157 = arith.extui %sign3A_156 : i1 to i32
        %sign3A_158 = arith.constant 0 : i32
        %sign3A_159 = arith.cmpi slt, %add3A_131, %sign3A_158 : i32
        %sign3A_160 = arith.extui %sign3A_159 : i1 to i32
        %sign3A_161 = arith.subi %sign3A_157, %sign3A_160 : i32
        %sign3A_162 = arith.constant 0 : i32
        %sign3A_163 = arith.cmpi sgt, %jit3A, %sign3A_162 : i32
        %sign3A_164 = arith.extui %sign3A_163 : i1 to i32
        %sign3A_165 = arith.constant 0 : i32
        %sign3A_166 = arith.cmpi slt, %jit3A, %sign3A_165 : i32
        %sign3A_167 = arith.extui %sign3A_166 : i1 to i32
        %sign3A_168 = arith.subi %sign3A_164, %sign3A_167 : i32
        %ne3A = arith.cmpi ne, %sign3A_161, %sign3A_168 : i32
        %rem3A = arith.remsi %add3A_131, %jit3A : i32
        %ne3A_169 = arith.constant 0 : i32
        %ne3A_170 = arith.cmpi ne, %rem3A, %ne3A_169 : i32
        %and3A = arith.andi %ne3A, %ne3A_170 : i1
        %sub3A_171 = arith.constant 1 : i32
        %sub3A_172 = arith.subi %div3A, %sub3A_171 : i32
        %select_n3A = arith.select %and3A, %sub3A_172, %div3A : i32
        %jit3A_173 = arith.constant 10 : i32
        %eq3A_174 = arith.constant 0 : i32
        %eq3A_175 = arith.cmpi eq, %jit3A_173, %eq3A_174 : i32
        %jit3A_176 = arith.constant 1 : i32
        %select_n3A_177 = arith.select %eq3A_175, %jit3A_176, %jit3A_173 : i32
        %rem3A_178 = arith.remsi %add3A_131, %select_n3A_177 : i32
        %ne3A_179 = arith.constant 0 : i32
        %ne3A_180 = arith.cmpi ne, %rem3A_178, %ne3A_179 : i32
        %lt3A_181 = arith.constant 0 : i32
        %lt3A_182 = arith.cmpi slt, %rem3A_178, %lt3A_181 : i32
        %lt3A_183 = arith.constant 0 : i32
        %lt3A_184 = arith.cmpi slt, %select_n3A_177, %lt3A_183 : i32
        %ne3A_185 = arith.xori %lt3A_182, %lt3A_184 : i1
        %and3A_186 = arith.andi %ne3A_185, %ne3A_180 : i1
        %add3A_187 = arith.addi %rem3A_178, %select_n3A_177 : i32
        %select_n3A_188 = arith.select %and3A_186, %add3A_187, %rem3A_178 : i32
        %mul3A_189 = arith.constant 20 : i32
        %mul3A_190 = arith.muli %select_n3A_188, %mul3A_189 : i32
        %mul3A_191 = arith.constant 128 : i32
        %mul3A_192 = arith.muli %select_n3A, %mul3A_191 : i32
        %add3A_193 = arith.addi %mul3A_0, %mul3A_192 : i32
        %dma_start3A_194 = tpu.memref_slice %arg5[%mul3A_190, %add3A_38, %add3A_193] : memref<200x64x4096xf32, #tpu.memory_space<hbm>> -> memref<20x1x128xf32, #tpu.memory_space<hbm>>
        %dma_start3A_195 = tpu.memref_squeeze %dma_start3A_194 : memref<20x1x128xf32, #tpu.memory_space<hbm>> -> memref<20x128xf32, #tpu.memory_space<hbm>>
        %dma_start3A_196 = tpu.memref_slice %arg5[%mul3A_190, %add3A_38, %add3A_193] : memref<200x64x4096xf32, #tpu.memory_space<hbm>> -> memref<20x1x128xf32, #tpu.memory_space<hbm>>
        %dma_start3A_197 = tpu.memref_squeeze %dma_start3A_196 : memref<20x1x128xf32, #tpu.memory_space<hbm>> -> memref<20x128xf32, #tpu.memory_space<hbm>>
        tpu.enqueue_dma source(%arg10 : memref<20x128xf32, #tpu.memory_space<vmem>>) target(%dma_start3A_197 : memref<20x128xf32, #tpu.memory_space<hbm>>) target_semaphore(%arg15 : memref<!tpu.dma_semaphore, #tpu.memory_space<semaphore_mem>>)
        %mul3A_198 = arith.constant 6 : i32
        %mul3A_199 = arith.muli %mul3A_198, %scan3A_126 : i32
        %add3A_200 = arith.constant 1 : i32
        %add3A_201 = arith.addi %mul3A_199, %add3A_200 : i32
        %mul3A_202 = arith.constant 2560 : i32
        %mul3A_203 = arith.muli %add3A_201, %mul3A_202 : i32
        %dma_wait3A_204 = tpu.memref_slice %arg6[%mul3A_203] : memref<51200xi32, #tpu.memory_space<vmem>> -> memref<2560xi32, #tpu.memory_space<vmem>>
        %dma_wait3A_205 = arith.constant 0 : i32
        %dma_wait3A_206 = tpu.memref_slice %arg12[%dma_wait3A_205] : memref<1000064xf32, #tpu.memory_space<vmem_shared>> -> memref<1000064xf32, #tpu.memory_space<vmem_shared>>
        tpu.wait_indirect_dma semaphore(%arg14 : memref<!tpu.dma_semaphore, #tpu.memory_space<semaphore_mem>>) src(%dma_wait3A_206 : memref<1000064xf32, #tpu.memory_space<vmem_shared>>) dst(%arg8 : memref<2560xf32, #tpu.memory_space<vmem>>)
        %add3A_207 = arith.constant 2 : i32
        %add3A_208 = arith.addi %add3A_201, %add3A_207 : i32
        %lt3A_209 = arith.constant 20 : i32
        %lt3A_210 = arith.cmpi slt, %add3A_208, %lt3A_209 : i32
        %convert_element_type3A_211 = arith.extui %lt3A_210 : i1 to i32
        %cond3A_212 = arith.constant 0 : i32
        %cond3A_213 = arith.cmpi ne, %convert_element_type3A_211, %cond3A_212 : i32
        scf.if %cond3A_213 {
          %add3A_599 = arith.constant 2 : i32
          %add3A_600 = arith.addi %add3A_201, %add3A_599 : i32
          %mul3A_601 = arith.constant 2560 : i32
          %mul3A_602 = arith.muli %add3A_600, %mul3A_601 : i32
          %dma_start3A_603 = tpu.memref_slice %arg6[%mul3A_602] : memref<51200xi32, #tpu.memory_space<vmem>> -> memref<2560xi32, #tpu.memory_space<vmem>>
          %dma_start3A_604 = arith.constant 0 : i32
          %dma_start3A_605 = tpu.memref_slice %arg12[%dma_start3A_604] : memref<1000064xf32, #tpu.memory_space<vmem_shared>> -> memref<1000064xf32, #tpu.memory_space<vmem_shared>>
          tpu.enqueue_indirect_dma source(%dma_start3A_605 : memref<1000064xf32, #tpu.memory_space<vmem_shared>>) target(%arg7 : memref<2560xf32, #tpu.memory_space<vmem>>) offsets(%dma_start3A_603 : memref<2560xi32, #tpu.memory_space<vmem>>) semaphore(%arg14 : memref<!tpu.dma_semaphore, #tpu.memory_space<semaphore_mem>>)
        } else {
        }
        %gt3A_214 = arith.constant 0 : i32
        %gt3A_215 = arith.cmpi sgt, %scan3A_34, %gt3A_214 : i32
        %ge3A_216 = arith.constant 2 : i32
        %ge3A_217 = arith.cmpi sge, %add3A_201, %ge3A_216 : i32
        %or3A_218 = arith.ori %gt3A_215, %ge3A_217 : i1
        %convert_element_type3A_219 = arith.extui %or3A_218 : i1 to i32
        %cond3A_220 = arith.constant 0 : i32
        %cond3A_221 = arith.cmpi ne, %convert_element_type3A_219, %cond3A_220 : i32
        scf.if %cond3A_221 {
          %ge3A_599 = arith.constant 2 : i32
          %ge3A_600 = arith.cmpi sge, %add3A_201, %ge3A_599 : i32
          %sub3A_601 = arith.constant 1 : i32
          %sub3A_602 = arith.subi %add3A_38, %sub3A_601 : i32
          %select_n3A_603 = arith.select %ge3A_600, %add3A_38, %sub3A_602 : i32
          %ge3A_604 = arith.constant 2 : i32
          %ge3A_605 = arith.cmpi sge, %add3A_201, %ge3A_604 : i32
          %sub3A_606 = arith.constant 2 : i32
          %sub3A_607 = arith.subi %add3A_201, %sub3A_606 : i32
          %add3A_608 = arith.constant 20 : i32
          %add3A_609 = arith.addi %add3A_201, %add3A_608 : i32
          %sub3A_610 = arith.constant 2 : i32
          %sub3A_611 = arith.subi %add3A_609, %sub3A_610 : i32
          %select_n3A_612 = arith.select %ge3A_605, %sub3A_607, %sub3A_611 : i32
          %jit3A_613 = arith.constant 10 : i32
          %div3A_614 = arith.divsi %select_n3A_612, %jit3A_613 : i32
          %sign3A_615 = arith.constant 0 : i32
          %sign3A_616 = arith.cmpi sgt, %select_n3A_612, %sign3A_615 : i32
          %sign3A_617 = arith.extui %sign3A_616 : i1 to i32
          %sign3A_618 = arith.constant 0 : i32
          %sign3A_619 = arith.cmpi slt, %select_n3A_612, %sign3A_618 : i32
          %sign3A_620 = arith.extui %sign3A_619 : i1 to i32
          %sign3A_621 = arith.subi %sign3A_617, %sign3A_620 : i32
          %sign3A_622 = arith.constant 0 : i32
          %sign3A_623 = arith.cmpi sgt, %jit3A_613, %sign3A_622 : i32
          %sign3A_624 = arith.extui %sign3A_623 : i1 to i32
          %sign3A_625 = arith.constant 0 : i32
          %sign3A_626 = arith.cmpi slt, %jit3A_613, %sign3A_625 : i32
          %sign3A_627 = arith.extui %sign3A_626 : i1 to i32
          %sign3A_628 = arith.subi %sign3A_624, %sign3A_627 : i32
          %ne3A_629 = arith.cmpi ne, %sign3A_621, %sign3A_628 : i32
          %rem3A_630 = arith.remsi %select_n3A_612, %jit3A_613 : i32
          %ne3A_631 = arith.constant 0 : i32
          %ne3A_632 = arith.cmpi ne, %rem3A_630, %ne3A_631 : i32
          %and3A_633 = arith.andi %ne3A_629, %ne3A_632 : i1
          %sub3A_634 = arith.constant 1 : i32
          %sub3A_635 = arith.subi %div3A_614, %sub3A_634 : i32
          %select_n3A_636 = arith.select %and3A_633, %sub3A_635, %div3A_614 : i32
          %jit3A_637 = arith.constant 10 : i32
          %eq3A_638 = arith.constant 0 : i32
          %eq3A_639 = arith.cmpi eq, %jit3A_637, %eq3A_638 : i32
          %jit3A_640 = arith.constant 1 : i32
          %select_n3A_641 = arith.select %eq3A_639, %jit3A_640, %jit3A_637 : i32
          %rem3A_642 = arith.remsi %select_n3A_612, %select_n3A_641 : i32
          %ne3A_643 = arith.constant 0 : i32
          %ne3A_644 = arith.cmpi ne, %rem3A_642, %ne3A_643 : i32
          %lt3A_645 = arith.constant 0 : i32
          %lt3A_646 = arith.cmpi slt, %rem3A_642, %lt3A_645 : i32
          %lt3A_647 = arith.constant 0 : i32
          %lt3A_648 = arith.cmpi slt, %select_n3A_641, %lt3A_647 : i32
          %ne3A_649 = arith.xori %lt3A_646, %lt3A_648 : i1
          %and3A_650 = arith.andi %ne3A_649, %ne3A_644 : i1
          %add3A_651 = arith.addi %rem3A_642, %select_n3A_641 : i32
          %select_n3A_652 = arith.select %and3A_650, %add3A_651, %rem3A_642 : i32
          %mul3A_653 = arith.constant 20 : i32
          %mul3A_654 = arith.muli %select_n3A_652, %mul3A_653 : i32
          %mul3A_655 = arith.constant 128 : i32
          %mul3A_656 = arith.muli %select_n3A_636, %mul3A_655 : i32
          %add3A_657 = arith.addi %mul3A_0, %mul3A_656 : i32
          %dma_wait3A_658 = tpu.memref_slice %arg5[%mul3A_654, %select_n3A_603, %add3A_657] : memref<200x64x4096xf32, #tpu.memory_space<hbm>> -> memref<20x1x128xf32, #tpu.memory_space<hbm>>
          %dma_wait3A_659 = tpu.memref_squeeze %dma_wait3A_658 : memref<20x1x128xf32, #tpu.memory_space<hbm>> -> memref<20x128xf32, #tpu.memory_space<hbm>>
          %dma_wait3A_660 = tpu.memref_slice %arg5[%mul3A_654, %select_n3A_603, %add3A_657] : memref<200x64x4096xf32, #tpu.memory_space<hbm>> -> memref<20x1x128xf32, #tpu.memory_space<hbm>>
          %dma_wait3A_661 = tpu.memref_squeeze %dma_wait3A_660 : memref<20x1x128xf32, #tpu.memory_space<hbm>> -> memref<20x128xf32, #tpu.memory_space<hbm>>
          tpu.wait_dma2 semaphore(%arg16 : memref<!tpu.dma_semaphore, #tpu.memory_space<semaphore_mem>>) src(%arg11 : memref<20x128xf32, #tpu.memory_space<vmem>>) dst(%dma_wait3A_661 : memref<20x128xf32, #tpu.memory_space<hbm>>)
        } else {
        }
        %scan3A_222 = arith.constant 0 : i32
        %scan3A_223 = arith.constant 0 : i32
        %scan3A_224 = arith.constant 20 : i32
        %scan3A_225 = arith.addi %scan3A_223, %scan3A_224 : i32
        %scan3A_226 = arith.constant 1 : i32
        %scan3A_227 = scf.for %scan3A_599 = %scan3A_223 to %scan3A_225 step %scan3A_226 iter_args(%scan3A_600 = %scan3A_222) -> (i32)  : i32 {
          %mul3A_601 = arith.constant 128 : i32
          %mul3A_602 = arith.muli %scan3A_599, %mul3A_601 : i32
          %add3A_603 = arith.constant 0 : i32
          %add3A_604 = arith.addi %mul3A_602, %add3A_603 : i32
          %get3A = arith.index_cast %add3A_604 : i32 to index
          %get3A_605 = tpu.vector_load %arg8[%get3A] {strides = array<i32>} : memref<2560xf32, #tpu.memory_space<vmem>>, vector<16xf32>,
          %get3A_606 = vector.shape_cast %get3A_605 : vector<16xf32> to vector<16xf32>
          %mul3A_607 = arith.constant 8.000000e+00 : f32
          %mul3A_608 = vector.broadcast %mul3A_607 : f32 to vector<16xf32>
          %mul3A_609 = arith.mulf %get3A_606, %mul3A_608 : vector<16xf32>
          %swap3A = arith.index_cast %scan3A_599 : i32 to index
          %swap3A_610 = arith.constant 0 : index
          %swap3A_611 = tpu.vector_load %arg11[%swap3A, %swap3A_610] {strides = array<i32>} : memref<20x128xf32, #tpu.memory_space<vmem>>, vector<1x16xf32>,
          %swap3A_612 = vector.shape_cast %swap3A_611 : vector<1x16xf32> to vector<16xf32>
          %swap3A_613 = vector.shape_cast %mul3A_609 : vector<16xf32> to vector<1x16xf32>
          tpu.vector_store %arg11[%swap3A, %swap3A_610], %swap3A_613 {strides = array<i32>} : memref<20x128xf32, #tpu.memory_space<vmem>>, vector<1x16xf32>,
          %mul3A_614 = arith.constant 128 : i32
          %mul3A_615 = arith.muli %scan3A_599, %mul3A_614 : i32
          %add3A_616 = arith.constant 16 : i32
          %add3A_617 = arith.addi %mul3A_615, %add3A_616 : i32
          %get3A_618 = arith.index_cast %add3A_617 : i32 to index
          %get3A_619 = tpu.vector_load %arg8[%get3A_618] {strides = array<i32>} : memref<2560xf32, #tpu.memory_space<vmem>>, vector<16xf32>,
          %get3A_620 = vector.shape_cast %get3A_619 : vector<16xf32> to vector<16xf32>
          %mul3A_621 = arith.constant 8.000000e+00 : f32
          %mul3A_622 = vector.broadcast %mul3A_621 : f32 to vector<16xf32>
          %mul3A_623 = arith.mulf %get3A_620, %mul3A_622 : vector<16xf32>
          %swap3A_624 = arith.index_cast %scan3A_599 : i32 to index
          %swap3A_625 = arith.constant 16 : index
          %swap3A_626 = tpu.vector_load %arg11[%swap3A_624, %swap3A_625] {strides = array<i32>} : memref<20x128xf32, #tpu.memory_space<vmem>>, vector<1x16xf32>,
          %swap3A_627 = vector.shape_cast %swap3A_626 : vector<1x16xf32> to vector<16xf32>
          %swap3A_628 = vector.shape_cast %mul3A_623 : vector<16xf32> to vector<1x16xf32>
          tpu.vector_store %arg11[%swap3A_624, %swap3A_625], %swap3A_628 {strides = array<i32>} : memref<20x128xf32, #tpu.memory_space<vmem>>, vector<1x16xf32>,
          %mul3A_629 = arith.constant 128 : i32
          %mul3A_630 = arith.muli %scan3A_599, %mul3A_629 : i32
          %add3A_631 = arith.constant 32 : i32
          %add3A_632 = arith.addi %mul3A_630, %add3A_631 : i32
          %get3A_633 = arith.index_cast %add3A_632 : i32 to index
          %get3A_634 = tpu.vector_load %arg8[%get3A_633] {strides = array<i32>} : memref<2560xf32, #tpu.memory_space<vmem>>, vector<16xf32>,
          %get3A_635 = vector.shape_cast %get3A_634 : vector<16xf32> to vector<16xf32>
          %mul3A_636 = arith.constant 8.000000e+00 : f32
          %mul3A_637 = vector.broadcast %mul3A_636 : f32 to vector<16xf32>
          %mul3A_638 = arith.mulf %get3A_635, %mul3A_637 : vector<16xf32>
          %swap3A_639 = arith.index_cast %scan3A_599 : i32 to index
          %swap3A_640 = arith.constant 32 : index
          %swap3A_641 = tpu.vector_load %arg11[%swap3A_639, %swap3A_640] {strides = array<i32>} : memref<20x128xf32, #tpu.memory_space<vmem>>, vector<1x16xf32>,
          %swap3A_642 = vector.shape_cast %swap3A_641 : vector<1x16xf32> to vector<16xf32>
          %swap3A_643 = vector.shape_cast %mul3A_638 : vector<16xf32> to vector<1x16xf32>
          tpu.vector_store %arg11[%swap3A_639, %swap3A_640], %swap3A_643 {strides = array<i32>} : memref<20x128xf32, #tpu.memory_space<vmem>>, vector<1x16xf32>,
          %mul3A_644 = arith.constant 128 : i32
          %mul3A_645 = arith.muli %scan3A_599, %mul3A_644 : i32
          %add3A_646 = arith.constant 48 : i32
          %add3A_647 = arith.addi %mul3A_645, %add3A_646 : i32
          %get3A_648 = arith.index_cast %add3A_647 : i32 to index
          %get3A_649 = tpu.vector_load %arg8[%get3A_648] {strides = array<i32>} : memref<2560xf32, #tpu.memory_space<vmem>>, vector<16xf32>,
          %get3A_650 = vector.shape_cast %get3A_649 : vector<16xf32> to vector<16xf32>
          %mul3A_651 = arith.constant 8.000000e+00 : f32
          %mul3A_652 = vector.broadcast %mul3A_651 : f32 to vector<16xf32>
          %mul3A_653 = arith.mulf %get3A_650, %mul3A_652 : vector<16xf32>
          %swap3A_654 = arith.index_cast %scan3A_599 : i32 to index
          %swap3A_655 = arith.constant 48 : index
          %swap3A_656 = tpu.vector_load %arg11[%swap3A_654, %swap3A_655] {strides = array<i32>} : memref<20x128xf32, #tpu.memory_space<vmem>>, vector<1x16xf32>,
          %swap3A_657 = vector.shape_cast %swap3A_656 : vector<1x16xf32> to vector<16xf32>
          %swap3A_658 = vector.shape_cast %mul3A_653 : vector<16xf32> to vector<1x16xf32>
          tpu.vector_store %arg11[%swap3A_654, %swap3A_655], %swap3A_658 {strides = array<i32>} : memref<20x128xf32, #tpu.memory_space<vmem>>, vector<1x16xf32>,
          %mul3A_659 = arith.constant 128 : i32
          %mul3A_660 = arith.muli %scan3A_599, %mul3A_659 : i32
          %add3A_661 = arith.constant 64 : i32
          %add3A_662 = arith.addi %mul3A_660, %add3A_661 : i32
          %get3A_663 = arith.index_cast %add3A_662 : i32 to index
          %get3A_664 = tpu.vector_load %arg8[%get3A_663] {strides = array<i32>} : memref<2560xf32, #tpu.memory_space<vmem>>, vector<16xf32>,
          %get3A_665 = vector.shape_cast %get3A_664 : vector<16xf32> to vector<16xf32>
          %mul3A_666 = arith.constant 8.000000e+00 : f32
          %mul3A_667 = vector.broadcast %mul3A_666 : f32 to vector<16xf32>
          %mul3A_668 = arith.mulf %get3A_665, %mul3A_667 : vector<16xf32>
          %swap3A_669 = arith.index_cast %scan3A_599 : i32 to index
          %swap3A_670 = arith.constant 64 : index
          %swap3A_671 = tpu.vector_load %arg11[%swap3A_669, %swap3A_670] {strides = array<i32>} : memref<20x128xf32, #tpu.memory_space<vmem>>, vector<1x16xf32>,
          %swap3A_672 = vector.shape_cast %swap3A_671 : vector<1x16xf32> to vector<16xf32>
          %swap3A_673 = vector.shape_cast %mul3A_668 : vector<16xf32> to vector<1x16xf32>
          tpu.vector_store %arg11[%swap3A_669, %swap3A_670], %swap3A_673 {strides = array<i32>} : memref<20x128xf32, #tpu.memory_space<vmem>>, vector<1x16xf32>,
          %mul3A_674 = arith.constant 128 : i32
          %mul3A_675 = arith.muli %scan3A_599, %mul3A_674 : i32
          %add3A_676 = arith.constant 80 : i32
          %add3A_677 = arith.addi %mul3A_675, %add3A_676 : i32
          %get3A_678 = arith.index_cast %add3A_677 : i32 to index
          %get3A_679 = tpu.vector_load %arg8[%get3A_678] {strides = array<i32>} : memref<2560xf32, #tpu.memory_space<vmem>>, vector<16xf32>,
          %get3A_680 = vector.shape_cast %get3A_679 : vector<16xf32> to vector<16xf32>
          %mul3A_681 = arith.constant 8.000000e+00 : f32
          %mul3A_682 = vector.broadcast %mul3A_681 : f32 to vector<16xf32>
          %mul3A_683 = arith.mulf %get3A_680, %mul3A_682 : vector<16xf32>
          %swap3A_684 = arith.index_cast %scan3A_599 : i32 to index
          %swap3A_685 = arith.constant 80 : index
          %swap3A_686 = tpu.vector_load %arg11[%swap3A_684, %swap3A_685] {strides = array<i32>} : memref<20x128xf32, #tpu.memory_space<vmem>>, vector<1x16xf32>,
          %swap3A_687 = vector.shape_cast %swap3A_686 : vector<1x16xf32> to vector<16xf32>
          %swap3A_688 = vector.shape_cast %mul3A_683 : vector<16xf32> to vector<1x16xf32>
          tpu.vector_store %arg11[%swap3A_684, %swap3A_685], %swap3A_688 {strides = array<i32>} : memref<20x128xf32, #tpu.memory_space<vmem>>, vector<1x16xf32>,
          %mul3A_689 = arith.constant 128 : i32
          %mul3A_690 = arith.muli %scan3A_599, %mul3A_689 : i32
          %add3A_691 = arith.constant 96 : i32
          %add3A_692 = arith.addi %mul3A_690, %add3A_691 : i32
          %get3A_693 = arith.index_cast %add3A_692 : i32 to index
          %get3A_694 = tpu.vector_load %arg8[%get3A_693] {strides = array<i32>} : memref<2560xf32, #tpu.memory_space<vmem>>, vector<16xf32>,
          %get3A_695 = vector.shape_cast %get3A_694 : vector<16xf32> to vector<16xf32>
          %mul3A_696 = arith.constant 8.000000e+00 : f32
          %mul3A_697 = vector.broadcast %mul3A_696 : f32 to vector<16xf32>
          %mul3A_698 = arith.mulf %get3A_695, %mul3A_697 : vector<16xf32>
          %swap3A_699 = arith.index_cast %scan3A_599 : i32 to index
          %swap3A_700 = arith.constant 96 : index
          %swap3A_701 = tpu.vector_load %arg11[%swap3A_699, %swap3A_700] {strides = array<i32>} : memref<20x128xf32, #tpu.memory_space<vmem>>, vector<1x16xf32>,
          %swap3A_702 = vector.shape_cast %swap3A_701 : vector<1x16xf32> to vector<16xf32>
          %swap3A_703 = vector.shape_cast %mul3A_698 : vector<16xf32> to vector<1x16xf32>
          tpu.vector_store %arg11[%swap3A_699, %swap3A_700], %swap3A_703 {strides = array<i32>} : memref<20x128xf32, #tpu.memory_space<vmem>>, vector<1x16xf32>,
          %mul3A_704 = arith.constant 128 : i32
          %mul3A_705 = arith.muli %scan3A_599, %mul3A_704 : i32
          %add3A_706 = arith.constant 112 : i32
          %add3A_707 = arith.addi %mul3A_705, %add3A_706 : i32
          %get3A_708 = arith.index_cast %add3A_707 : i32 to index
          %get3A_709 = tpu.vector_load %arg8[%get3A_708] {strides = array<i32>} : memref<2560xf32, #tpu.memory_space<vmem>>, vector<16xf32>,
          %get3A_710 = vector.shape_cast %get3A_709 : vector<16xf32> to vector<16xf32>
          %mul3A_711 = arith.constant 8.000000e+00 : f32
          %mul3A_712 = vector.broadcast %mul3A_711 : f32 to vector<16xf32>
          %mul3A_713 = arith.mulf %get3A_710, %mul3A_712 : vector<16xf32>
          %swap3A_714 = arith.index_cast %scan3A_599 : i32 to index
          %swap3A_715 = arith.constant 112 : index
          %swap3A_716 = tpu.vector_load %arg11[%swap3A_714, %swap3A_715] {strides = array<i32>} : memref<20x128xf32, #tpu.memory_space<vmem>>, vector<1x16xf32>,
          %swap3A_717 = vector.shape_cast %swap3A_716 : vector<1x16xf32> to vector<16xf32>
          %swap3A_718 = vector.shape_cast %mul3A_713 : vector<16xf32> to vector<1x16xf32>
          tpu.vector_store %arg11[%swap3A_714, %swap3A_715], %swap3A_718 {strides = array<i32>} : memref<20x128xf32, #tpu.memory_space<vmem>>, vector<1x16xf32>,
          %scan3A_719 = arith.constant 0 : i32
          scf.yield %scan3A_719 : i32
        }
        %scan3A_228 = arith.constant 20 : i32
        %jit3A_229 = arith.constant 10 : i32
        %div3A_230 = arith.divsi %add3A_201, %jit3A_229 : i32
        %sign3A_231 = arith.constant 0 : i32
        %sign3A_232 = arith.cmpi sgt, %add3A_201, %sign3A_231 : i32
        %sign3A_233 = arith.extui %sign3A_232 : i1 to i32
        %sign3A_234 = arith.constant 0 : i32
        %sign3A_235 = arith.cmpi slt, %add3A_201, %sign3A_234 : i32
        %sign3A_236 = arith.extui %sign3A_235 : i1 to i32
        %sign3A_237 = arith.subi %sign3A_233, %sign3A_236 : i32
        %sign3A_238 = arith.constant 0 : i32
        %sign3A_239 = arith.cmpi sgt, %jit3A_229, %sign3A_238 : i32
        %sign3A_240 = arith.extui %sign3A_239 : i1 to i32
        %sign3A_241 = arith.constant 0 : i32
        %sign3A_242 = arith.cmpi slt, %jit3A_229, %sign3A_241 : i32
        %sign3A_243 = arith.extui %sign3A_242 : i1 to i32
        %sign3A_244 = arith.subi %sign3A_240, %sign3A_243 : i32
        %ne3A_245 = arith.cmpi ne, %sign3A_237, %sign3A_244 : i32
        %rem3A_246 = arith.remsi %add3A_201, %jit3A_229 : i32
        %ne3A_247 = arith.constant 0 : i32
        %ne3A_248 = arith.cmpi ne, %rem3A_246, %ne3A_247 : i32
        %and3A_249 = arith.andi %ne3A_245, %ne3A_248 : i1
        %sub3A_250 = arith.constant 1 : i32
        %sub3A_251 = arith.subi %div3A_230, %sub3A_250 : i32
        %select_n3A_252 = arith.select %and3A_249, %sub3A_251, %div3A_230 : i32
        %jit3A_253 = arith.constant 10 : i32
        %eq3A_254 = arith.constant 0 : i32
        %eq3A_255 = arith.cmpi eq, %jit3A_253, %eq3A_254 : i32
        %jit3A_256 = arith.constant 1 : i32
        %select_n3A_257 = arith.select %eq3A_255, %jit3A_256, %jit3A_253 : i32
        %rem3A_258 = arith.remsi %add3A_201, %select_n3A_257 : i32
        %ne3A_259 = arith.constant 0 : i32
        %ne3A_260 = arith.cmpi ne, %rem3A_258, %ne3A_259 : i32
        %lt3A_261 = arith.constant 0 : i32
        %lt3A_262 = arith.cmpi slt, %rem3A_258, %lt3A_261 : i32
        %lt3A_263 = arith.constant 0 : i32
        %lt3A_264 = arith.cmpi slt, %select_n3A_257, %lt3A_263 : i32
        %ne3A_265 = arith.xori %lt3A_262, %lt3A_264 : i1
        %and3A_266 = arith.andi %ne3A_265, %ne3A_260 : i1
        %add3A_267 = arith.addi %rem3A_258, %select_n3A_257 : i32
        %select_n3A_268 = arith.select %and3A_266, %add3A_267, %rem3A_258 : i32
        %mul3A_269 = arith.constant 20 : i32
        %mul3A_270 = arith.muli %select_n3A_268, %mul3A_269 : i32
        %mul3A_271 = arith.constant 128 : i32
        %mul3A_272 = arith.muli %select_n3A_252, %mul3A_271 : i32
        %add3A_273 = arith.addi %mul3A_0, %mul3A_272 : i32
        %dma_start3A_274 = tpu.memref_slice %arg5[%mul3A_270, %add3A_38, %add3A_273] : memref<200x64x4096xf32, #tpu.memory_space<hbm>> -> memref<20x1x128xf32, #tpu.memory_space<hbm>>
        %dma_start3A_275 = tpu.memref_squeeze %dma_start3A_274 : memref<20x1x128xf32, #tpu.memory_space<hbm>> -> memref<20x128xf32, #tpu.memory_space<hbm>>
        %dma_start3A_276 = tpu.memref_slice %arg5[%mul3A_270, %add3A_38, %add3A_273] : memref<200x64x4096xf32, #tpu.memory_space<hbm>> -> memref<20x1x128xf32, #tpu.memory_space<hbm>>
        %dma_start3A_277 = tpu.memref_squeeze %dma_start3A_276 : memref<20x1x128xf32, #tpu.memory_space<hbm>> -> memref<20x128xf32, #tpu.memory_space<hbm>>
        tpu.enqueue_dma source(%arg11 : memref<20x128xf32, #tpu.memory_space<vmem>>) target(%dma_start3A_277 : memref<20x128xf32, #tpu.memory_space<hbm>>) target_semaphore(%arg16 : memref<!tpu.dma_semaphore, #tpu.memory_space<semaphore_mem>>)
        %mul3A_278 = arith.constant 6 : i32
        %mul3A_279 = arith.muli %mul3A_278, %scan3A_126 : i32
        %add3A_280 = arith.constant 2 : i32
        %add3A_281 = arith.addi %mul3A_279, %add3A_280 : i32
        %mul3A_282 = arith.constant 2560 : i32
        %mul3A_283 = arith.muli %add3A_281, %mul3A_282 : i32
        %dma_wait3A_284 = tpu.memref_slice %arg6[%mul3A_283] : memref<51200xi32, #tpu.memory_space<vmem>> -> memref<2560xi32, #tpu.memory_space<vmem>>
        %dma_wait3A_285 = arith.constant 0 : i32
        %dma_wait3A_286 = tpu.memref_slice %arg12[%dma_wait3A_285] : memref<1000064xf32, #tpu.memory_space<vmem_shared>> -> memref<1000064xf32, #tpu.memory_space<vmem_shared>>
        tpu.wait_indirect_dma semaphore(%arg14 : memref<!tpu.dma_semaphore, #tpu.memory_space<semaphore_mem>>) src(%dma_wait3A_286 : memref<1000064xf32, #tpu.memory_space<vmem_shared>>) dst(%arg9 : memref<2560xf32, #tpu.memory_space<vmem>>)
        %add3A_287 = arith.constant 2 : i32
        %add3A_288 = arith.addi %add3A_281, %add3A_287 : i32
        %lt3A_289 = arith.constant 20 : i32
        %lt3A_290 = arith.cmpi slt, %add3A_288, %lt3A_289 : i32
        %convert_element_type3A_291 = arith.extui %lt3A_290 : i1 to i32
        %cond3A_292 = arith.constant 0 : i32
        %cond3A_293 = arith.cmpi ne, %convert_element_type3A_291, %cond3A_292 : i32
        scf.if %cond3A_293 {
          %add3A_599 = arith.constant 2 : i32
          %add3A_600 = arith.addi %add3A_281, %add3A_599 : i32
          %mul3A_601 = arith.constant 2560 : i32
          %mul3A_602 = arith.muli %add3A_600, %mul3A_601 : i32
          %dma_start3A_603 = tpu.memref_slice %arg6[%mul3A_602] : memref<51200xi32, #tpu.memory_space<vmem>> -> memref<2560xi32, #tpu.memory_space<vmem>>
          %dma_start3A_604 = arith.constant 0 : i32
          %dma_start3A_605 = tpu.memref_slice %arg12[%dma_start3A_604] : memref<1000064xf32, #tpu.memory_space<vmem_shared>> -> memref<1000064xf32, #tpu.memory_space<vmem_shared>>
          tpu.enqueue_indirect_dma source(%dma_start3A_605 : memref<1000064xf32, #tpu.memory_space<vmem_shared>>) target(%arg8 : memref<2560xf32, #tpu.memory_space<vmem>>) offsets(%dma_start3A_603 : memref<2560xi32, #tpu.memory_space<vmem>>) semaphore(%arg14 : memref<!tpu.dma_semaphore, #tpu.memory_space<semaphore_mem>>)
        } else {
        }
        %gt3A_294 = arith.constant 0 : i32
        %gt3A_295 = arith.cmpi sgt, %scan3A_34, %gt3A_294 : i32
        %ge3A_296 = arith.constant 2 : i32
        %ge3A_297 = arith.cmpi sge, %add3A_281, %ge3A_296 : i32
        %or3A_298 = arith.ori %gt3A_295, %ge3A_297 : i1
        %convert_element_type3A_299 = arith.extui %or3A_298 : i1 to i32
        %cond3A_300 = arith.constant 0 : i32
        %cond3A_301 = arith.cmpi ne, %convert_element_type3A_299, %cond3A_300 : i32
        scf.if %cond3A_301 {
          %ge3A_599 = arith.constant 2 : i32
          %ge3A_600 = arith.cmpi sge, %add3A_281, %ge3A_599 : i32
          %sub3A_601 = arith.constant 1 : i32
          %sub3A_602 = arith.subi %add3A_38, %sub3A_601 : i32
          %select_n3A_603 = arith.select %ge3A_600, %add3A_38, %sub3A_602 : i32
          %ge3A_604 = arith.constant 2 : i32
          %ge3A_605 = arith.cmpi sge, %add3A_281, %ge3A_604 : i32
          %sub3A_606 = arith.constant 2 : i32
          %sub3A_607 = arith.subi %add3A_281, %sub3A_606 : i32
          %add3A_608 = arith.constant 20 : i32
          %add3A_609 = arith.addi %add3A_281, %add3A_608 : i32
          %sub3A_610 = arith.constant 2 : i32
          %sub3A_611 = arith.subi %add3A_609, %sub3A_610 : i32
          %select_n3A_612 = arith.select %ge3A_605, %sub3A_607, %sub3A_611 : i32
          %jit3A_613 = arith.constant 10 : i32
          %div3A_614 = arith.divsi %select_n3A_612, %jit3A_613 : i32
          %sign3A_615 = arith.constant 0 : i32
          %sign3A_616 = arith.cmpi sgt, %select_n3A_612, %sign3A_615 : i32
          %sign3A_617 = arith.extui %sign3A_616 : i1 to i32
          %sign3A_618 = arith.constant 0 : i32
          %sign3A_619 = arith.cmpi slt, %select_n3A_612, %sign3A_618 : i32
          %sign3A_620 = arith.extui %sign3A_619 : i1 to i32
          %sign3A_621 = arith.subi %sign3A_617, %sign3A_620 : i32
          %sign3A_622 = arith.constant 0 : i32
          %sign3A_623 = arith.cmpi sgt, %jit3A_613, %sign3A_622 : i32
          %sign3A_624 = arith.extui %sign3A_623 : i1 to i32
          %sign3A_625 = arith.constant 0 : i32
          %sign3A_626 = arith.cmpi slt, %jit3A_613, %sign3A_625 : i32
          %sign3A_627 = arith.extui %sign3A_626 : i1 to i32
          %sign3A_628 = arith.subi %sign3A_624, %sign3A_627 : i32
          %ne3A_629 = arith.cmpi ne, %sign3A_621, %sign3A_628 : i32
          %rem3A_630 = arith.remsi %select_n3A_612, %jit3A_613 : i32
          %ne3A_631 = arith.constant 0 : i32
          %ne3A_632 = arith.cmpi ne, %rem3A_630, %ne3A_631 : i32
          %and3A_633 = arith.andi %ne3A_629, %ne3A_632 : i1
          %sub3A_634 = arith.constant 1 : i32
          %sub3A_635 = arith.subi %div3A_614, %sub3A_634 : i32
          %select_n3A_636 = arith.select %and3A_633, %sub3A_635, %div3A_614 : i32
          %jit3A_637 = arith.constant 10 : i32
          %eq3A_638 = arith.constant 0 : i32
          %eq3A_639 = arith.cmpi eq, %jit3A_637, %eq3A_638 : i32
          %jit3A_640 = arith.constant 1 : i32
          %select_n3A_641 = arith.select %eq3A_639, %jit3A_640, %jit3A_637 : i32
          %rem3A_642 = arith.remsi %select_n3A_612, %select_n3A_641 : i32
          %ne3A_643 = arith.constant 0 : i32
          %ne3A_644 = arith.cmpi ne, %rem3A_642, %ne3A_643 : i32
          %lt3A_645 = arith.constant 0 : i32
          %lt3A_646 = arith.cmpi slt, %rem3A_642, %lt3A_645 : i32
          %lt3A_647 = arith.constant 0 : i32
          %lt3A_648 = arith.cmpi slt, %select_n3A_641, %lt3A_647 : i32
          %ne3A_649 = arith.xori %lt3A_646, %lt3A_648 : i1
          %and3A_650 = arith.andi %ne3A_649, %ne3A_644 : i1
          %add3A_651 = arith.addi %rem3A_642, %select_n3A_641 : i32
          %select_n3A_652 = arith.select %and3A_650, %add3A_651, %rem3A_642 : i32
          %mul3A_653 = arith.constant 20 : i32
          %mul3A_654 = arith.muli %select_n3A_652, %mul3A_653 : i32
          %mul3A_655 = arith.constant 128 : i32
          %mul3A_656 = arith.muli %select_n3A_636, %mul3A_655 : i32
          %add3A_657 = arith.addi %mul3A_0, %mul3A_656 : i32
          %dma_wait3A_658 = tpu.memref_slice %arg5[%mul3A_654, %select_n3A_603, %add3A_657] : memref<200x64x4096xf32, #tpu.memory_space<hbm>> -> memref<20x1x128xf32, #tpu.memory_space<hbm>>
          %dma_wait3A_659 = tpu.memref_squeeze %dma_wait3A_658 : memref<20x1x128xf32, #tpu.memory_space<hbm>> -> memref<20x128xf32, #tpu.memory_space<hbm>>
          %dma_wait3A_660 = tpu.memref_slice %arg5[%mul3A_654, %select_n3A_603, %add3A_657] : memref<200x64x4096xf32, #tpu.memory_space<hbm>> -> memref<20x1x128xf32, #tpu.memory_space<hbm>>
          %dma_wait3A_661 = tpu.memref_squeeze %dma_wait3A_660 : memref<20x1x128xf32, #tpu.memory_space<hbm>> -> memref<20x128xf32, #tpu.memory_space<hbm>>
          tpu.wait_dma2 semaphore(%arg15 : memref<!tpu.dma_semaphore, #tpu.memory_space<semaphore_mem>>) src(%arg10 : memref<20x128xf32, #tpu.memory_space<vmem>>) dst(%dma_wait3A_661 : memref<20x128xf32, #tpu.memory_space<hbm>>)
        } else {
        }
        %scan3A_302 = arith.constant 0 : i32
        %scan3A_303 = arith.constant 0 : i32
        %scan3A_304 = arith.constant 20 : i32
        %scan3A_305 = arith.addi %scan3A_303, %scan3A_304 : i32
        %scan3A_306 = arith.constant 1 : i32
        %scan3A_307 = scf.for %scan3A_599 = %scan3A_303 to %scan3A_305 step %scan3A_306 iter_args(%scan3A_600 = %scan3A_302) -> (i32)  : i32 {
          %mul3A_601 = arith.constant 128 : i32
          %mul3A_602 = arith.muli %scan3A_599, %mul3A_601 : i32
          %add3A_603 = arith.constant 0 : i32
          %add3A_604 = arith.addi %mul3A_602, %add3A_603 : i32
          %get3A = arith.index_cast %add3A_604 : i32 to index
          %get3A_605 = tpu.vector_load %arg9[%get3A] {strides = array<i32>} : memref<2560xf32, #tpu.memory_space<vmem>>, vector<16xf32>,
          %get3A_606 = vector.shape_cast %get3A_605 : vector<16xf32> to vector<16xf32>
          %mul3A_607 = arith.constant 8.000000e+00 : f32
          %mul3A_608 = vector.broadcast %mul3A_607 : f32 to vector<16xf32>
          %mul3A_609 = arith.mulf %get3A_606, %mul3A_608 : vector<16xf32>
          %swap3A = arith.index_cast %scan3A_599 : i32 to index
          %swap3A_610 = arith.constant 0 : index
          %swap3A_611 = tpu.vector_load %arg10[%swap3A, %swap3A_610] {strides = array<i32>} : memref<20x128xf32, #tpu.memory_space<vmem>>, vector<1x16xf32>,
          %swap3A_612 = vector.shape_cast %swap3A_611 : vector<1x16xf32> to vector<16xf32>
          %swap3A_613 = vector.shape_cast %mul3A_609 : vector<16xf32> to vector<1x16xf32>
          tpu.vector_store %arg10[%swap3A, %swap3A_610], %swap3A_613 {strides = array<i32>} : memref<20x128xf32, #tpu.memory_space<vmem>>, vector<1x16xf32>,
          %mul3A_614 = arith.constant 128 : i32
          %mul3A_615 = arith.muli %scan3A_599, %mul3A_614 : i32
          %add3A_616 = arith.constant 16 : i32
          %add3A_617 = arith.addi %mul3A_615, %add3A_616 : i32
          %get3A_618 = arith.index_cast %add3A_617 : i32 to index
          %get3A_619 = tpu.vector_load %arg9[%get3A_618] {strides = array<i32>} : memref<2560xf32, #tpu.memory_space<vmem>>, vector<16xf32>,
          %get3A_620 = vector.shape_cast %get3A_619 : vector<16xf32> to vector<16xf32>
          %mul3A_621 = arith.constant 8.000000e+00 : f32
          %mul3A_622 = vector.broadcast %mul3A_621 : f32 to vector<16xf32>
          %mul3A_623 = arith.mulf %get3A_620, %mul3A_622 : vector<16xf32>
          %swap3A_624 = arith.index_cast %scan3A_599 : i32 to index
          %swap3A_625 = arith.constant 16 : index
          %swap3A_626 = tpu.vector_load %arg10[%swap3A_624, %swap3A_625] {strides = array<i32>} : memref<20x128xf32, #tpu.memory_space<vmem>>, vector<1x16xf32>,
          %swap3A_627 = vector.shape_cast %swap3A_626 : vector<1x16xf32> to vector<16xf32>
          %swap3A_628 = vector.shape_cast %mul3A_623 : vector<16xf32> to vector<1x16xf32>
          tpu.vector_store %arg10[%swap3A_624, %swap3A_625], %swap3A_628 {strides = array<i32>} : memref<20x128xf32, #tpu.memory_space<vmem>>, vector<1x16xf32>,
          %mul3A_629 = arith.constant 128 : i32
          %mul3A_630 = arith.muli %scan3A_599, %mul3A_629 : i32
          %add3A_631 = arith.constant 32 : i32
          %add3A_632 = arith.addi %mul3A_630, %add3A_631 : i32
          %get3A_633 = arith.index_cast %add3A_632 : i32 to index
          %get3A_634 = tpu.vector_load %arg9[%get3A_633] {strides = array<i32>} : memref<2560xf32, #tpu.memory_space<vmem>>, vector<16xf32>,
          %get3A_635 = vector.shape_cast %get3A_634 : vector<16xf32> to vector<16xf32>
          %mul3A_636 = arith.constant 8.000000e+00 : f32
          %mul3A_637 = vector.broadcast %mul3A_636 : f32 to vector<16xf32>
          %mul3A_638 = arith.mulf %get3A_635, %mul3A_637 : vector<16xf32>
          %swap3A_639 = arith.index_cast %scan3A_599 : i32 to index
          %swap3A_640 = arith.constant 32 : index
          %swap3A_641 = tpu.vector_load %arg10[%swap3A_639, %swap3A_640] {strides = array<i32>} : memref<20x128xf32, #tpu.memory_space<vmem>>, vector<1x16xf32>,
          %swap3A_642 = vector.shape_cast %swap3A_641 : vector<1x16xf32> to vector<16xf32>
          %swap3A_643 = vector.shape_cast %mul3A_638 : vector<16xf32> to vector<1x16xf32>
          tpu.vector_store %arg10[%swap3A_639, %swap3A_640], %swap3A_643 {strides = array<i32>} : memref<20x128xf32, #tpu.memory_space<vmem>>, vector<1x16xf32>,
          %mul3A_644 = arith.constant 128 : i32
          %mul3A_645 = arith.muli %scan3A_599, %mul3A_644 : i32
          %add3A_646 = arith.constant 48 : i32
          %add3A_647 = arith.addi %mul3A_645, %add3A_646 : i32
          %get3A_648 = arith.index_cast %add3A_647 : i32 to index
          %get3A_649 = tpu.vector_load %arg9[%get3A_648] {strides = array<i32>} : memref<2560xf32, #tpu.memory_space<vmem>>, vector<16xf32>,
          %get3A_650 = vector.shape_cast %get3A_649 : vector<16xf32> to vector<16xf32>
          %mul3A_651 = arith.constant 8.000000e+00 : f32
          %mul3A_652 = vector.broadcast %mul3A_651 : f32 to vector<16xf32>
          %mul3A_653 = arith.mulf %get3A_650, %mul3A_652 : vector<16xf32>
          %swap3A_654 = arith.index_cast %scan3A_599 : i32 to index
          %swap3A_655 = arith.constant 48 : index
          %swap3A_656 = tpu.vector_load %arg10[%swap3A_654, %swap3A_655] {strides = array<i32>} : memref<20x128xf32, #tpu.memory_space<vmem>>, vector<1x16xf32>,
          %swap3A_657 = vector.shape_cast %swap3A_656 : vector<1x16xf32> to vector<16xf32>
          %swap3A_658 = vector.shape_cast %mul3A_653 : vector<16xf32> to vector<1x16xf32>
          tpu.vector_store %arg10[%swap3A_654, %swap3A_655], %swap3A_658 {strides = array<i32>} : memref<20x128xf32, #tpu.memory_space<vmem>>, vector<1x16xf32>,
          %mul3A_659 = arith.constant 128 : i32
          %mul3A_660 = arith.muli %scan3A_599, %mul3A_659 : i32
          %add3A_661 = arith.constant 64 : i32
          %add3A_662 = arith.addi %mul3A_660, %add3A_661 : i32
          %get3A_663 = arith.index_cast %add3A_662 : i32 to index
          %get3A_664 = tpu.vector_load %arg9[%get3A_663] {strides = array<i32>} : memref<2560xf32, #tpu.memory_space<vmem>>, vector<16xf32>,
          %get3A_665 = vector.shape_cast %get3A_664 : vector<16xf32> to vector<16xf32>
          %mul3A_666 = arith.constant 8.000000e+00 : f32
          %mul3A_667 = vector.broadcast %mul3A_666 : f32 to vector<16xf32>
          %mul3A_668 = arith.mulf %get3A_665, %mul3A_667 : vector<16xf32>
          %swap3A_669 = arith.index_cast %scan3A_599 : i32 to index
          %swap3A_670 = arith.constant 64 : index
          %swap3A_671 = tpu.vector_load %arg10[%swap3A_669, %swap3A_670] {strides = array<i32>} : memref<20x128xf32, #tpu.memory_space<vmem>>, vector<1x16xf32>,
          %swap3A_672 = vector.shape_cast %swap3A_671 : vector<1x16xf32> to vector<16xf32>
          %swap3A_673 = vector.shape_cast %mul3A_668 : vector<16xf32> to vector<1x16xf32>
          tpu.vector_store %arg10[%swap3A_669, %swap3A_670], %swap3A_673 {strides = array<i32>} : memref<20x128xf32, #tpu.memory_space<vmem>>, vector<1x16xf32>,
          %mul3A_674 = arith.constant 128 : i32
          %mul3A_675 = arith.muli %scan3A_599, %mul3A_674 : i32
          %add3A_676 = arith.constant 80 : i32
          %add3A_677 = arith.addi %mul3A_675, %add3A_676 : i32
          %get3A_678 = arith.index_cast %add3A_677 : i32 to index
          %get3A_679 = tpu.vector_load %arg9[%get3A_678] {strides = array<i32>} : memref<2560xf32, #tpu.memory_space<vmem>>, vector<16xf32>,
          %get3A_680 = vector.shape_cast %get3A_679 : vector<16xf32> to vector<16xf32>
          %mul3A_681 = arith.constant 8.000000e+00 : f32
          %mul3A_682 = vector.broadcast %mul3A_681 : f32 to vector<16xf32>
          %mul3A_683 = arith.mulf %get3A_680, %mul3A_682 : vector<16xf32>
          %swap3A_684 = arith.index_cast %scan3A_599 : i32 to index
          %swap3A_685 = arith.constant 80 : index
          %swap3A_686 = tpu.vector_load %arg10[%swap3A_684, %swap3A_685] {strides = array<i32>} : memref<20x128xf32, #tpu.memory_space<vmem>>, vector<1x16xf32>,
          %swap3A_687 = vector.shape_cast %swap3A_686 : vector<1x16xf32> to vector<16xf32>
          %swap3A_688 = vector.shape_cast %mul3A_683 : vector<16xf32> to vector<1x16xf32>
          tpu.vector_store %arg10[%swap3A_684, %swap3A_685], %swap3A_688 {strides = array<i32>} : memref<20x128xf32, #tpu.memory_space<vmem>>, vector<1x16xf32>,
          %mul3A_689 = arith.constant 128 : i32
          %mul3A_690 = arith.muli %scan3A_599, %mul3A_689 : i32
          %add3A_691 = arith.constant 96 : i32
          %add3A_692 = arith.addi %mul3A_690, %add3A_691 : i32
          %get3A_693 = arith.index_cast %add3A_692 : i32 to index
          %get3A_694 = tpu.vector_load %arg9[%get3A_693] {strides = array<i32>} : memref<2560xf32, #tpu.memory_space<vmem>>, vector<16xf32>,
          %get3A_695 = vector.shape_cast %get3A_694 : vector<16xf32> to vector<16xf32>
          %mul3A_696 = arith.constant 8.000000e+00 : f32
          %mul3A_697 = vector.broadcast %mul3A_696 : f32 to vector<16xf32>
          %mul3A_698 = arith.mulf %get3A_695, %mul3A_697 : vector<16xf32>
          %swap3A_699 = arith.index_cast %scan3A_599 : i32 to index
          %swap3A_700 = arith.constant 96 : index
          %swap3A_701 = tpu.vector_load %arg10[%swap3A_699, %swap3A_700] {strides = array<i32>} : memref<20x128xf32, #tpu.memory_space<vmem>>, vector<1x16xf32>,
          %swap3A_702 = vector.shape_cast %swap3A_701 : vector<1x16xf32> to vector<16xf32>
          %swap3A_703 = vector.shape_cast %mul3A_698 : vector<16xf32> to vector<1x16xf32>
          tpu.vector_store %arg10[%swap3A_699, %swap3A_700], %swap3A_703 {strides = array<i32>} : memref<20x128xf32, #tpu.memory_space<vmem>>, vector<1x16xf32>,
          %mul3A_704 = arith.constant 128 : i32
          %mul3A_705 = arith.muli %scan3A_599, %mul3A_704 : i32
          %add3A_706 = arith.constant 112 : i32
          %add3A_707 = arith.addi %mul3A_705, %add3A_706 : i32
          %get3A_708 = arith.index_cast %add3A_707 : i32 to index
          %get3A_709 = tpu.vector_load %arg9[%get3A_708] {strides = array<i32>} : memref<2560xf32, #tpu.memory_space<vmem>>, vector<16xf32>,
          %get3A_710 = vector.shape_cast %get3A_709 : vector<16xf32> to vector<16xf32>
          %mul3A_711 = arith.constant 8.000000e+00 : f32
          %mul3A_712 = vector.broadcast %mul3A_711 : f32 to vector<16xf32>
          %mul3A_713 = arith.mulf %get3A_710, %mul3A_712 : vector<16xf32>
          %swap3A_714 = arith.index_cast %scan3A_599 : i32 to index
          %swap3A_715 = arith.constant 112 : index
          %swap3A_716 = tpu.vector_load %arg10[%swap3A_714, %swap3A_715] {strides = array<i32>} : memref<20x128xf32, #tpu.memory_space<vmem>>, vector<1x16xf32>,
          %swap3A_717 = vector.shape_cast %swap3A_716 : vector<1x16xf32> to vector<16xf32>
          %swap3A_718 = vector.shape_cast %mul3A_713 : vector<16xf32> to vector<1x16xf32>
          tpu.vector_store %arg10[%swap3A_714, %swap3A_715], %swap3A_718 {strides = array<i32>} : memref<20x128xf32, #tpu.memory_space<vmem>>, vector<1x16xf32>,
          %scan3A_719 = arith.constant 0 : i32
          scf.yield %scan3A_719 : i32
        }
        %scan3A_308 = arith.constant 20 : i32
        %jit3A_309 = arith.constant 10 : i32
        %div3A_310 = arith.divsi %add3A_281, %jit3A_309 : i32
        %sign3A_311 = arith.constant 0 : i32
        %sign3A_312 = arith.cmpi sgt, %add3A_281, %sign3A_311 : i32
        %sign3A_313 = arith.extui %sign3A_312 : i1 to i32
        %sign3A_314 = arith.constant 0 : i32
        %sign3A_315 = arith.cmpi slt, %add3A_281, %sign3A_314 : i32
        %sign3A_316 = arith.extui %sign3A_315 : i1 to i32
        %sign3A_317 = arith.subi %sign3A_313, %sign3A_316 : i32
        %sign3A_318 = arith.constant 0 : i32
        %sign3A_319 = arith.cmpi sgt, %jit3A_309, %sign3A_318 : i32
        %sign3A_320 = arith.extui %sign3A_319 : i1 to i32
        %sign3A_321 = arith.constant 0 : i32
        %sign3A_322 = arith.cmpi slt, %jit3A_309, %sign3A_321 : i32
        %sign3A_323 = arith.extui %sign3A_322 : i1 to i32
        %sign3A_324 = arith.subi %sign3A_320, %sign3A_323 : i32
        %ne3A_325 = arith.cmpi ne, %sign3A_317, %sign3A_324 : i32
        %rem3A_326 = arith.remsi %add3A_281, %jit3A_309 : i32
        %ne3A_327 = arith.constant 0 : i32
        %ne3A_328 = arith.cmpi ne, %rem3A_326, %ne3A_327 : i32
        %and3A_329 = arith.andi %ne3A_325, %ne3A_328 : i1
        %sub3A_330 = arith.constant 1 : i32
        %sub3A_331 = arith.subi %div3A_310, %sub3A_330 : i32
        %select_n3A_332 = arith.select %and3A_329, %sub3A_331, %div3A_310 : i32
        %jit3A_333 = arith.constant 10 : i32
        %eq3A_334 = arith.constant 0 : i32
        %eq3A_335 = arith.cmpi eq, %jit3A_333, %eq3A_334 : i32
        %jit3A_336 = arith.constant 1 : i32
        %select_n3A_337 = arith.select %eq3A_335, %jit3A_336, %jit3A_333 : i32
        %rem3A_338 = arith.remsi %add3A_281, %select_n3A_337 : i32
        %ne3A_339 = arith.constant 0 : i32
        %ne3A_340 = arith.cmpi ne, %rem3A_338, %ne3A_339 : i32
        %lt3A_341 = arith.constant 0 : i32
        %lt3A_342 = arith.cmpi slt, %rem3A_338, %lt3A_341 : i32
        %lt3A_343 = arith.constant 0 : i32
        %lt3A_344 = arith.cmpi slt, %select_n3A_337, %lt3A_343 : i32
        %ne3A_345 = arith.xori %lt3A_342, %lt3A_344 : i1
        %and3A_346 = arith.andi %ne3A_345, %ne3A_340 : i1
        %add3A_347 = arith.addi %rem3A_338, %select_n3A_337 : i32
        %select_n3A_348 = arith.select %and3A_346, %add3A_347, %rem3A_338 : i32
        %mul3A_349 = arith.constant 20 : i32
        %mul3A_350 = arith.muli %select_n3A_348, %mul3A_349 : i32
        %mul3A_351 = arith.constant 128 : i32
        %mul3A_352 = arith.muli %select_n3A_332, %mul3A_351 : i32
        %add3A_353 = arith.addi %mul3A_0, %mul3A_352 : i32
        %dma_start3A_354 = tpu.memref_slice %arg5[%mul3A_350, %add3A_38, %add3A_353] : memref<200x64x4096xf32, #tpu.memory_space<hbm>> -> memref<20x1x128xf32, #tpu.memory_space<hbm>>
        %dma_start3A_355 = tpu.memref_squeeze %dma_start3A_354 : memref<20x1x128xf32, #tpu.memory_space<hbm>> -> memref<20x128xf32, #tpu.memory_space<hbm>>
        %dma_start3A_356 = tpu.memref_slice %arg5[%mul3A_350, %add3A_38, %add3A_353] : memref<200x64x4096xf32, #tpu.memory_space<hbm>> -> memref<20x1x128xf32, #tpu.memory_space<hbm>>
        %dma_start3A_357 = tpu.memref_squeeze %dma_start3A_356 : memref<20x1x128xf32, #tpu.memory_space<hbm>> -> memref<20x128xf32, #tpu.memory_space<hbm>>
        tpu.enqueue_dma source(%arg10 : memref<20x128xf32, #tpu.memory_space<vmem>>) target(%dma_start3A_357 : memref<20x128xf32, #tpu.memory_space<hbm>>) target_semaphore(%arg15 : memref<!tpu.dma_semaphore, #tpu.memory_space<semaphore_mem>>)
        %mul3A_358 = arith.constant 6 : i32
        %mul3A_359 = arith.muli %mul3A_358, %scan3A_126 : i32
        %add3A_360 = arith.constant 3 : i32
        %add3A_361 = arith.addi %mul3A_359, %add3A_360 : i32
        %mul3A_362 = arith.constant 2560 : i32
        %mul3A_363 = arith.muli %add3A_361, %mul3A_362 : i32
        %dma_wait3A_364 = tpu.memref_slice %arg6[%mul3A_363] : memref<51200xi32, #tpu.memory_space<vmem>> -> memref<2560xi32, #tpu.memory_space<vmem>>
        %dma_wait3A_365 = arith.constant 0 : i32
        %dma_wait3A_366 = tpu.memref_slice %arg12[%dma_wait3A_365] : memref<1000064xf32, #tpu.memory_space<vmem_shared>> -> memref<1000064xf32, #tpu.memory_space<vmem_shared>>
        tpu.wait_indirect_dma semaphore(%arg14 : memref<!tpu.dma_semaphore, #tpu.memory_space<semaphore_mem>>) src(%dma_wait3A_366 : memref<1000064xf32, #tpu.memory_space<vmem_shared>>) dst(%arg7 : memref<2560xf32, #tpu.memory_space<vmem>>)
        %add3A_367 = arith.constant 2 : i32
        %add3A_368 = arith.addi %add3A_361, %add3A_367 : i32
        %lt3A_369 = arith.constant 20 : i32
        %lt3A_370 = arith.cmpi slt, %add3A_368, %lt3A_369 : i32
        %convert_element_type3A_371 = arith.extui %lt3A_370 : i1 to i32
        %cond3A_372 = arith.constant 0 : i32
        %cond3A_373 = arith.cmpi ne, %convert_element_type3A_371, %cond3A_372 : i32
        scf.if %cond3A_373 {
          %add3A_599 = arith.constant 2 : i32
          %add3A_600 = arith.addi %add3A_361, %add3A_599 : i32
          %mul3A_601 = arith.constant 2560 : i32
          %mul3A_602 = arith.muli %add3A_600, %mul3A_601 : i32
          %dma_start3A_603 = tpu.memref_slice %arg6[%mul3A_602] : memref<51200xi32, #tpu.memory_space<vmem>> -> memref<2560xi32, #tpu.memory_space<vmem>>
          %dma_start3A_604 = arith.constant 0 : i32
          %dma_start3A_605 = tpu.memref_slice %arg12[%dma_start3A_604] : memref<1000064xf32, #tpu.memory_space<vmem_shared>> -> memref<1000064xf32, #tpu.memory_space<vmem_shared>>
          tpu.enqueue_indirect_dma source(%dma_start3A_605 : memref<1000064xf32, #tpu.memory_space<vmem_shared>>) target(%arg9 : memref<2560xf32, #tpu.memory_space<vmem>>) offsets(%dma_start3A_603 : memref<2560xi32, #tpu.memory_space<vmem>>) semaphore(%arg14 : memref<!tpu.dma_semaphore, #tpu.memory_space<semaphore_mem>>)
        } else {
        }
        %gt3A_374 = arith.constant 0 : i32
        %gt3A_375 = arith.cmpi sgt, %scan3A_34, %gt3A_374 : i32
        %ge3A_376 = arith.constant 2 : i32
        %ge3A_377 = arith.cmpi sge, %add3A_361, %ge3A_376 : i32
        %or3A_378 = arith.ori %gt3A_375, %ge3A_377 : i1
        %convert_element_type3A_379 = arith.extui %or3A_378 : i1 to i32
        %cond3A_380 = arith.constant 0 : i32
        %cond3A_381 = arith.cmpi ne, %convert_element_type3A_379, %cond3A_380 : i32
        scf.if %cond3A_381 {
          %ge3A_599 = arith.constant 2 : i32
          %ge3A_600 = arith.cmpi sge, %add3A_361, %ge3A_599 : i32
          %sub3A_601 = arith.constant 1 : i32
          %sub3A_602 = arith.subi %add3A_38, %sub3A_601 : i32
          %select_n3A_603 = arith.select %ge3A_600, %add3A_38, %sub3A_602 : i32
          %ge3A_604 = arith.constant 2 : i32
          %ge3A_605 = arith.cmpi sge, %add3A_361, %ge3A_604 : i32
          %sub3A_606 = arith.constant 2 : i32
          %sub3A_607 = arith.subi %add3A_361, %sub3A_606 : i32
          %add3A_608 = arith.constant 20 : i32
          %add3A_609 = arith.addi %add3A_361, %add3A_608 : i32
          %sub3A_610 = arith.constant 2 : i32
          %sub3A_611 = arith.subi %add3A_609, %sub3A_610 : i32
          %select_n3A_612 = arith.select %ge3A_605, %sub3A_607, %sub3A_611 : i32
          %jit3A_613 = arith.constant 10 : i32
          %div3A_614 = arith.divsi %select_n3A_612, %jit3A_613 : i32
          %sign3A_615 = arith.constant 0 : i32
          %sign3A_616 = arith.cmpi sgt, %select_n3A_612, %sign3A_615 : i32
          %sign3A_617 = arith.extui %sign3A_616 : i1 to i32
          %sign3A_618 = arith.constant 0 : i32
          %sign3A_619 = arith.cmpi slt, %select_n3A_612, %sign3A_618 : i32
          %sign3A_620 = arith.extui %sign3A_619 : i1 to i32
          %sign3A_621 = arith.subi %sign3A_617, %sign3A_620 : i32
          %sign3A_622 = arith.constant 0 : i32
          %sign3A_623 = arith.cmpi sgt, %jit3A_613, %sign3A_622 : i32
          %sign3A_624 = arith.extui %sign3A_623 : i1 to i32
          %sign3A_625 = arith.constant 0 : i32
          %sign3A_626 = arith.cmpi slt, %jit3A_613, %sign3A_625 : i32
          %sign3A_627 = arith.extui %sign3A_626 : i1 to i32
          %sign3A_628 = arith.subi %sign3A_624, %sign3A_627 : i32
          %ne3A_629 = arith.cmpi ne, %sign3A_621, %sign3A_628 : i32
          %rem3A_630 = arith.remsi %select_n3A_612, %jit3A_613 : i32
          %ne3A_631 = arith.constant 0 : i32
          %ne3A_632 = arith.cmpi ne, %rem3A_630, %ne3A_631 : i32
          %and3A_633 = arith.andi %ne3A_629, %ne3A_632 : i1
          %sub3A_634 = arith.constant 1 : i32
          %sub3A_635 = arith.subi %div3A_614, %sub3A_634 : i32
          %select_n3A_636 = arith.select %and3A_633, %sub3A_635, %div3A_614 : i32
          %jit3A_637 = arith.constant 10 : i32
          %eq3A_638 = arith.constant 0 : i32
          %eq3A_639 = arith.cmpi eq, %jit3A_637, %eq3A_638 : i32
          %jit3A_640 = arith.constant 1 : i32
          %select_n3A_641 = arith.select %eq3A_639, %jit3A_640, %jit3A_637 : i32
          %rem3A_642 = arith.remsi %select_n3A_612, %select_n3A_641 : i32
          %ne3A_643 = arith.constant 0 : i32
          %ne3A_644 = arith.cmpi ne, %rem3A_642, %ne3A_643 : i32
          %lt3A_645 = arith.constant 0 : i32
          %lt3A_646 = arith.cmpi slt, %rem3A_642, %lt3A_645 : i32
          %lt3A_647 = arith.constant 0 : i32
          %lt3A_648 = arith.cmpi slt, %select_n3A_641, %lt3A_647 : i32
          %ne3A_649 = arith.xori %lt3A_646, %lt3A_648 : i1
          %and3A_650 = arith.andi %ne3A_649, %ne3A_644 : i1
          %add3A_651 = arith.addi %rem3A_642, %select_n3A_641 : i32
          %select_n3A_652 = arith.select %and3A_650, %add3A_651, %rem3A_642 : i32
          %mul3A_653 = arith.constant 20 : i32
          %mul3A_654 = arith.muli %select_n3A_652, %mul3A_653 : i32
          %mul3A_655 = arith.constant 128 : i32
          %mul3A_656 = arith.muli %select_n3A_636, %mul3A_655 : i32
          %add3A_657 = arith.addi %mul3A_0, %mul3A_656 : i32
          %dma_wait3A_658 = tpu.memref_slice %arg5[%mul3A_654, %select_n3A_603, %add3A_657] : memref<200x64x4096xf32, #tpu.memory_space<hbm>> -> memref<20x1x128xf32, #tpu.memory_space<hbm>>
          %dma_wait3A_659 = tpu.memref_squeeze %dma_wait3A_658 : memref<20x1x128xf32, #tpu.memory_space<hbm>> -> memref<20x128xf32, #tpu.memory_space<hbm>>
          %dma_wait3A_660 = tpu.memref_slice %arg5[%mul3A_654, %select_n3A_603, %add3A_657] : memref<200x64x4096xf32, #tpu.memory_space<hbm>> -> memref<20x1x128xf32, #tpu.memory_space<hbm>>
          %dma_wait3A_661 = tpu.memref_squeeze %dma_wait3A_660 : memref<20x1x128xf32, #tpu.memory_space<hbm>> -> memref<20x128xf32, #tpu.memory_space<hbm>>
          tpu.wait_dma2 semaphore(%arg16 : memref<!tpu.dma_semaphore, #tpu.memory_space<semaphore_mem>>) src(%arg11 : memref<20x128xf32, #tpu.memory_space<vmem>>) dst(%dma_wait3A_661 : memref<20x128xf32, #tpu.memory_space<hbm>>)
        } else {
        }
        %scan3A_382 = arith.constant 0 : i32
        %scan3A_383 = arith.constant 0 : i32
        %scan3A_384 = arith.constant 20 : i32
        %scan3A_385 = arith.addi %scan3A_383, %scan3A_384 : i32
        %scan3A_386 = arith.constant 1 : i32
        %scan3A_387 = scf.for %scan3A_599 = %scan3A_383 to %scan3A_385 step %scan3A_386 iter_args(%scan3A_600 = %scan3A_382) -> (i32)  : i32 {
          %mul3A_601 = arith.constant 128 : i32
          %mul3A_602 = arith.muli %scan3A_599, %mul3A_601 : i32
          %add3A_603 = arith.constant 0 : i32
          %add3A_604 = arith.addi %mul3A_602, %add3A_603 : i32
          %get3A = arith.index_cast %add3A_604 : i32 to index
          %get3A_605 = tpu.vector_load %arg7[%get3A] {strides = array<i32>} : memref<2560xf32, #tpu.memory_space<vmem>>, vector<16xf32>,
          %get3A_606 = vector.shape_cast %get3A_605 : vector<16xf32> to vector<16xf32>
          %mul3A_607 = arith.constant 8.000000e+00 : f32
          %mul3A_608 = vector.broadcast %mul3A_607 : f32 to vector<16xf32>
          %mul3A_609 = arith.mulf %get3A_606, %mul3A_608 : vector<16xf32>
          %swap3A = arith.index_cast %scan3A_599 : i32 to index
          %swap3A_610 = arith.constant 0 : index
          %swap3A_611 = tpu.vector_load %arg11[%swap3A, %swap3A_610] {strides = array<i32>} : memref<20x128xf32, #tpu.memory_space<vmem>>, vector<1x16xf32>,
          %swap3A_612 = vector.shape_cast %swap3A_611 : vector<1x16xf32> to vector<16xf32>
          %swap3A_613 = vector.shape_cast %mul3A_609 : vector<16xf32> to vector<1x16xf32>
          tpu.vector_store %arg11[%swap3A, %swap3A_610], %swap3A_613 {strides = array<i32>} : memref<20x128xf32, #tpu.memory_space<vmem>>, vector<1x16xf32>,
          %mul3A_614 = arith.constant 128 : i32
          %mul3A_615 = arith.muli %scan3A_599, %mul3A_614 : i32
          %add3A_616 = arith.constant 16 : i32
          %add3A_617 = arith.addi %mul3A_615, %add3A_616 : i32
          %get3A_618 = arith.index_cast %add3A_617 : i32 to index
          %get3A_619 = tpu.vector_load %arg7[%get3A_618] {strides = array<i32>} : memref<2560xf32, #tpu.memory_space<vmem>>, vector<16xf32>,
          %get3A_620 = vector.shape_cast %get3A_619 : vector<16xf32> to vector<16xf32>
          %mul3A_621 = arith.constant 8.000000e+00 : f32
          %mul3A_622 = vector.broadcast %mul3A_621 : f32 to vector<16xf32>
          %mul3A_623 = arith.mulf %get3A_620, %mul3A_622 : vector<16xf32>
          %swap3A_624 = arith.index_cast %scan3A_599 : i32 to index
          %swap3A_625 = arith.constant 16 : index
          %swap3A_626 = tpu.vector_load %arg11[%swap3A_624, %swap3A_625] {strides = array<i32>} : memref<20x128xf32, #tpu.memory_space<vmem>>, vector<1x16xf32>,
          %swap3A_627 = vector.shape_cast %swap3A_626 : vector<1x16xf32> to vector<16xf32>
          %swap3A_628 = vector.shape_cast %mul3A_623 : vector<16xf32> to vector<1x16xf32>
          tpu.vector_store %arg11[%swap3A_624, %swap3A_625], %swap3A_628 {strides = array<i32>} : memref<20x128xf32, #tpu.memory_space<vmem>>, vector<1x16xf32>,
          %mul3A_629 = arith.constant 128 : i32
          %mul3A_630 = arith.muli %scan3A_599, %mul3A_629 : i32
          %add3A_631 = arith.constant 32 : i32
          %add3A_632 = arith.addi %mul3A_630, %add3A_631 : i32
          %get3A_633 = arith.index_cast %add3A_632 : i32 to index
          %get3A_634 = tpu.vector_load %arg7[%get3A_633] {strides = array<i32>} : memref<2560xf32, #tpu.memory_space<vmem>>, vector<16xf32>,
          %get3A_635 = vector.shape_cast %get3A_634 : vector<16xf32> to vector<16xf32>
          %mul3A_636 = arith.constant 8.000000e+00 : f32
          %mul3A_637 = vector.broadcast %mul3A_636 : f32 to vector<16xf32>
          %mul3A_638 = arith.mulf %get3A_635, %mul3A_637 : vector<16xf32>
          %swap3A_639 = arith.index_cast %scan3A_599 : i32 to index
          %swap3A_640 = arith.constant 32 : index
          %swap3A_641 = tpu.vector_load %arg11[%swap3A_639, %swap3A_640] {strides = array<i32>} : memref<20x128xf32, #tpu.memory_space<vmem>>, vector<1x16xf32>,
          %swap3A_642 = vector.shape_cast %swap3A_641 : vector<1x16xf32> to vector<16xf32>
          %swap3A_643 = vector.shape_cast %mul3A_638 : vector<16xf32> to vector<1x16xf32>
          tpu.vector_store %arg11[%swap3A_639, %swap3A_640], %swap3A_643 {strides = array<i32>} : memref<20x128xf32, #tpu.memory_space<vmem>>, vector<1x16xf32>,
          %mul3A_644 = arith.constant 128 : i32
          %mul3A_645 = arith.muli %scan3A_599, %mul3A_644 : i32
          %add3A_646 = arith.constant 48 : i32
          %add3A_647 = arith.addi %mul3A_645, %add3A_646 : i32
          %get3A_648 = arith.index_cast %add3A_647 : i32 to index
          %get3A_649 = tpu.vector_load %arg7[%get3A_648] {strides = array<i32>} : memref<2560xf32, #tpu.memory_space<vmem>>, vector<16xf32>,
          %get3A_650 = vector.shape_cast %get3A_649 : vector<16xf32> to vector<16xf32>
          %mul3A_651 = arith.constant 8.000000e+00 : f32
          %mul3A_652 = vector.broadcast %mul3A_651 : f32 to vector<16xf32>
          %mul3A_653 = arith.mulf %get3A_650, %mul3A_652 : vector<16xf32>
          %swap3A_654 = arith.index_cast %scan3A_599 : i32 to index
          %swap3A_655 = arith.constant 48 : index
          %swap3A_656 = tpu.vector_load %arg11[%swap3A_654, %swap3A_655] {strides = array<i32>} : memref<20x128xf32, #tpu.memory_space<vmem>>, vector<1x16xf32>,
          %swap3A_657 = vector.shape_cast %swap3A_656 : vector<1x16xf32> to vector<16xf32>
          %swap3A_658 = vector.shape_cast %mul3A_653 : vector<16xf32> to vector<1x16xf32>
          tpu.vector_store %arg11[%swap3A_654, %swap3A_655], %swap3A_658 {strides = array<i32>} : memref<20x128xf32, #tpu.memory_space<vmem>>, vector<1x16xf32>,
          %mul3A_659 = arith.constant 128 : i32
          %mul3A_660 = arith.muli %scan3A_599, %mul3A_659 : i32
          %add3A_661 = arith.constant 64 : i32
          %add3A_662 = arith.addi %mul3A_660, %add3A_661 : i32
          %get3A_663 = arith.index_cast %add3A_662 : i32 to index
          %get3A_664 = tpu.vector_load %arg7[%get3A_663] {strides = array<i32>} : memref<2560xf32, #tpu.memory_space<vmem>>, vector<16xf32>,
          %get3A_665 = vector.shape_cast %get3A_664 : vector<16xf32> to vector<16xf32>
          %mul3A_666 = arith.constant 8.000000e+00 : f32
          %mul3A_667 = vector.broadcast %mul3A_666 : f32 to vector<16xf32>
          %mul3A_668 = arith.mulf %get3A_665, %mul3A_667 : vector<16xf32>
          %swap3A_669 = arith.index_cast %scan3A_599 : i32 to index
          %swap3A_670 = arith.constant 64 : index
          %swap3A_671 = tpu.vector_load %arg11[%swap3A_669, %swap3A_670] {strides = array<i32>} : memref<20x128xf32, #tpu.memory_space<vmem>>, vector<1x16xf32>,
          %swap3A_672 = vector.shape_cast %swap3A_671 : vector<1x16xf32> to vector<16xf32>
          %swap3A_673 = vector.shape_cast %mul3A_668 : vector<16xf32> to vector<1x16xf32>
          tpu.vector_store %arg11[%swap3A_669, %swap3A_670], %swap3A_673 {strides = array<i32>} : memref<20x128xf32, #tpu.memory_space<vmem>>, vector<1x16xf32>,
          %mul3A_674 = arith.constant 128 : i32
          %mul3A_675 = arith.muli %scan3A_599, %mul3A_674 : i32
          %add3A_676 = arith.constant 80 : i32
          %add3A_677 = arith.addi %mul3A_675, %add3A_676 : i32
          %get3A_678 = arith.index_cast %add3A_677 : i32 to index
          %get3A_679 = tpu.vector_load %arg7[%get3A_678] {strides = array<i32>} : memref<2560xf32, #tpu.memory_space<vmem>>, vector<16xf32>,
          %get3A_680 = vector.shape_cast %get3A_679 : vector<16xf32> to vector<16xf32>
          %mul3A_681 = arith.constant 8.000000e+00 : f32
          %mul3A_682 = vector.broadcast %mul3A_681 : f32 to vector<16xf32>
          %mul3A_683 = arith.mulf %get3A_680, %mul3A_682 : vector<16xf32>
          %swap3A_684 = arith.index_cast %scan3A_599 : i32 to index
          %swap3A_685 = arith.constant 80 : index
          %swap3A_686 = tpu.vector_load %arg11[%swap3A_684, %swap3A_685] {strides = array<i32>} : memref<20x128xf32, #tpu.memory_space<vmem>>, vector<1x16xf32>,
          %swap3A_687 = vector.shape_cast %swap3A_686 : vector<1x16xf32> to vector<16xf32>
          %swap3A_688 = vector.shape_cast %mul3A_683 : vector<16xf32> to vector<1x16xf32>
          tpu.vector_store %arg11[%swap3A_684, %swap3A_685], %swap3A_688 {strides = array<i32>} : memref<20x128xf32, #tpu.memory_space<vmem>>, vector<1x16xf32>,
          %mul3A_689 = arith.constant 128 : i32
          %mul3A_690 = arith.muli %scan3A_599, %mul3A_689 : i32
          %add3A_691 = arith.constant 96 : i32
          %add3A_692 = arith.addi %mul3A_690, %add3A_691 : i32
          %get3A_693 = arith.index_cast %add3A_692 : i32 to index
          %get3A_694 = tpu.vector_load %arg7[%get3A_693] {strides = array<i32>} : memref<2560xf32, #tpu.memory_space<vmem>>, vector<16xf32>,
          %get3A_695 = vector.shape_cast %get3A_694 : vector<16xf32> to vector<16xf32>
          %mul3A_696 = arith.constant 8.000000e+00 : f32
          %mul3A_697 = vector.broadcast %mul3A_696 : f32 to vector<16xf32>
          %mul3A_698 = arith.mulf %get3A_695, %mul3A_697 : vector<16xf32>
          %swap3A_699 = arith.index_cast %scan3A_599 : i32 to index
          %swap3A_700 = arith.constant 96 : index
          %swap3A_701 = tpu.vector_load %arg11[%swap3A_699, %swap3A_700] {strides = array<i32>} : memref<20x128xf32, #tpu.memory_space<vmem>>, vector<1x16xf32>,
          %swap3A_702 = vector.shape_cast %swap3A_701 : vector<1x16xf32> to vector<16xf32>
          %swap3A_703 = vector.shape_cast %mul3A_698 : vector<16xf32> to vector<1x16xf32>
          tpu.vector_store %arg11[%swap3A_699, %swap3A_700], %swap3A_703 {strides = array<i32>} : memref<20x128xf32, #tpu.memory_space<vmem>>, vector<1x16xf32>,
          %mul3A_704 = arith.constant 128 : i32
          %mul3A_705 = arith.muli %scan3A_599, %mul3A_704 : i32
          %add3A_706 = arith.constant 112 : i32
          %add3A_707 = arith.addi %mul3A_705, %add3A_706 : i32
          %get3A_708 = arith.index_cast %add3A_707 : i32 to index
          %get3A_709 = tpu.vector_load %arg7[%get3A_708] {strides = array<i32>} : memref<2560xf32, #tpu.memory_space<vmem>>, vector<16xf32>,
          %get3A_710 = vector.shape_cast %get3A_709 : vector<16xf32> to vector<16xf32>
          %mul3A_711 = arith.constant 8.000000e+00 : f32
          %mul3A_712 = vector.broadcast %mul3A_711 : f32 to vector<16xf32>
          %mul3A_713 = arith.mulf %get3A_710, %mul3A_712 : vector<16xf32>
          %swap3A_714 = arith.index_cast %scan3A_599 : i32 to index
          %swap3A_715 = arith.constant 112 : index
          %swap3A_716 = tpu.vector_load %arg11[%swap3A_714, %swap3A_715] {strides = array<i32>} : memref<20x128xf32, #tpu.memory_space<vmem>>, vector<1x16xf32>,
          %swap3A_717 = vector.shape_cast %swap3A_716 : vector<1x16xf32> to vector<16xf32>
          %swap3A_718 = vector.shape_cast %mul3A_713 : vector<16xf32> to vector<1x16xf32>
          tpu.vector_store %arg11[%swap3A_714, %swap3A_715], %swap3A_718 {strides = array<i32>} : memref<20x128xf32, #tpu.memory_space<vmem>>, vector<1x16xf32>,
          %scan3A_719 = arith.constant 0 : i32
          scf.yield %scan3A_719 : i32
        }
        %scan3A_388 = arith.constant 20 : i32
        %jit3A_389 = arith.constant 10 : i32
        %div3A_390 = arith.divsi %add3A_361, %jit3A_389 : i32
        %sign3A_391 = arith.constant 0 : i32
        %sign3A_392 = arith.cmpi sgt, %add3A_361, %sign3A_391 : i32
        %sign3A_393 = arith.extui %sign3A_392 : i1 to i32
        %sign3A_394 = arith.constant 0 : i32
        %sign3A_395 = arith.cmpi slt, %add3A_361, %sign3A_394 : i32
        %sign3A_396 = arith.extui %sign3A_395 : i1 to i32
        %sign3A_397 = arith.subi %sign3A_393, %sign3A_396 : i32
        %sign3A_398 = arith.constant 0 : i32
        %sign3A_399 = arith.cmpi sgt, %jit3A_389, %sign3A_398 : i32
        %sign3A_400 = arith.extui %sign3A_399 : i1 to i32
        %sign3A_401 = arith.constant 0 : i32
        %sign3A_402 = arith.cmpi slt, %jit3A_389, %sign3A_401 : i32
        %sign3A_403 = arith.extui %sign3A_402 : i1 to i32
        %sign3A_404 = arith.subi %sign3A_400, %sign3A_403 : i32
        %ne3A_405 = arith.cmpi ne, %sign3A_397, %sign3A_404 : i32
        %rem3A_406 = arith.remsi %add3A_361, %jit3A_389 : i32
        %ne3A_407 = arith.constant 0 : i32
        %ne3A_408 = arith.cmpi ne, %rem3A_406, %ne3A_407 : i32
        %and3A_409 = arith.andi %ne3A_405, %ne3A_408 : i1
        %sub3A_410 = arith.constant 1 : i32
        %sub3A_411 = arith.subi %div3A_390, %sub3A_410 : i32
        %select_n3A_412 = arith.select %and3A_409, %sub3A_411, %div3A_390 : i32
        %jit3A_413 = arith.constant 10 : i32
        %eq3A_414 = arith.constant 0 : i32
        %eq3A_415 = arith.cmpi eq, %jit3A_413, %eq3A_414 : i32
        %jit3A_416 = arith.constant 1 : i32
        %select_n3A_417 = arith.select %eq3A_415, %jit3A_416, %jit3A_413 : i32
        %rem3A_418 = arith.remsi %add3A_361, %select_n3A_417 : i32
        %ne3A_419 = arith.constant 0 : i32
        %ne3A_420 = arith.cmpi ne, %rem3A_418, %ne3A_419 : i32
        %lt3A_421 = arith.constant 0 : i32
        %lt3A_422 = arith.cmpi slt, %rem3A_418, %lt3A_421 : i32
        %lt3A_423 = arith.constant 0 : i32
        %lt3A_424 = arith.cmpi slt, %select_n3A_417, %lt3A_423 : i32
        %ne3A_425 = arith.xori %lt3A_422, %lt3A_424 : i1
        %and3A_426 = arith.andi %ne3A_425, %ne3A_420 : i1
        %add3A_427 = arith.addi %rem3A_418, %select_n3A_417 : i32
        %select_n3A_428 = arith.select %and3A_426, %add3A_427, %rem3A_418 : i32
        %mul3A_429 = arith.constant 20 : i32
        %mul3A_430 = arith.muli %select_n3A_428, %mul3A_429 : i32
        %mul3A_431 = arith.constant 128 : i32
        %mul3A_432 = arith.muli %select_n3A_412, %mul3A_431 : i32
        %add3A_433 = arith.addi %mul3A_0, %mul3A_432 : i32
        %dma_start3A_434 = tpu.memref_slice %arg5[%mul3A_430, %add3A_38, %add3A_433] : memref<200x64x4096xf32, #tpu.memory_space<hbm>> -> memref<20x1x128xf32, #tpu.memory_space<hbm>>
        %dma_start3A_435 = tpu.memref_squeeze %dma_start3A_434 : memref<20x1x128xf32, #tpu.memory_space<hbm>> -> memref<20x128xf32, #tpu.memory_space<hbm>>
        %dma_start3A_436 = tpu.memref_slice %arg5[%mul3A_430, %add3A_38, %add3A_433] : memref<200x64x4096xf32, #tpu.memory_space<hbm>> -> memref<20x1x128xf32, #tpu.memory_space<hbm>>
        %dma_start3A_437 = tpu.memref_squeeze %dma_start3A_436 : memref<20x1x128xf32, #tpu.memory_space<hbm>> -> memref<20x128xf32, #tpu.memory_space<hbm>>
        tpu.enqueue_dma source(%arg11 : memref<20x128xf32, #tpu.memory_space<vmem>>) target(%dma_start3A_437 : memref<20x128xf32, #tpu.memory_space<hbm>>) target_semaphore(%arg16 : memref<!tpu.dma_semaphore, #tpu.memory_space<semaphore_mem>>)
        %mul3A_438 = arith.constant 6 : i32
        %mul3A_439 = arith.muli %mul3A_438, %scan3A_126 : i32
        %add3A_440 = arith.constant 4 : i32
        %add3A_441 = arith.addi %mul3A_439, %add3A_440 : i32
        %mul3A_442 = arith.constant 2560 : i32
        %mul3A_443 = arith.muli %add3A_441, %mul3A_442 : i32
        %dma_wait3A_444 = tpu.memref_slice %arg6[%mul3A_443] : memref<51200xi32, #tpu.memory_space<vmem>> -> memref<2560xi32, #tpu.memory_space<vmem>>
        %dma_wait3A_445 = arith.constant 0 : i32
        %dma_wait3A_446 = tpu.memref_slice %arg12[%dma_wait3A_445] : memref<1000064xf32, #tpu.memory_space<vmem_shared>> -> memref<1000064xf32, #tpu.memory_space<vmem_shared>>
        tpu.wait_indirect_dma semaphore(%arg14 : memref<!tpu.dma_semaphore, #tpu.memory_space<semaphore_mem>>) src(%dma_wait3A_446 : memref<1000064xf32, #tpu.memory_space<vmem_shared>>) dst(%arg8 : memref<2560xf32, #tpu.memory_space<vmem>>)
        %add3A_447 = arith.constant 2 : i32
        %add3A_448 = arith.addi %add3A_441, %add3A_447 : i32
        %lt3A_449 = arith.constant 20 : i32
        %lt3A_450 = arith.cmpi slt, %add3A_448, %lt3A_449 : i32
        %convert_element_type3A_451 = arith.extui %lt3A_450 : i1 to i32
        %cond3A_452 = arith.constant 0 : i32
        %cond3A_453 = arith.cmpi ne, %convert_element_type3A_451, %cond3A_452 : i32
        scf.if %cond3A_453 {
          %add3A_599 = arith.constant 2 : i32
          %add3A_600 = arith.addi %add3A_441, %add3A_599 : i32
          %mul3A_601 = arith.constant 2560 : i32
          %mul3A_602 = arith.muli %add3A_600, %mul3A_601 : i32
          %dma_start3A_603 = tpu.memref_slice %arg6[%mul3A_602] : memref<51200xi32, #tpu.memory_space<vmem>> -> memref<2560xi32, #tpu.memory_space<vmem>>
          %dma_start3A_604 = arith.constant 0 : i32
          %dma_start3A_605 = tpu.memref_slice %arg12[%dma_start3A_604] : memref<1000064xf32, #tpu.memory_space<vmem_shared>> -> memref<1000064xf32, #tpu.memory_space<vmem_shared>>
          tpu.enqueue_indirect_dma source(%dma_start3A_605 : memref<1000064xf32, #tpu.memory_space<vmem_shared>>) target(%arg7 : memref<2560xf32, #tpu.memory_space<vmem>>) offsets(%dma_start3A_603 : memref<2560xi32, #tpu.memory_space<vmem>>) semaphore(%arg14 : memref<!tpu.dma_semaphore, #tpu.memory_space<semaphore_mem>>)
        } else {
        }
        %gt3A_454 = arith.constant 0 : i32
        %gt3A_455 = arith.cmpi sgt, %scan3A_34, %gt3A_454 : i32
        %ge3A_456 = arith.constant 2 : i32
        %ge3A_457 = arith.cmpi sge, %add3A_441, %ge3A_456 : i32
        %or3A_458 = arith.ori %gt3A_455, %ge3A_457 : i1
        %convert_element_type3A_459 = arith.extui %or3A_458 : i1 to i32
        %cond3A_460 = arith.constant 0 : i32
        %cond3A_461 = arith.cmpi ne, %convert_element_type3A_459, %cond3A_460 : i32
        scf.if %cond3A_461 {
          %ge3A_599 = arith.constant 2 : i32
          %ge3A_600 = arith.cmpi sge, %add3A_441, %ge3A_599 : i32
          %sub3A_601 = arith.constant 1 : i32
          %sub3A_602 = arith.subi %add3A_38, %sub3A_601 : i32
          %select_n3A_603 = arith.select %ge3A_600, %add3A_38, %sub3A_602 : i32
          %ge3A_604 = arith.constant 2 : i32
          %ge3A_605 = arith.cmpi sge, %add3A_441, %ge3A_604 : i32
          %sub3A_606 = arith.constant 2 : i32
          %sub3A_607 = arith.subi %add3A_441, %sub3A_606 : i32
          %add3A_608 = arith.constant 20 : i32
          %add3A_609 = arith.addi %add3A_441, %add3A_608 : i32
          %sub3A_610 = arith.constant 2 : i32
          %sub3A_611 = arith.subi %add3A_609, %sub3A_610 : i32
          %select_n3A_612 = arith.select %ge3A_605, %sub3A_607, %sub3A_611 : i32
          %jit3A_613 = arith.constant 10 : i32
          %div3A_614 = arith.divsi %select_n3A_612, %jit3A_613 : i32
          %sign3A_615 = arith.constant 0 : i32
          %sign3A_616 = arith.cmpi sgt, %select_n3A_612, %sign3A_615 : i32
          %sign3A_617 = arith.extui %sign3A_616 : i1 to i32
          %sign3A_618 = arith.constant 0 : i32
          %sign3A_619 = arith.cmpi slt, %select_n3A_612, %sign3A_618 : i32
          %sign3A_620 = arith.extui %sign3A_619 : i1 to i32
          %sign3A_621 = arith.subi %sign3A_617, %sign3A_620 : i32
          %sign3A_622 = arith.constant 0 : i32
          %sign3A_623 = arith.cmpi sgt, %jit3A_613, %sign3A_622 : i32
          %sign3A_624 = arith.extui %sign3A_623 : i1 to i32
          %sign3A_625 = arith.constant 0 : i32
          %sign3A_626 = arith.cmpi slt, %jit3A_613, %sign3A_625 : i32
          %sign3A_627 = arith.extui %sign3A_626 : i1 to i32
          %sign3A_628 = arith.subi %sign3A_624, %sign3A_627 : i32
          %ne3A_629 = arith.cmpi ne, %sign3A_621, %sign3A_628 : i32
          %rem3A_630 = arith.remsi %select_n3A_612, %jit3A_613 : i32
          %ne3A_631 = arith.constant 0 : i32
          %ne3A_632 = arith.cmpi ne, %rem3A_630, %ne3A_631 : i32
          %and3A_633 = arith.andi %ne3A_629, %ne3A_632 : i1
          %sub3A_634 = arith.constant 1 : i32
          %sub3A_635 = arith.subi %div3A_614, %sub3A_634 : i32
          %select_n3A_636 = arith.select %and3A_633, %sub3A_635, %div3A_614 : i32
          %jit3A_637 = arith.constant 10 : i32
          %eq3A_638 = arith.constant 0 : i32
          %eq3A_639 = arith.cmpi eq, %jit3A_637, %eq3A_638 : i32
          %jit3A_640 = arith.constant 1 : i32
          %select_n3A_641 = arith.select %eq3A_639, %jit3A_640, %jit3A_637 : i32
          %rem3A_642 = arith.remsi %select_n3A_612, %select_n3A_641 : i32
          %ne3A_643 = arith.constant 0 : i32
          %ne3A_644 = arith.cmpi ne, %rem3A_642, %ne3A_643 : i32
          %lt3A_645 = arith.constant 0 : i32
          %lt3A_646 = arith.cmpi slt, %rem3A_642, %lt3A_645 : i32
          %lt3A_647 = arith.constant 0 : i32
          %lt3A_648 = arith.cmpi slt, %select_n3A_641, %lt3A_647 : i32
          %ne3A_649 = arith.xori %lt3A_646, %lt3A_648 : i1
          %and3A_650 = arith.andi %ne3A_649, %ne3A_644 : i1
          %add3A_651 = arith.addi %rem3A_642, %select_n3A_641 : i32
          %select_n3A_652 = arith.select %and3A_650, %add3A_651, %rem3A_642 : i32
          %mul3A_653 = arith.constant 20 : i32
          %mul3A_654 = arith.muli %select_n3A_652, %mul3A_653 : i32
          %mul3A_655 = arith.constant 128 : i32
          %mul3A_656 = arith.muli %select_n3A_636, %mul3A_655 : i32
          %add3A_657 = arith.addi %mul3A_0, %mul3A_656 : i32
          %dma_wait3A_658 = tpu.memref_slice %arg5[%mul3A_654, %select_n3A_603, %add3A_657] : memref<200x64x4096xf32, #tpu.memory_space<hbm>> -> memref<20x1x128xf32, #tpu.memory_space<hbm>>
          %dma_wait3A_659 = tpu.memref_squeeze %dma_wait3A_658 : memref<20x1x128xf32, #tpu.memory_space<hbm>> -> memref<20x128xf32, #tpu.memory_space<hbm>>
          %dma_wait3A_660 = tpu.memref_slice %arg5[%mul3A_654, %select_n3A_603, %add3A_657] : memref<200x64x4096xf32, #tpu.memory_space<hbm>> -> memref<20x1x128xf32, #tpu.memory_space<hbm>>
          %dma_wait3A_661 = tpu.memref_squeeze %dma_wait3A_660 : memref<20x1x128xf32, #tpu.memory_space<hbm>> -> memref<20x128xf32, #tpu.memory_space<hbm>>
          tpu.wait_dma2 semaphore(%arg15 : memref<!tpu.dma_semaphore, #tpu.memory_space<semaphore_mem>>) src(%arg10 : memref<20x128xf32, #tpu.memory_space<vmem>>) dst(%dma_wait3A_661 : memref<20x128xf32, #tpu.memory_space<hbm>>)
        } else {
        }
        %scan3A_462 = arith.constant 0 : i32
        %scan3A_463 = arith.constant 0 : i32
        %scan3A_464 = arith.constant 20 : i32
        %scan3A_465 = arith.addi %scan3A_463, %scan3A_464 : i32
        %scan3A_466 = arith.constant 1 : i32
        %scan3A_467 = scf.for %scan3A_599 = %scan3A_463 to %scan3A_465 step %scan3A_466 iter_args(%scan3A_600 = %scan3A_462) -> (i32)  : i32 {
          %mul3A_601 = arith.constant 128 : i32
          %mul3A_602 = arith.muli %scan3A_599, %mul3A_601 : i32
          %add3A_603 = arith.constant 0 : i32
          %add3A_604 = arith.addi %mul3A_602, %add3A_603 : i32
          %get3A = arith.index_cast %add3A_604 : i32 to index
          %get3A_605 = tpu.vector_load %arg8[%get3A] {strides = array<i32>} : memref<2560xf32, #tpu.memory_space<vmem>>, vector<16xf32>,
          %get3A_606 = vector.shape_cast %get3A_605 : vector<16xf32> to vector<16xf32>
          %mul3A_607 = arith.constant 8.000000e+00 : f32
          %mul3A_608 = vector.broadcast %mul3A_607 : f32 to vector<16xf32>
          %mul3A_609 = arith.mulf %get3A_606, %mul3A_608 : vector<16xf32>
          %swap3A = arith.index_cast %scan3A_599 : i32 to index
          %swap3A_610 = arith.constant 0 : index
          %swap3A_611 = tpu.vector_load %arg10[%swap3A, %swap3A_610] {strides = array<i32>} : memref<20x128xf32, #tpu.memory_space<vmem>>, vector<1x16xf32>,
          %swap3A_612 = vector.shape_cast %swap3A_611 : vector<1x16xf32> to vector<16xf32>
          %swap3A_613 = vector.shape_cast %mul3A_609 : vector<16xf32> to vector<1x16xf32>
          tpu.vector_store %arg10[%swap3A, %swap3A_610], %swap3A_613 {strides = array<i32>} : memref<20x128xf32, #tpu.memory_space<vmem>>, vector<1x16xf32>,
          %mul3A_614 = arith.constant 128 : i32
          %mul3A_615 = arith.muli %scan3A_599, %mul3A_614 : i32
          %add3A_616 = arith.constant 16 : i32
          %add3A_617 = arith.addi %mul3A_615, %add3A_616 : i32
          %get3A_618 = arith.index_cast %add3A_617 : i32 to index
          %get3A_619 = tpu.vector_load %arg8[%get3A_618] {strides = array<i32>} : memref<2560xf32, #tpu.memory_space<vmem>>, vector<16xf32>,
          %get3A_620 = vector.shape_cast %get3A_619 : vector<16xf32> to vector<16xf32>
          %mul3A_621 = arith.constant 8.000000e+00 : f32
          %mul3A_622 = vector.broadcast %mul3A_621 : f32 to vector<16xf32>
          %mul3A_623 = arith.mulf %get3A_620, %mul3A_622 : vector<16xf32>
          %swap3A_624 = arith.index_cast %scan3A_599 : i32 to index
          %swap3A_625 = arith.constant 16 : index
          %swap3A_626 = tpu.vector_load %arg10[%swap3A_624, %swap3A_625] {strides = array<i32>} : memref<20x128xf32, #tpu.memory_space<vmem>>, vector<1x16xf32>,
          %swap3A_627 = vector.shape_cast %swap3A_626 : vector<1x16xf32> to vector<16xf32>
          %swap3A_628 = vector.shape_cast %mul3A_623 : vector<16xf32> to vector<1x16xf32>
          tpu.vector_store %arg10[%swap3A_624, %swap3A_625], %swap3A_628 {strides = array<i32>} : memref<20x128xf32, #tpu.memory_space<vmem>>, vector<1x16xf32>,
          %mul3A_629 = arith.constant 128 : i32
          %mul3A_630 = arith.muli %scan3A_599, %mul3A_629 : i32
          %add3A_631 = arith.constant 32 : i32
          %add3A_632 = arith.addi %mul3A_630, %add3A_631 : i32
          %get3A_633 = arith.index_cast %add3A_632 : i32 to index
          %get3A_634 = tpu.vector_load %arg8[%get3A_633] {strides = array<i32>} : memref<2560xf32, #tpu.memory_space<vmem>>, vector<16xf32>,
          %get3A_635 = vector.shape_cast %get3A_634 : vector<16xf32> to vector<16xf32>
          %mul3A_636 = arith.constant 8.000000e+00 : f32
          %mul3A_637 = vector.broadcast %mul3A_636 : f32 to vector<16xf32>
          %mul3A_638 = arith.mulf %get3A_635, %mul3A_637 : vector<16xf32>
          %swap3A_639 = arith.index_cast %scan3A_599 : i32 to index
          %swap3A_640 = arith.constant 32 : index
          %swap3A_641 = tpu.vector_load %arg10[%swap3A_639, %swap3A_640] {strides = array<i32>} : memref<20x128xf32, #tpu.memory_space<vmem>>, vector<1x16xf32>,
          %swap3A_642 = vector.shape_cast %swap3A_641 : vector<1x16xf32> to vector<16xf32>
          %swap3A_643 = vector.shape_cast %mul3A_638 : vector<16xf32> to vector<1x16xf32>
          tpu.vector_store %arg10[%swap3A_639, %swap3A_640], %swap3A_643 {strides = array<i32>} : memref<20x128xf32, #tpu.memory_space<vmem>>, vector<1x16xf32>,
          %mul3A_644 = arith.constant 128 : i32
          %mul3A_645 = arith.muli %scan3A_599, %mul3A_644 : i32
          %add3A_646 = arith.constant 48 : i32
          %add3A_647 = arith.addi %mul3A_645, %add3A_646 : i32
          %get3A_648 = arith.index_cast %add3A_647 : i32 to index
          %get3A_649 = tpu.vector_load %arg8[%get3A_648] {strides = array<i32>} : memref<2560xf32, #tpu.memory_space<vmem>>, vector<16xf32>,
          %get3A_650 = vector.shape_cast %get3A_649 : vector<16xf32> to vector<16xf32>
          %mul3A_651 = arith.constant 8.000000e+00 : f32
          %mul3A_652 = vector.broadcast %mul3A_651 : f32 to vector<16xf32>
          %mul3A_653 = arith.mulf %get3A_650, %mul3A_652 : vector<16xf32>
          %swap3A_654 = arith.index_cast %scan3A_599 : i32 to index
          %swap3A_655 = arith.constant 48 : index
          %swap3A_656 = tpu.vector_load %arg10[%swap3A_654, %swap3A_655] {strides = array<i32>} : memref<20x128xf32, #tpu.memory_space<vmem>>, vector<1x16xf32>,
          %swap3A_657 = vector.shape_cast %swap3A_656 : vector<1x16xf32> to vector<16xf32>
          %swap3A_658 = vector.shape_cast %mul3A_653 : vector<16xf32> to vector<1x16xf32>
          tpu.vector_store %arg10[%swap3A_654, %swap3A_655], %swap3A_658 {strides = array<i32>} : memref<20x128xf32, #tpu.memory_space<vmem>>, vector<1x16xf32>,
          %mul3A_659 = arith.constant 128 : i32
          %mul3A_660 = arith.muli %scan3A_599, %mul3A_659 : i32
          %add3A_661 = arith.constant 64 : i32
          %add3A_662 = arith.addi %mul3A_660, %add3A_661 : i32
          %get3A_663 = arith.index_cast %add3A_662 : i32 to index
          %get3A_664 = tpu.vector_load %arg8[%get3A_663] {strides = array<i32>} : memref<2560xf32, #tpu.memory_space<vmem>>, vector<16xf32>,
          %get3A_665 = vector.shape_cast %get3A_664 : vector<16xf32> to vector<16xf32>
          %mul3A_666 = arith.constant 8.000000e+00 : f32
          %mul3A_667 = vector.broadcast %mul3A_666 : f32 to vector<16xf32>
          %mul3A_668 = arith.mulf %get3A_665, %mul3A_667 : vector<16xf32>
          %swap3A_669 = arith.index_cast %scan3A_599 : i32 to index
          %swap3A_670 = arith.constant 64 : index
          %swap3A_671 = tpu.vector_load %arg10[%swap3A_669, %swap3A_670] {strides = array<i32>} : memref<20x128xf32, #tpu.memory_space<vmem>>, vector<1x16xf32>,
          %swap3A_672 = vector.shape_cast %swap3A_671 : vector<1x16xf32> to vector<16xf32>
          %swap3A_673 = vector.shape_cast %mul3A_668 : vector<16xf32> to vector<1x16xf32>
          tpu.vector_store %arg10[%swap3A_669, %swap3A_670], %swap3A_673 {strides = array<i32>} : memref<20x128xf32, #tpu.memory_space<vmem>>, vector<1x16xf32>,
          %mul3A_674 = arith.constant 128 : i32
          %mul3A_675 = arith.muli %scan3A_599, %mul3A_674 : i32
          %add3A_676 = arith.constant 80 : i32
          %add3A_677 = arith.addi %mul3A_675, %add3A_676 : i32
          %get3A_678 = arith.index_cast %add3A_677 : i32 to index
          %get3A_679 = tpu.vector_load %arg8[%get3A_678] {strides = array<i32>} : memref<2560xf32, #tpu.memory_space<vmem>>, vector<16xf32>,
          %get3A_680 = vector.shape_cast %get3A_679 : vector<16xf32> to vector<16xf32>
          %mul3A_681 = arith.constant 8.000000e+00 : f32
          %mul3A_682 = vector.broadcast %mul3A_681 : f32 to vector<16xf32>
          %mul3A_683 = arith.mulf %get3A_680, %mul3A_682 : vector<16xf32>
          %swap3A_684 = arith.index_cast %scan3A_599 : i32 to index
          %swap3A_685 = arith.constant 80 : index
          %swap3A_686 = tpu.vector_load %arg10[%swap3A_684, %swap3A_685] {strides = array<i32>} : memref<20x128xf32, #tpu.memory_space<vmem>>, vector<1x16xf32>,
          %swap3A_687 = vector.shape_cast %swap3A_686 : vector<1x16xf32> to vector<16xf32>
          %swap3A_688 = vector.shape_cast %mul3A_683 : vector<16xf32> to vector<1x16xf32>
          tpu.vector_store %arg10[%swap3A_684, %swap3A_685], %swap3A_688 {strides = array<i32>} : memref<20x128xf32, #tpu.memory_space<vmem>>, vector<1x16xf32>,
          %mul3A_689 = arith.constant 128 : i32
          %mul3A_690 = arith.muli %scan3A_599, %mul3A_689 : i32
          %add3A_691 = arith.constant 96 : i32
          %add3A_692 = arith.addi %mul3A_690, %add3A_691 : i32
          %get3A_693 = arith.index_cast %add3A_692 : i32 to index
          %get3A_694 = tpu.vector_load %arg8[%get3A_693] {strides = array<i32>} : memref<2560xf32, #tpu.memory_space<vmem>>, vector<16xf32>,
          %get3A_695 = vector.shape_cast %get3A_694 : vector<16xf32> to vector<16xf32>
          %mul3A_696 = arith.constant 8.000000e+00 : f32
          %mul3A_697 = vector.broadcast %mul3A_696 : f32 to vector<16xf32>
          %mul3A_698 = arith.mulf %get3A_695, %mul3A_697 : vector<16xf32>
          %swap3A_699 = arith.index_cast %scan3A_599 : i32 to index
          %swap3A_700 = arith.constant 96 : index
          %swap3A_701 = tpu.vector_load %arg10[%swap3A_699, %swap3A_700] {strides = array<i32>} : memref<20x128xf32, #tpu.memory_space<vmem>>, vector<1x16xf32>,
          %swap3A_702 = vector.shape_cast %swap3A_701 : vector<1x16xf32> to vector<16xf32>
          %swap3A_703 = vector.shape_cast %mul3A_698 : vector<16xf32> to vector<1x16xf32>
          tpu.vector_store %arg10[%swap3A_699, %swap3A_700], %swap3A_703 {strides = array<i32>} : memref<20x128xf32, #tpu.memory_space<vmem>>, vector<1x16xf32>,
          %mul3A_704 = arith.constant 128 : i32
          %mul3A_705 = arith.muli %scan3A_599, %mul3A_704 : i32
          %add3A_706 = arith.constant 112 : i32
          %add3A_707 = arith.addi %mul3A_705, %add3A_706 : i32
          %get3A_708 = arith.index_cast %add3A_707 : i32 to index
          %get3A_709 = tpu.vector_load %arg8[%get3A_708] {strides = array<i32>} : memref<2560xf32, #tpu.memory_space<vmem>>, vector<16xf32>,
          %get3A_710 = vector.shape_cast %get3A_709 : vector<16xf32> to vector<16xf32>
          %mul3A_711 = arith.constant 8.000000e+00 : f32
          %mul3A_712 = vector.broadcast %mul3A_711 : f32 to vector<16xf32>
          %mul3A_713 = arith.mulf %get3A_710, %mul3A_712 : vector<16xf32>
          %swap3A_714 = arith.index_cast %scan3A_599 : i32 to index
          %swap3A_715 = arith.constant 112 : index
          %swap3A_716 = tpu.vector_load %arg10[%swap3A_714, %swap3A_715] {strides = array<i32>} : memref<20x128xf32, #tpu.memory_space<vmem>>, vector<1x16xf32>,
          %swap3A_717 = vector.shape_cast %swap3A_716 : vector<1x16xf32> to vector<16xf32>
          %swap3A_718 = vector.shape_cast %mul3A_713 : vector<16xf32> to vector<1x16xf32>
          tpu.vector_store %arg10[%swap3A_714, %swap3A_715], %swap3A_718 {strides = array<i32>} : memref<20x128xf32, #tpu.memory_space<vmem>>, vector<1x16xf32>,
          %scan3A_719 = arith.constant 0 : i32
          scf.yield %scan3A_719 : i32
        }
        %scan3A_468 = arith.constant 20 : i32
        %jit3A_469 = arith.constant 10 : i32
        %div3A_470 = arith.divsi %add3A_441, %jit3A_469 : i32
        %sign3A_471 = arith.constant 0 : i32
        %sign3A_472 = arith.cmpi sgt, %add3A_441, %sign3A_471 : i32
        %sign3A_473 = arith.extui %sign3A_472 : i1 to i32
        %sign3A_474 = arith.constant 0 : i32
        %sign3A_475 = arith.cmpi slt, %add3A_441, %sign3A_474 : i32
        %sign3A_476 = arith.extui %sign3A_475 : i1 to i32
        %sign3A_477 = arith.subi %sign3A_473, %sign3A_476 : i32
        %sign3A_478 = arith.constant 0 : i32
        %sign3A_479 = arith.cmpi sgt, %jit3A_469, %sign3A_478 : i32
        %sign3A_480 = arith.extui %sign3A_479 : i1 to i32
        %sign3A_481 = arith.constant 0 : i32
        %sign3A_482 = arith.cmpi slt, %jit3A_469, %sign3A_481 : i32
        %sign3A_483 = arith.extui %sign3A_482 : i1 to i32
        %sign3A_484 = arith.subi %sign3A_480, %sign3A_483 : i32
        %ne3A_485 = arith.cmpi ne, %sign3A_477, %sign3A_484 : i32
        %rem3A_486 = arith.remsi %add3A_441, %jit3A_469 : i32
        %ne3A_487 = arith.constant 0 : i32
        %ne3A_488 = arith.cmpi ne, %rem3A_486, %ne3A_487 : i32
        %and3A_489 = arith.andi %ne3A_485, %ne3A_488 : i1
        %sub3A_490 = arith.constant 1 : i32
        %sub3A_491 = arith.subi %div3A_470, %sub3A_490 : i32
        %select_n3A_492 = arith.select %and3A_489, %sub3A_491, %div3A_470 : i32
        %jit3A_493 = arith.constant 10 : i32
        %eq3A_494 = arith.constant 0 : i32
        %eq3A_495 = arith.cmpi eq, %jit3A_493, %eq3A_494 : i32
        %jit3A_496 = arith.constant 1 : i32
        %select_n3A_497 = arith.select %eq3A_495, %jit3A_496, %jit3A_493 : i32
        %rem3A_498 = arith.remsi %add3A_441, %select_n3A_497 : i32
        %ne3A_499 = arith.constant 0 : i32
        %ne3A_500 = arith.cmpi ne, %rem3A_498, %ne3A_499 : i32
        %lt3A_501 = arith.constant 0 : i32
        %lt3A_502 = arith.cmpi slt, %rem3A_498, %lt3A_501 : i32
        %lt3A_503 = arith.constant 0 : i32
        %lt3A_504 = arith.cmpi slt, %select_n3A_497, %lt3A_503 : i32
        %ne3A_505 = arith.xori %lt3A_502, %lt3A_504 : i1
        %and3A_506 = arith.andi %ne3A_505, %ne3A_500 : i1
        %add3A_507 = arith.addi %rem3A_498, %select_n3A_497 : i32
        %select_n3A_508 = arith.select %and3A_506, %add3A_507, %rem3A_498 : i32
        %mul3A_509 = arith.constant 20 : i32
        %mul3A_510 = arith.muli %select_n3A_508, %mul3A_509 : i32
        %mul3A_511 = arith.constant 128 : i32
        %mul3A_512 = arith.muli %select_n3A_492, %mul3A_511 : i32
        %add3A_513 = arith.addi %mul3A_0, %mul3A_512 : i32
        %dma_start3A_514 = tpu.memref_slice %arg5[%mul3A_510, %add3A_38, %add3A_513] : memref<200x64x4096xf32, #tpu.memory_space<hbm>> -> memref<20x1x128xf32, #tpu.memory_space<hbm>>
        %dma_start3A_515 = tpu.memref_squeeze %dma_start3A_514 : memref<20x1x128xf32, #tpu.memory_space<hbm>> -> memref<20x128xf32, #tpu.memory_space<hbm>>
        %dma_start3A_516 = tpu.memref_slice %arg5[%mul3A_510, %add3A_38, %add3A_513] : memref<200x64x4096xf32, #tpu.memory_space<hbm>> -> memref<20x1x128xf32, #tpu.memory_space<hbm>>
        %dma_start3A_517 = tpu.memref_squeeze %dma_start3A_516 : memref<20x1x128xf32, #tpu.memory_space<hbm>> -> memref<20x128xf32, #tpu.memory_space<hbm>>
        tpu.enqueue_dma source(%arg10 : memref<20x128xf32, #tpu.memory_space<vmem>>) target(%dma_start3A_517 : memref<20x128xf32, #tpu.memory_space<hbm>>) target_semaphore(%arg15 : memref<!tpu.dma_semaphore, #tpu.memory_space<semaphore_mem>>)
        %mul3A_518 = arith.constant 6 : i32
        %mul3A_519 = arith.muli %mul3A_518, %scan3A_126 : i32
        %add3A_520 = arith.constant 5 : i32
        %add3A_521 = arith.addi %mul3A_519, %add3A_520 : i32
        %mul3A_522 = arith.constant 2560 : i32
        %mul3A_523 = arith.muli %add3A_521, %mul3A_522 : i32
        %dma_wait3A_524 = tpu.memref_slice %arg6[%mul3A_523] : memref<51200xi32, #tpu.memory_space<vmem>> -> memref<2560xi32, #tpu.memory_space<vmem>>
        %dma_wait3A_525 = arith.constant 0 : i32
        %dma_wait3A_526 = tpu.memref_slice %arg12[%dma_wait3A_525] : memref<1000064xf32, #tpu.memory_space<vmem_shared>> -> memref<1000064xf32, #tpu.memory_space<vmem_shared>>
        tpu.wait_indirect_dma semaphore(%arg14 : memref<!tpu.dma_semaphore, #tpu.memory_space<semaphore_mem>>) src(%dma_wait3A_526 : memref<1000064xf32, #tpu.memory_space<vmem_shared>>) dst(%arg9 : memref<2560xf32, #tpu.memory_space<vmem>>)
        %add3A_527 = arith.constant 2 : i32
        %add3A_528 = arith.addi %add3A_521, %add3A_527 : i32
        %lt3A_529 = arith.constant 20 : i32
        %lt3A_530 = arith.cmpi slt, %add3A_528, %lt3A_529 : i32
        %convert_element_type3A_531 = arith.extui %lt3A_530 : i1 to i32
        %cond3A_532 = arith.constant 0 : i32
        %cond3A_533 = arith.cmpi ne, %convert_element_type3A_531, %cond3A_532 : i32
        scf.if %cond3A_533 {
          %add3A_599 = arith.constant 2 : i32
          %add3A_600 = arith.addi %add3A_521, %add3A_599 : i32
          %mul3A_601 = arith.constant 2560 : i32
          %mul3A_602 = arith.muli %add3A_600, %mul3A_601 : i32
          %dma_start3A_603 = tpu.memref_slice %arg6[%mul3A_602] : memref<51200xi32, #tpu.memory_space<vmem>> -> memref<2560xi32, #tpu.memory_space<vmem>>
          %dma_start3A_604 = arith.constant 0 : i32
          %dma_start3A_605 = tpu.memref_slice %arg12[%dma_start3A_604] : memref<1000064xf32, #tpu.memory_space<vmem_shared>> -> memref<1000064xf32, #tpu.memory_space<vmem_shared>>
          tpu.enqueue_indirect_dma source(%dma_start3A_605 : memref<1000064xf32, #tpu.memory_space<vmem_shared>>) target(%arg8 : memref<2560xf32, #tpu.memory_space<vmem>>) offsets(%dma_start3A_603 : memref<2560xi32, #tpu.memory_space<vmem>>) semaphore(%arg14 : memref<!tpu.dma_semaphore, #tpu.memory_space<semaphore_mem>>)
        } else {
        }
        %gt3A_534 = arith.constant 0 : i32
        %gt3A_535 = arith.cmpi sgt, %scan3A_34, %gt3A_534 : i32
        %ge3A_536 = arith.constant 2 : i32
        %ge3A_537 = arith.cmpi sge, %add3A_521, %ge3A_536 : i32
        %or3A_538 = arith.ori %gt3A_535, %ge3A_537 : i1
        %convert_element_type3A_539 = arith.extui %or3A_538 : i1 to i32
        %cond3A_540 = arith.constant 0 : i32
        %cond3A_541 = arith.cmpi ne, %convert_element_type3A_539, %cond3A_540 : i32
        scf.if %cond3A_541 {
          %ge3A_599 = arith.constant 2 : i32
          %ge3A_600 = arith.cmpi sge, %add3A_521, %ge3A_599 : i32
          %sub3A_601 = arith.constant 1 : i32
          %sub3A_602 = arith.subi %add3A_38, %sub3A_601 : i32
          %select_n3A_603 = arith.select %ge3A_600, %add3A_38, %sub3A_602 : i32
          %ge3A_604 = arith.constant 2 : i32
          %ge3A_605 = arith.cmpi sge, %add3A_521, %ge3A_604 : i32
          %sub3A_606 = arith.constant 2 : i32
          %sub3A_607 = arith.subi %add3A_521, %sub3A_606 : i32
          %add3A_608 = arith.constant 20 : i32
          %add3A_609 = arith.addi %add3A_521, %add3A_608 : i32
          %sub3A_610 = arith.constant 2 : i32
          %sub3A_611 = arith.subi %add3A_609, %sub3A_610 : i32
          %select_n3A_612 = arith.select %ge3A_605, %sub3A_607, %sub3A_611 : i32
          %jit3A_613 = arith.constant 10 : i32
          %div3A_614 = arith.divsi %select_n3A_612, %jit3A_613 : i32
          %sign3A_615 = arith.constant 0 : i32
          %sign3A_616 = arith.cmpi sgt, %select_n3A_612, %sign3A_615 : i32
          %sign3A_617 = arith.extui %sign3A_616 : i1 to i32
          %sign3A_618 = arith.constant 0 : i32
          %sign3A_619 = arith.cmpi slt, %select_n3A_612, %sign3A_618 : i32
          %sign3A_620 = arith.extui %sign3A_619 : i1 to i32
          %sign3A_621 = arith.subi %sign3A_617, %sign3A_620 : i32
          %sign3A_622 = arith.constant 0 : i32
          %sign3A_623 = arith.cmpi sgt, %jit3A_613, %sign3A_622 : i32
          %sign3A_624 = arith.extui %sign3A_623 : i1 to i32
          %sign3A_625 = arith.constant 0 : i32
          %sign3A_626 = arith.cmpi slt, %jit3A_613, %sign3A_625 : i32
          %sign3A_627 = arith.extui %sign3A_626 : i1 to i32
          %sign3A_628 = arith.subi %sign3A_624, %sign3A_627 : i32
          %ne3A_629 = arith.cmpi ne, %sign3A_621, %sign3A_628 : i32
          %rem3A_630 = arith.remsi %select_n3A_612, %jit3A_613 : i32
          %ne3A_631 = arith.constant 0 : i32
          %ne3A_632 = arith.cmpi ne, %rem3A_630, %ne3A_631 : i32
          %and3A_633 = arith.andi %ne3A_629, %ne3A_632 : i1
          %sub3A_634 = arith.constant 1 : i32
          %sub3A_635 = arith.subi %div3A_614, %sub3A_634 : i32
          %select_n3A_636 = arith.select %and3A_633, %sub3A_635, %div3A_614 : i32
          %jit3A_637 = arith.constant 10 : i32
          %eq3A_638 = arith.constant 0 : i32
          %eq3A_639 = arith.cmpi eq, %jit3A_637, %eq3A_638 : i32
          %jit3A_640 = arith.constant 1 : i32
          %select_n3A_641 = arith.select %eq3A_639, %jit3A_640, %jit3A_637 : i32
          %rem3A_642 = arith.remsi %select_n3A_612, %select_n3A_641 : i32
          %ne3A_643 = arith.constant 0 : i32
          %ne3A_644 = arith.cmpi ne, %rem3A_642, %ne3A_643 : i32
          %lt3A_645 = arith.constant 0 : i32
          %lt3A_646 = arith.cmpi slt, %rem3A_642, %lt3A_645 : i32
          %lt3A_647 = arith.constant 0 : i32
          %lt3A_648 = arith.cmpi slt, %select_n3A_641, %lt3A_647 : i32
          %ne3A_649 = arith.xori %lt3A_646, %lt3A_648 : i1
          %and3A_650 = arith.andi %ne3A_649, %ne3A_644 : i1
          %add3A_651 = arith.addi %rem3A_642, %select_n3A_641 : i32
          %select_n3A_652 = arith.select %and3A_650, %add3A_651, %rem3A_642 : i32
          %mul3A_653 = arith.constant 20 : i32
          %mul3A_654 = arith.muli %select_n3A_652, %mul3A_653 : i32
          %mul3A_655 = arith.constant 128 : i32
          %mul3A_656 = arith.muli %select_n3A_636, %mul3A_655 : i32
          %add3A_657 = arith.addi %mul3A_0, %mul3A_656 : i32
          %dma_wait3A_658 = tpu.memref_slice %arg5[%mul3A_654, %select_n3A_603, %add3A_657] : memref<200x64x4096xf32, #tpu.memory_space<hbm>> -> memref<20x1x128xf32, #tpu.memory_space<hbm>>
          %dma_wait3A_659 = tpu.memref_squeeze %dma_wait3A_658 : memref<20x1x128xf32, #tpu.memory_space<hbm>> -> memref<20x128xf32, #tpu.memory_space<hbm>>
          %dma_wait3A_660 = tpu.memref_slice %arg5[%mul3A_654, %select_n3A_603, %add3A_657] : memref<200x64x4096xf32, #tpu.memory_space<hbm>> -> memref<20x1x128xf32, #tpu.memory_space<hbm>>
          %dma_wait3A_661 = tpu.memref_squeeze %dma_wait3A_660 : memref<20x1x128xf32, #tpu.memory_space<hbm>> -> memref<20x128xf32, #tpu.memory_space<hbm>>
          tpu.wait_dma2 semaphore(%arg16 : memref<!tpu.dma_semaphore, #tpu.memory_space<semaphore_mem>>) src(%arg11 : memref<20x128xf32, #tpu.memory_space<vmem>>) dst(%dma_wait3A_661 : memref<20x128xf32, #tpu.memory_space<hbm>>)
        } else {
        }
        %scan3A_542 = arith.constant 0 : i32
        %scan3A_543 = arith.constant 0 : i32
        %scan3A_544 = arith.constant 20 : i32
        %scan3A_545 = arith.addi %scan3A_543, %scan3A_544 : i32
        %scan3A_546 = arith.constant 1 : i32
        %scan3A_547 = scf.for %scan3A_599 = %scan3A_543 to %scan3A_545 step %scan3A_546 iter_args(%scan3A_600 = %scan3A_542) -> (i32)  : i32 {
          %mul3A_601 = arith.constant 128 : i32
          %mul3A_602 = arith.muli %scan3A_599, %mul3A_601 : i32
          %add3A_603 = arith.constant 0 : i32
          %add3A_604 = arith.addi %mul3A_602, %add3A_603 : i32
          %get3A = arith.index_cast %add3A_604 : i32 to index
          %get3A_605 = tpu.vector_load %arg9[%get3A] {strides = array<i32>} : memref<2560xf32, #tpu.memory_space<vmem>>, vector<16xf32>,
          %get3A_606 = vector.shape_cast %get3A_605 : vector<16xf32> to vector<16xf32>
          %mul3A_607 = arith.constant 8.000000e+00 : f32
          %mul3A_608 = vector.broadcast %mul3A_607 : f32 to vector<16xf32>
          %mul3A_609 = arith.mulf %get3A_606, %mul3A_608 : vector<16xf32>
          %swap3A = arith.index_cast %scan3A_599 : i32 to index
          %swap3A_610 = arith.constant 0 : index
          %swap3A_611 = tpu.vector_load %arg11[%swap3A, %swap3A_610] {strides = array<i32>} : memref<20x128xf32, #tpu.memory_space<vmem>>, vector<1x16xf32>,
          %swap3A_612 = vector.shape_cast %swap3A_611 : vector<1x16xf32> to vector<16xf32>
          %swap3A_613 = vector.shape_cast %mul3A_609 : vector<16xf32> to vector<1x16xf32>
          tpu.vector_store %arg11[%swap3A, %swap3A_610], %swap3A_613 {strides = array<i32>} : memref<20x128xf32, #tpu.memory_space<vmem>>, vector<1x16xf32>,
          %mul3A_614 = arith.constant 128 : i32
          %mul3A_615 = arith.muli %scan3A_599, %mul3A_614 : i32
          %add3A_616 = arith.constant 16 : i32
          %add3A_617 = arith.addi %mul3A_615, %add3A_616 : i32
          %get3A_618 = arith.index_cast %add3A_617 : i32 to index
          %get3A_619 = tpu.vector_load %arg9[%get3A_618] {strides = array<i32>} : memref<2560xf32, #tpu.memory_space<vmem>>, vector<16xf32>,
          %get3A_620 = vector.shape_cast %get3A_619 : vector<16xf32> to vector<16xf32>
          %mul3A_621 = arith.constant 8.000000e+00 : f32
          %mul3A_622 = vector.broadcast %mul3A_621 : f32 to vector<16xf32>
          %mul3A_623 = arith.mulf %get3A_620, %mul3A_622 : vector<16xf32>
          %swap3A_624 = arith.index_cast %scan3A_599 : i32 to index
          %swap3A_625 = arith.constant 16 : index
          %swap3A_626 = tpu.vector_load %arg11[%swap3A_624, %swap3A_625] {strides = array<i32>} : memref<20x128xf32, #tpu.memory_space<vmem>>, vector<1x16xf32>,
          %swap3A_627 = vector.shape_cast %swap3A_626 : vector<1x16xf32> to vector<16xf32>
          %swap3A_628 = vector.shape_cast %mul3A_623 : vector<16xf32> to vector<1x16xf32>
          tpu.vector_store %arg11[%swap3A_624, %swap3A_625], %swap3A_628 {strides = array<i32>} : memref<20x128xf32, #tpu.memory_space<vmem>>, vector<1x16xf32>,
          %mul3A_629 = arith.constant 128 : i32
          %mul3A_630 = arith.muli %scan3A_599, %mul3A_629 : i32
          %add3A_631 = arith.constant 32 : i32
          %add3A_632 = arith.addi %mul3A_630, %add3A_631 : i32
          %get3A_633 = arith.index_cast %add3A_632 : i32 to index
          %get3A_634 = tpu.vector_load %arg9[%get3A_633] {strides = array<i32>} : memref<2560xf32, #tpu.memory_space<vmem>>, vector<16xf32>,
          %get3A_635 = vector.shape_cast %get3A_634 : vector<16xf32> to vector<16xf32>
          %mul3A_636 = arith.constant 8.000000e+00 : f32
          %mul3A_637 = vector.broadcast %mul3A_636 : f32 to vector<16xf32>
          %mul3A_638 = arith.mulf %get3A_635, %mul3A_637 : vector<16xf32>
          %swap3A_639 = arith.index_cast %scan3A_599 : i32 to index
          %swap3A_640 = arith.constant 32 : index
          %swap3A_641 = tpu.vector_load %arg11[%swap3A_639, %swap3A_640] {strides = array<i32>} : memref<20x128xf32, #tpu.memory_space<vmem>>, vector<1x16xf32>,
          %swap3A_642 = vector.shape_cast %swap3A_641 : vector<1x16xf32> to vector<16xf32>
          %swap3A_643 = vector.shape_cast %mul3A_638 : vector<16xf32> to vector<1x16xf32>
          tpu.vector_store %arg11[%swap3A_639, %swap3A_640], %swap3A_643 {strides = array<i32>} : memref<20x128xf32, #tpu.memory_space<vmem>>, vector<1x16xf32>,
          %mul3A_644 = arith.constant 128 : i32
          %mul3A_645 = arith.muli %scan3A_599, %mul3A_644 : i32
          %add3A_646 = arith.constant 48 : i32
          %add3A_647 = arith.addi %mul3A_645, %add3A_646 : i32
          %get3A_648 = arith.index_cast %add3A_647 : i32 to index
          %get3A_649 = tpu.vector_load %arg9[%get3A_648] {strides = array<i32>} : memref<2560xf32, #tpu.memory_space<vmem>>, vector<16xf32>,
          %get3A_650 = vector.shape_cast %get3A_649 : vector<16xf32> to vector<16xf32>
          %mul3A_651 = arith.constant 8.000000e+00 : f32
          %mul3A_652 = vector.broadcast %mul3A_651 : f32 to vector<16xf32>
          %mul3A_653 = arith.mulf %get3A_650, %mul3A_652 : vector<16xf32>
          %swap3A_654 = arith.index_cast %scan3A_599 : i32 to index
          %swap3A_655 = arith.constant 48 : index
          %swap3A_656 = tpu.vector_load %arg11[%swap3A_654, %swap3A_655] {strides = array<i32>} : memref<20x128xf32, #tpu.memory_space<vmem>>, vector<1x16xf32>,
          %swap3A_657 = vector.shape_cast %swap3A_656 : vector<1x16xf32> to vector<16xf32>
          %swap3A_658 = vector.shape_cast %mul3A_653 : vector<16xf32> to vector<1x16xf32>
          tpu.vector_store %arg11[%swap3A_654, %swap3A_655], %swap3A_658 {strides = array<i32>} : memref<20x128xf32, #tpu.memory_space<vmem>>, vector<1x16xf32>,
          %mul3A_659 = arith.constant 128 : i32
          %mul3A_660 = arith.muli %scan3A_599, %mul3A_659 : i32
          %add3A_661 = arith.constant 64 : i32
          %add3A_662 = arith.addi %mul3A_660, %add3A_661 : i32
          %get3A_663 = arith.index_cast %add3A_662 : i32 to index
          %get3A_664 = tpu.vector_load %arg9[%get3A_663] {strides = array<i32>} : memref<2560xf32, #tpu.memory_space<vmem>>, vector<16xf32>,
          %get3A_665 = vector.shape_cast %get3A_664 : vector<16xf32> to vector<16xf32>
          %mul3A_666 = arith.constant 8.000000e+00 : f32
          %mul3A_667 = vector.broadcast %mul3A_666 : f32 to vector<16xf32>
          %mul3A_668 = arith.mulf %get3A_665, %mul3A_667 : vector<16xf32>
          %swap3A_669 = arith.index_cast %scan3A_599 : i32 to index
          %swap3A_670 = arith.constant 64 : index
          %swap3A_671 = tpu.vector_load %arg11[%swap3A_669, %swap3A_670] {strides = array<i32>} : memref<20x128xf32, #tpu.memory_space<vmem>>, vector<1x16xf32>,
          %swap3A_672 = vector.shape_cast %swap3A_671 : vector<1x16xf32> to vector<16xf32>
          %swap3A_673 = vector.shape_cast %mul3A_668 : vector<16xf32> to vector<1x16xf32>
          tpu.vector_store %arg11[%swap3A_669, %swap3A_670], %swap3A_673 {strides = array<i32>} : memref<20x128xf32, #tpu.memory_space<vmem>>, vector<1x16xf32>,
          %mul3A_674 = arith.constant 128 : i32
          %mul3A_675 = arith.muli %scan3A_599, %mul3A_674 : i32
          %add3A_676 = arith.constant 80 : i32
          %add3A_677 = arith.addi %mul3A_675, %add3A_676 : i32
          %get3A_678 = arith.index_cast %add3A_677 : i32 to index
          %get3A_679 = tpu.vector_load %arg9[%get3A_678] {strides = array<i32>} : memref<2560xf32, #tpu.memory_space<vmem>>, vector<16xf32>,
          %get3A_680 = vector.shape_cast %get3A_679 : vector<16xf32> to vector<16xf32>
          %mul3A_681 = arith.constant 8.000000e+00 : f32
          %mul3A_682 = vector.broadcast %mul3A_681 : f32 to vector<16xf32>
          %mul3A_683 = arith.mulf %get3A_680, %mul3A_682 : vector<16xf32>
          %swap3A_684 = arith.index_cast %scan3A_599 : i32 to index
          %swap3A_685 = arith.constant 80 : index
          %swap3A_686 = tpu.vector_load %arg11[%swap3A_684, %swap3A_685] {strides = array<i32>} : memref<20x128xf32, #tpu.memory_space<vmem>>, vector<1x16xf32>,
          %swap3A_687 = vector.shape_cast %swap3A_686 : vector<1x16xf32> to vector<16xf32>
          %swap3A_688 = vector.shape_cast %mul3A_683 : vector<16xf32> to vector<1x16xf32>
          tpu.vector_store %arg11[%swap3A_684, %swap3A_685], %swap3A_688 {strides = array<i32>} : memref<20x128xf32, #tpu.memory_space<vmem>>, vector<1x16xf32>,
          %mul3A_689 = arith.constant 128 : i32
          %mul3A_690 = arith.muli %scan3A_599, %mul3A_689 : i32
          %add3A_691 = arith.constant 96 : i32
          %add3A_692 = arith.addi %mul3A_690, %add3A_691 : i32
          %get3A_693 = arith.index_cast %add3A_692 : i32 to index
          %get3A_694 = tpu.vector_load %arg9[%get3A_693] {strides = array<i32>} : memref<2560xf32, #tpu.memory_space<vmem>>, vector<16xf32>,
          %get3A_695 = vector.shape_cast %get3A_694 : vector<16xf32> to vector<16xf32>
          %mul3A_696 = arith.constant 8.000000e+00 : f32
          %mul3A_697 = vector.broadcast %mul3A_696 : f32 to vector<16xf32>
          %mul3A_698 = arith.mulf %get3A_695, %mul3A_697 : vector<16xf32>
          %swap3A_699 = arith.index_cast %scan3A_599 : i32 to index
          %swap3A_700 = arith.constant 96 : index
          %swap3A_701 = tpu.vector_load %arg11[%swap3A_699, %swap3A_700] {strides = array<i32>} : memref<20x128xf32, #tpu.memory_space<vmem>>, vector<1x16xf32>,
          %swap3A_702 = vector.shape_cast %swap3A_701 : vector<1x16xf32> to vector<16xf32>
          %swap3A_703 = vector.shape_cast %mul3A_698 : vector<16xf32> to vector<1x16xf32>
          tpu.vector_store %arg11[%swap3A_699, %swap3A_700], %swap3A_703 {strides = array<i32>} : memref<20x128xf32, #tpu.memory_space<vmem>>, vector<1x16xf32>,
          %mul3A_704 = arith.constant 128 : i32
          %mul3A_705 = arith.muli %scan3A_599, %mul3A_704 : i32
          %add3A_706 = arith.constant 112 : i32
          %add3A_707 = arith.addi %mul3A_705, %add3A_706 : i32
          %get3A_708 = arith.index_cast %add3A_707 : i32 to index
          %get3A_709 = tpu.vector_load %arg9[%get3A_708] {strides = array<i32>} : memref<2560xf32, #tpu.memory_space<vmem>>, vector<16xf32>,
          %get3A_710 = vector.shape_cast %get3A_709 : vector<16xf32> to vector<16xf32>
          %mul3A_711 = arith.constant 8.000000e+00 : f32
          %mul3A_712 = vector.broadcast %mul3A_711 : f32 to vector<16xf32>
          %mul3A_713 = arith.mulf %get3A_710, %mul3A_712 : vector<16xf32>
          %swap3A_714 = arith.index_cast %scan3A_599 : i32 to index
          %swap3A_715 = arith.constant 112 : index
          %swap3A_716 = tpu.vector_load %arg11[%swap3A_714, %swap3A_715] {strides = array<i32>} : memref<20x128xf32, #tpu.memory_space<vmem>>, vector<1x16xf32>,
          %swap3A_717 = vector.shape_cast %swap3A_716 : vector<1x16xf32> to vector<16xf32>
          %swap3A_718 = vector.shape_cast %mul3A_713 : vector<16xf32> to vector<1x16xf32>
          tpu.vector_store %arg11[%swap3A_714, %swap3A_715], %swap3A_718 {strides = array<i32>} : memref<20x128xf32, #tpu.memory_space<vmem>>, vector<1x16xf32>,
          %scan3A_719 = arith.constant 0 : i32
          scf.yield %scan3A_719 : i32
        }
        %scan3A_548 = arith.constant 20 : i32
        %jit3A_549 = arith.constant 10 : i32
        %div3A_550 = arith.divsi %add3A_521, %jit3A_549 : i32
        %sign3A_551 = arith.constant 0 : i32
        %sign3A_552 = arith.cmpi sgt, %add3A_521, %sign3A_551 : i32
        %sign3A_553 = arith.extui %sign3A_552 : i1 to i32
        %sign3A_554 = arith.constant 0 : i32
        %sign3A_555 = arith.cmpi slt, %add3A_521, %sign3A_554 : i32
        %sign3A_556 = arith.extui %sign3A_555 : i1 to i32
        %sign3A_557 = arith.subi %sign3A_553, %sign3A_556 : i32
        %sign3A_558 = arith.constant 0 : i32
        %sign3A_559 = arith.cmpi sgt, %jit3A_549, %sign3A_558 : i32
        %sign3A_560 = arith.extui %sign3A_559 : i1 to i32
        %sign3A_561 = arith.constant 0 : i32
        %sign3A_562 = arith.cmpi slt, %jit3A_549, %sign3A_561 : i32
        %sign3A_563 = arith.extui %sign3A_562 : i1 to i32
        %sign3A_564 = arith.subi %sign3A_560, %sign3A_563 : i32
        %ne3A_565 = arith.cmpi ne, %sign3A_557, %sign3A_564 : i32
        %rem3A_566 = arith.remsi %add3A_521, %jit3A_549 : i32
        %ne3A_567 = arith.constant 0 : i32
        %ne3A_568 = arith.cmpi ne, %rem3A_566, %ne3A_567 : i32
        %and3A_569 = arith.andi %ne3A_565, %ne3A_568 : i1
        %sub3A_570 = arith.constant 1 : i32
        %sub3A_571 = arith.subi %div3A_550, %sub3A_570 : i32
        %select_n3A_572 = arith.select %and3A_569, %sub3A_571, %div3A_550 : i32
        %jit3A_573 = arith.constant 10 : i32
        %eq3A_574 = arith.constant 0 : i32
        %eq3A_575 = arith.cmpi eq, %jit3A_573, %eq3A_574 : i32
        %jit3A_576 = arith.constant 1 : i32
        %select_n3A_577 = arith.select %eq3A_575, %jit3A_576, %jit3A_573 : i32
        %rem3A_578 = arith.remsi %add3A_521, %select_n3A_577 : i32
        %ne3A_579 = arith.constant 0 : i32
        %ne3A_580 = arith.cmpi ne, %rem3A_578, %ne3A_579 : i32
        %lt3A_581 = arith.constant 0 : i32
        %lt3A_582 = arith.cmpi slt, %rem3A_578, %lt3A_581 : i32
        %lt3A_583 = arith.constant 0 : i32
        %lt3A_584 = arith.cmpi slt, %select_n3A_577, %lt3A_583 : i32
        %ne3A_585 = arith.xori %lt3A_582, %lt3A_584 : i1
        %and3A_586 = arith.andi %ne3A_585, %ne3A_580 : i1
        %add3A_587 = arith.addi %rem3A_578, %select_n3A_577 : i32
        %select_n3A_588 = arith.select %and3A_586, %add3A_587, %rem3A_578 : i32
        %mul3A_589 = arith.constant 20 : i32
        %mul3A_590 = arith.muli %select_n3A_588, %mul3A_589 : i32
        %mul3A_591 = arith.constant 128 : i32
        %mul3A_592 = arith.muli %select_n3A_572, %mul3A_591 : i32
        %add3A_593 = arith.addi %mul3A_0, %mul3A_592 : i32
        %dma_start3A_594 = tpu.memref_slice %arg5[%mul3A_590, %add3A_38, %add3A_593] : memref<200x64x4096xf32, #tpu.memory_space<hbm>> -> memref<20x1x128xf32, #tpu.memory_space<hbm>>
        %dma_start3A_595 = tpu.memref_squeeze %dma_start3A_594 : memref<20x1x128xf32, #tpu.memory_space<hbm>> -> memref<20x128xf32, #tpu.memory_space<hbm>>
        %dma_start3A_596 = tpu.memref_slice %arg5[%mul3A_590, %add3A_38, %add3A_593] : memref<200x64x4096xf32, #tpu.memory_space<hbm>> -> memref<20x1x128xf32, #tpu.memory_space<hbm>>
        %dma_start3A_597 = tpu.memref_squeeze %dma_start3A_596 : memref<20x1x128xf32, #tpu.memory_space<hbm>> -> memref<20x128xf32, #tpu.memory_space<hbm>>
        tpu.enqueue_dma source(%arg11 : memref<20x128xf32, #tpu.memory_space<vmem>>) target(%dma_start3A_597 : memref<20x128xf32, #tpu.memory_space<hbm>>) target_semaphore(%arg16 : memref<!tpu.dma_semaphore, #tpu.memory_space<semaphore_mem>>)
        %scan3A_598 = arith.constant 0 : i32
        scf.yield %scan3A_598 : i32
      }
      %scan3A_62 = arith.constant 3 : i32
      %dma_wait3A_63 = arith.constant 46080 : i32
      %dma_wait3A_64 = tpu.memref_slice %arg6[%dma_wait3A_63] : memref<51200xi32, #tpu.memory_space<vmem>> -> memref<2560xi32, #tpu.memory_space<vmem>>
      %dma_wait3A_65 = arith.constant 0 : i32
      %dma_wait3A_66 = tpu.memref_slice %arg12[%dma_wait3A_65] : memref<1000064xf32, #tpu.memory_space<vmem_shared>> -> memref<1000064xf32, #tpu.memory_space<vmem_shared>>
      tpu.wait_indirect_dma semaphore(%arg14 : memref<!tpu.dma_semaphore, #tpu.memory_space<semaphore_mem>>) src(%dma_wait3A_66 : memref<1000064xf32, #tpu.memory_space<vmem_shared>>) dst(%arg7 : memref<2560xf32, #tpu.memory_space<vmem>>)
      %add3A_67 = arith.constant 128 : i32
      %add3A_68 = arith.addi %mul3A_0, %add3A_67 : i32
      %dma_wait3A_69 = arith.constant 120 : i32
      %dma_wait3A_70 = tpu.memref_slice %arg5[%dma_wait3A_69, %add3A_38, %add3A_68] : memref<200x64x4096xf32, #tpu.memory_space<hbm>> -> memref<20x1x128xf32, #tpu.memory_space<hbm>>
      %dma_wait3A_71 = tpu.memref_squeeze %dma_wait3A_70 : memref<20x1x128xf32, #tpu.memory_space<hbm>> -> memref<20x128xf32, #tpu.memory_space<hbm>>
      %dma_wait3A_72 = arith.constant 120 : i32
      %dma_wait3A_73 = tpu.memref_slice %arg5[%dma_wait3A_72, %add3A_38, %add3A_68] : memref<200x64x4096xf32, #tpu.memory_space<hbm>> -> memref<20x1x128xf32, #tpu.memory_space<hbm>>
      %dma_wait3A_74 = tpu.memref_squeeze %dma_wait3A_73 : memref<20x1x128xf32, #tpu.memory_space<hbm>> -> memref<20x128xf32, #tpu.memory_space<hbm>>
      tpu.wait_dma2 semaphore(%arg15 : memref<!tpu.dma_semaphore, #tpu.memory_space<semaphore_mem>>) src(%arg10 : memref<20x128xf32, #tpu.memory_space<vmem>>) dst(%dma_wait3A_74 : memref<20x128xf32, #tpu.memory_space<hbm>>)
      %scan3A_75 = arith.constant 0 : i32
      %scan3A_76 = arith.constant 0 : i32
      %scan3A_77 = arith.constant 20 : i32
      %scan3A_78 = arith.addi %scan3A_76, %scan3A_77 : i32
      %scan3A_79 = arith.constant 1 : i32
      %scan3A_80 = scf.for %scan3A_126 = %scan3A_76 to %scan3A_78 step %scan3A_79 iter_args(%scan3A_127 = %scan3A_75) -> (i32)  : i32 {
        %mul3A_128 = arith.constant 128 : i32
        %mul3A_129 = arith.muli %scan3A_126, %mul3A_128 : i32
        %add3A_130 = arith.constant 0 : i32
        %add3A_131 = arith.addi %mul3A_129, %add3A_130 : i32
        %get3A = arith.index_cast %add3A_131 : i32 to index
        %get3A_132 = tpu.vector_load %arg7[%get3A] {strides = array<i32>} : memref<2560xf32, #tpu.memory_space<vmem>>, vector<16xf32>,
        %get3A_133 = vector.shape_cast %get3A_132 : vector<16xf32> to vector<16xf32>
        %mul3A_134 = arith.constant 8.000000e+00 : f32
        %mul3A_135 = vector.broadcast %mul3A_134 : f32 to vector<16xf32>
        %mul3A_136 = arith.mulf %get3A_133, %mul3A_135 : vector<16xf32>
        %swap3A = arith.index_cast %scan3A_126 : i32 to index
        %swap3A_137 = arith.constant 0 : index
        %swap3A_138 = tpu.vector_load %arg10[%swap3A, %swap3A_137] {strides = array<i32>} : memref<20x128xf32, #tpu.memory_space<vmem>>, vector<1x16xf32>,
        %swap3A_139 = vector.shape_cast %swap3A_138 : vector<1x16xf32> to vector<16xf32>
        %swap3A_140 = vector.shape_cast %mul3A_136 : vector<16xf32> to vector<1x16xf32>
        tpu.vector_store %arg10[%swap3A, %swap3A_137], %swap3A_140 {strides = array<i32>} : memref<20x128xf32, #tpu.memory_space<vmem>>, vector<1x16xf32>,
        %mul3A_141 = arith.constant 128 : i32
        %mul3A_142 = arith.muli %scan3A_126, %mul3A_141 : i32
        %add3A_143 = arith.constant 16 : i32
        %add3A_144 = arith.addi %mul3A_142, %add3A_143 : i32
        %get3A_145 = arith.index_cast %add3A_144 : i32 to index
        %get3A_146 = tpu.vector_load %arg7[%get3A_145] {strides = array<i32>} : memref<2560xf32, #tpu.memory_space<vmem>>, vector<16xf32>,
        %get3A_147 = vector.shape_cast %get3A_146 : vector<16xf32> to vector<16xf32>
        %mul3A_148 = arith.constant 8.000000e+00 : f32
        %mul3A_149 = vector.broadcast %mul3A_148 : f32 to vector<16xf32>
        %mul3A_150 = arith.mulf %get3A_147, %mul3A_149 : vector<16xf32>
        %swap3A_151 = arith.index_cast %scan3A_126 : i32 to index
        %swap3A_152 = arith.constant 16 : index
        %swap3A_153 = tpu.vector_load %arg10[%swap3A_151, %swap3A_152] {strides = array<i32>} : memref<20x128xf32, #tpu.memory_space<vmem>>, vector<1x16xf32>,
        %swap3A_154 = vector.shape_cast %swap3A_153 : vector<1x16xf32> to vector<16xf32>
        %swap3A_155 = vector.shape_cast %mul3A_150 : vector<16xf32> to vector<1x16xf32>
        tpu.vector_store %arg10[%swap3A_151, %swap3A_152], %swap3A_155 {strides = array<i32>} : memref<20x128xf32, #tpu.memory_space<vmem>>, vector<1x16xf32>,
        %mul3A_156 = arith.constant 128 : i32
        %mul3A_157 = arith.muli %scan3A_126, %mul3A_156 : i32
        %add3A_158 = arith.constant 32 : i32
        %add3A_159 = arith.addi %mul3A_157, %add3A_158 : i32
        %get3A_160 = arith.index_cast %add3A_159 : i32 to index
        %get3A_161 = tpu.vector_load %arg7[%get3A_160] {strides = array<i32>} : memref<2560xf32, #tpu.memory_space<vmem>>, vector<16xf32>,
        %get3A_162 = vector.shape_cast %get3A_161 : vector<16xf32> to vector<16xf32>
        %mul3A_163 = arith.constant 8.000000e+00 : f32
        %mul3A_164 = vector.broadcast %mul3A_163 : f32 to vector<16xf32>
        %mul3A_165 = arith.mulf %get3A_162, %mul3A_164 : vector<16xf32>
        %swap3A_166 = arith.index_cast %scan3A_126 : i32 to index
        %swap3A_167 = arith.constant 32 : index
        %swap3A_168 = tpu.vector_load %arg10[%swap3A_166, %swap3A_167] {strides = array<i32>} : memref<20x128xf32, #tpu.memory_space<vmem>>, vector<1x16xf32>,
        %swap3A_169 = vector.shape_cast %swap3A_168 : vector<1x16xf32> to vector<16xf32>
        %swap3A_170 = vector.shape_cast %mul3A_165 : vector<16xf32> to vector<1x16xf32>
        tpu.vector_store %arg10[%swap3A_166, %swap3A_167], %swap3A_170 {strides = array<i32>} : memref<20x128xf32, #tpu.memory_space<vmem>>, vector<1x16xf32>,
        %mul3A_171 = arith.constant 128 : i32
        %mul3A_172 = arith.muli %scan3A_126, %mul3A_171 : i32
        %add3A_173 = arith.constant 48 : i32
        %add3A_174 = arith.addi %mul3A_172, %add3A_173 : i32
        %get3A_175 = arith.index_cast %add3A_174 : i32 to index
        %get3A_176 = tpu.vector_load %arg7[%get3A_175] {strides = array<i32>} : memref<2560xf32, #tpu.memory_space<vmem>>, vector<16xf32>,
        %get3A_177 = vector.shape_cast %get3A_176 : vector<16xf32> to vector<16xf32>
        %mul3A_178 = arith.constant 8.000000e+00 : f32
        %mul3A_179 = vector.broadcast %mul3A_178 : f32 to vector<16xf32>
        %mul3A_180 = arith.mulf %get3A_177, %mul3A_179 : vector<16xf32>
        %swap3A_181 = arith.index_cast %scan3A_126 : i32 to index
        %swap3A_182 = arith.constant 48 : index
        %swap3A_183 = tpu.vector_load %arg10[%swap3A_181, %swap3A_182] {strides = array<i32>} : memref<20x128xf32, #tpu.memory_space<vmem>>, vector<1x16xf32>,
        %swap3A_184 = vector.shape_cast %swap3A_183 : vector<1x16xf32> to vector<16xf32>
        %swap3A_185 = vector.shape_cast %mul3A_180 : vector<16xf32> to vector<1x16xf32>
        tpu.vector_store %arg10[%swap3A_181, %swap3A_182], %swap3A_185 {strides = array<i32>} : memref<20x128xf32, #tpu.memory_space<vmem>>, vector<1x16xf32>,
        %mul3A_186 = arith.constant 128 : i32
        %mul3A_187 = arith.muli %scan3A_126, %mul3A_186 : i32
        %add3A_188 = arith.constant 64 : i32
        %add3A_189 = arith.addi %mul3A_187, %add3A_188 : i32
        %get3A_190 = arith.index_cast %add3A_189 : i32 to index
        %get3A_191 = tpu.vector_load %arg7[%get3A_190] {strides = array<i32>} : memref<2560xf32, #tpu.memory_space<vmem>>, vector<16xf32>,
        %get3A_192 = vector.shape_cast %get3A_191 : vector<16xf32> to vector<16xf32>
        %mul3A_193 = arith.constant 8.000000e+00 : f32
        %mul3A_194 = vector.broadcast %mul3A_193 : f32 to vector<16xf32>
        %mul3A_195 = arith.mulf %get3A_192, %mul3A_194 : vector<16xf32>
        %swap3A_196 = arith.index_cast %scan3A_126 : i32 to index
        %swap3A_197 = arith.constant 64 : index
        %swap3A_198 = tpu.vector_load %arg10[%swap3A_196, %swap3A_197] {strides = array<i32>} : memref<20x128xf32, #tpu.memory_space<vmem>>, vector<1x16xf32>,
        %swap3A_199 = vector.shape_cast %swap3A_198 : vector<1x16xf32> to vector<16xf32>
        %swap3A_200 = vector.shape_cast %mul3A_195 : vector<16xf32> to vector<1x16xf32>
        tpu.vector_store %arg10[%swap3A_196, %swap3A_197], %swap3A_200 {strides = array<i32>} : memref<20x128xf32, #tpu.memory_space<vmem>>, vector<1x16xf32>,
        %mul3A_201 = arith.constant 128 : i32
        %mul3A_202 = arith.muli %scan3A_126, %mul3A_201 : i32
        %add3A_203 = arith.constant 80 : i32
        %add3A_204 = arith.addi %mul3A_202, %add3A_203 : i32
        %get3A_205 = arith.index_cast %add3A_204 : i32 to index
        %get3A_206 = tpu.vector_load %arg7[%get3A_205] {strides = array<i32>} : memref<2560xf32, #tpu.memory_space<vmem>>, vector<16xf32>,
        %get3A_207 = vector.shape_cast %get3A_206 : vector<16xf32> to vector<16xf32>
        %mul3A_208 = arith.constant 8.000000e+00 : f32
        %mul3A_209 = vector.broadcast %mul3A_208 : f32 to vector<16xf32>
        %mul3A_210 = arith.mulf %get3A_207, %mul3A_209 : vector<16xf32>
        %swap3A_211 = arith.index_cast %scan3A_126 : i32 to index
        %swap3A_212 = arith.constant 80 : index
        %swap3A_213 = tpu.vector_load %arg10[%swap3A_211, %swap3A_212] {strides = array<i32>} : memref<20x128xf32, #tpu.memory_space<vmem>>, vector<1x16xf32>,
        %swap3A_214 = vector.shape_cast %swap3A_213 : vector<1x16xf32> to vector<16xf32>
        %swap3A_215 = vector.shape_cast %mul3A_210 : vector<16xf32> to vector<1x16xf32>
        tpu.vector_store %arg10[%swap3A_211, %swap3A_212], %swap3A_215 {strides = array<i32>} : memref<20x128xf32, #tpu.memory_space<vmem>>, vector<1x16xf32>,
        %mul3A_216 = arith.constant 128 : i32
        %mul3A_217 = arith.muli %scan3A_126, %mul3A_216 : i32
        %add3A_218 = arith.constant 96 : i32
        %add3A_219 = arith.addi %mul3A_217, %add3A_218 : i32
        %get3A_220 = arith.index_cast %add3A_219 : i32 to index
        %get3A_221 = tpu.vector_load %arg7[%get3A_220] {strides = array<i32>} : memref<2560xf32, #tpu.memory_space<vmem>>, vector<16xf32>,
        %get3A_222 = vector.shape_cast %get3A_221 : vector<16xf32> to vector<16xf32>
        %mul3A_223 = arith.constant 8.000000e+00 : f32
        %mul3A_224 = vector.broadcast %mul3A_223 : f32 to vector<16xf32>
        %mul3A_225 = arith.mulf %get3A_222, %mul3A_224 : vector<16xf32>
        %swap3A_226 = arith.index_cast %scan3A_126 : i32 to index
        %swap3A_227 = arith.constant 96 : index
        %swap3A_228 = tpu.vector_load %arg10[%swap3A_226, %swap3A_227] {strides = array<i32>} : memref<20x128xf32, #tpu.memory_space<vmem>>, vector<1x16xf32>,
        %swap3A_229 = vector.shape_cast %swap3A_228 : vector<1x16xf32> to vector<16xf32>
        %swap3A_230 = vector.shape_cast %mul3A_225 : vector<16xf32> to vector<1x16xf32>
        tpu.vector_store %arg10[%swap3A_226, %swap3A_227], %swap3A_230 {strides = array<i32>} : memref<20x128xf32, #tpu.memory_space<vmem>>, vector<1x16xf32>,
        %mul3A_231 = arith.constant 128 : i32
        %mul3A_232 = arith.muli %scan3A_126, %mul3A_231 : i32
        %add3A_233 = arith.constant 112 : i32
        %add3A_234 = arith.addi %mul3A_232, %add3A_233 : i32
        %get3A_235 = arith.index_cast %add3A_234 : i32 to index
        %get3A_236 = tpu.vector_load %arg7[%get3A_235] {strides = array<i32>} : memref<2560xf32, #tpu.memory_space<vmem>>, vector<16xf32>,
        %get3A_237 = vector.shape_cast %get3A_236 : vector<16xf32> to vector<16xf32>
        %mul3A_238 = arith.constant 8.000000e+00 : f32
        %mul3A_239 = vector.broadcast %mul3A_238 : f32 to vector<16xf32>
        %mul3A_240 = arith.mulf %get3A_237, %mul3A_239 : vector<16xf32>
        %swap3A_241 = arith.index_cast %scan3A_126 : i32 to index
        %swap3A_242 = arith.constant 112 : index
        %swap3A_243 = tpu.vector_load %arg10[%swap3A_241, %swap3A_242] {strides = array<i32>} : memref<20x128xf32, #tpu.memory_space<vmem>>, vector<1x16xf32>,
        %swap3A_244 = vector.shape_cast %swap3A_243 : vector<1x16xf32> to vector<16xf32>
        %swap3A_245 = vector.shape_cast %mul3A_240 : vector<16xf32> to vector<1x16xf32>
        tpu.vector_store %arg10[%swap3A_241, %swap3A_242], %swap3A_245 {strides = array<i32>} : memref<20x128xf32, #tpu.memory_space<vmem>>, vector<1x16xf32>,
        %scan3A_246 = arith.constant 0 : i32
        scf.yield %scan3A_246 : i32
      }
      %scan3A_81 = arith.constant 20 : i32
      %add3A_82 = arith.constant 128 : i32
      %add3A_83 = arith.addi %mul3A_0, %add3A_82 : i32
      %dma_start3A_84 = arith.constant 160 : i32
      %dma_start3A_85 = tpu.memref_slice %arg5[%dma_start3A_84, %add3A_38, %add3A_83] : memref<200x64x4096xf32, #tpu.memory_space<hbm>> -> memref<20x1x128xf32, #tpu.memory_space<hbm>>
      %dma_start3A_86 = tpu.memref_squeeze %dma_start3A_85 : memref<20x1x128xf32, #tpu.memory_space<hbm>> -> memref<20x128xf32, #tpu.memory_space<hbm>>
      %dma_start3A_87 = arith.constant 160 : i32
      %dma_start3A_88 = tpu.memref_slice %arg5[%dma_start3A_87, %add3A_38, %add3A_83] : memref<200x64x4096xf32, #tpu.memory_space<hbm>> -> memref<20x1x128xf32, #tpu.memory_space<hbm>>
      %dma_start3A_89 = tpu.memref_squeeze %dma_start3A_88 : memref<20x1x128xf32, #tpu.memory_space<hbm>> -> memref<20x128xf32, #tpu.memory_space<hbm>>
      tpu.enqueue_dma source(%arg10 : memref<20x128xf32, #tpu.memory_space<vmem>>) target(%dma_start3A_89 : memref<20x128xf32, #tpu.memory_space<hbm>>) target_semaphore(%arg15 : memref<!tpu.dma_semaphore, #tpu.memory_space<semaphore_mem>>)
      %dma_wait3A_90 = arith.constant 48640 : i32
      %dma_wait3A_91 = tpu.memref_slice %arg6[%dma_wait3A_90] : memref<51200xi32, #tpu.memory_space<vmem>> -> memref<2560xi32, #tpu.memory_space<vmem>>
      %dma_wait3A_92 = arith.constant 0 : i32
      %dma_wait3A_93 = tpu.memref_slice %arg12[%dma_wait3A_92] : memref<1000064xf32, #tpu.memory_space<vmem_shared>> -> memref<1000064xf32, #tpu.memory_space<vmem_shared>>
      tpu.wait_indirect_dma semaphore(%arg14 : memref<!tpu.dma_semaphore, #tpu.memory_space<semaphore_mem>>) src(%dma_wait3A_93 : memref<1000064xf32, #tpu.memory_space<vmem_shared>>) dst(%arg8 : memref<2560xf32, #tpu.memory_space<vmem>>)
      %barrier3A_94 = arith.constant 0 : index
      tpu.barrier barrier_id(%barrier3A_94)
      %add3A_95 = arith.constant 1 : i32
      %add3A_96 = arith.addi %scan3A_34, %add3A_95 : i32
      %lt3A_97 = arith.constant 32 : i32
      %lt3A_98 = arith.cmpi slt, %add3A_96, %lt3A_97 : i32
      %convert_element_type3A_99 = arith.extui %lt3A_98 : i1 to i32
      %cond3A_100 = arith.constant 0 : i32
      %cond3A_101 = arith.cmpi ne, %convert_element_type3A_99, %cond3A_100 : i32
      scf.if %cond3A_101 {
        %add3A_126 = arith.constant 1 : i32
        %add3A_127 = arith.addi %add3A_38, %add3A_126 : i32
        %lt3A_128 = arith.constant 15 : i32
        %lt3A_129 = arith.cmpi slt, %arg1, %lt3A_128 : i32
        %convert_element_type3A_130 = arith.extui %lt3A_129 : i1 to i32
        %cond3A_131 = arith.constant 0 : i32
        %cond3A_132 = arith.cmpi ne, %convert_element_type3A_130, %cond3A_131 : i32
        scf.if %cond3A_132 {
          %mul3A_138 = arith.constant 62464 : i32
          %mul3A_139 = arith.muli %arg1, %mul3A_138 : i32
          %mul3A_140 = arith.constant 62464 : i32
          %mul3A_141 = arith.muli %arg1, %mul3A_140 : i32
          %dma_start3A_142 = tpu.memref_slice %arg12[%mul3A_141] : memref<1000064xf32, #tpu.memory_space<vmem_shared>> -> memref<62464xf32, #tpu.memory_space<vmem_shared>>
          %dma_start3A_143 = tpu.memref_slice %arg3[%add3A_127, %mul3A_139] : memref<64x1000000xf32, #tpu.memory_space<hbm>> -> memref<1x62464xf32, #tpu.memory_space<hbm>>
          %dma_start3A_144 = tpu.memref_squeeze %dma_start3A_143 : memref<1x62464xf32, #tpu.memory_space<hbm>> -> memref<62464xf32, #tpu.memory_space<hbm>>
          tpu.enqueue_dma source(%dma_start3A_144 : memref<62464xf32, #tpu.memory_space<hbm>>) target(%dma_start3A_142 : memref<62464xf32, #tpu.memory_space<vmem_shared>>) target_semaphore(%arg13 : memref<!tpu.dma_semaphore, #tpu.memory_space<semaphore_mem>>)
        } else {
        }
        %eq3A_133 = arith.constant 15 : i32
        %eq3A_134 = arith.cmpi eq, %arg1, %eq3A_133 : i32
        %convert_element_type3A_135 = arith.extui %eq3A_134 : i1 to i32
        %cond3A_136 = arith.constant 0 : i32
        %cond3A_137 = arith.cmpi ne, %convert_element_type3A_135, %cond3A_136 : i32
        scf.if %cond3A_137 {
          %dma_start3A_138 = arith.constant 936960 : i32
          %dma_start3A_139 = tpu.memref_slice %arg12[%dma_start3A_138] : memref<1000064xf32, #tpu.memory_space<vmem_shared>> -> memref<62976xf32, #tpu.memory_space<vmem_shared>>
          %dma_start3A_140 = arith.constant 936960 : i32
          %dma_start3A_141 = tpu.memref_slice %arg3[%add3A_127, %dma_start3A_140] : memref<64x1000000xf32, #tpu.memory_space<hbm>> -> memref<1x62976xf32, #tpu.memory_space<hbm>>
          %dma_start3A_142 = tpu.memref_squeeze %dma_start3A_141 : memref<1x62976xf32, #tpu.memory_space<hbm>> -> memref<62976xf32, #tpu.memory_space<hbm>>
          tpu.enqueue_dma source(%dma_start3A_142 : memref<62976xf32, #tpu.memory_space<hbm>>) target(%dma_start3A_139 : memref<62976xf32, #tpu.memory_space<vmem_shared>>) target_semaphore(%arg13 : memref<!tpu.dma_semaphore, #tpu.memory_space<semaphore_mem>>)
          %dma_start3A_143 = arith.constant 999936 : i32
          %dma_start3A_144 = tpu.memref_slice %arg12[%dma_start3A_143] : memref<1000064xf32, #tpu.memory_space<vmem_shared>> -> memref<128xf32, #tpu.memory_space<vmem_shared>>
          %dma_start3A_145 = arith.constant 0 : i32
          %dma_start3A_146 = tpu.memref_slice %arg4[%add3A_127, %dma_start3A_145] : memref<64x128xf32, #tpu.memory_space<hbm>> -> memref<1x128xf32, #tpu.memory_space<hbm>>
          %dma_start3A_147 = tpu.memref_squeeze %dma_start3A_146 : memref<1x128xf32, #tpu.memory_space<hbm>> -> memref<128xf32, #tpu.memory_space<hbm>>
          tpu.enqueue_dma source(%dma_start3A_147 : memref<128xf32, #tpu.memory_space<hbm>>) target(%dma_start3A_144 : memref<128xf32, #tpu.memory_space<vmem_shared>>) target_semaphore(%arg13 : memref<!tpu.dma_semaphore, #tpu.memory_space<semaphore_mem>>)
        } else {
        }
      } else {
      }
      %add3A_102 = arith.constant 128 : i32
      %add3A_103 = arith.addi %mul3A_0, %add3A_102 : i32
      %dma_wait3A_104 = arith.constant 140 : i32
      %dma_wait3A_105 = tpu.memref_slice %arg5[%dma_wait3A_104, %add3A_38, %add3A_103] : memref<200x64x4096xf32, #tpu.memory_space<hbm>> -> memref<20x1x128xf32, #tpu.memory_space<hbm>>
      %dma_wait3A_106 = tpu.memref_squeeze %dma_wait3A_105 : memref<20x1x128xf32, #tpu.memory_space<hbm>> -> memref<20x128xf32, #tpu.memory_space<hbm>>
      %dma_wait3A_107 = arith.constant 140 : i32
      %dma_wait3A_108 = tpu.memref_slice %arg5[%dma_wait3A_107, %add3A_38, %add3A_103] : memref<200x64x4096xf32, #tpu.memory_space<hbm>> -> memref<20x1x128xf32, #tpu.memory_space<hbm>>
      %dma_wait3A_109 = tpu.memref_squeeze %dma_wait3A_108 : memref<20x1x128xf32, #tpu.memory_space<hbm>> -> memref<20x128xf32, #tpu.memory_space<hbm>>
      tpu.wait_dma2 semaphore(%arg16 : memref<!tpu.dma_semaphore, #tpu.memory_space<semaphore_mem>>) src(%arg11 : memref<20x128xf32, #tpu.memory_space<vmem>>) dst(%dma_wait3A_109 : memref<20x128xf32, #tpu.memory_space<hbm>>)
      %scan3A_110 = arith.constant 0 : i32
      %scan3A_111 = arith.constant 0 : i32
      %scan3A_112 = arith.constant 20 : i32
      %scan3A_113 = arith.addi %scan3A_111, %scan3A_112 : i32
      %scan3A_114 = arith.constant 1 : i32
      %scan3A_115 = scf.for %scan3A_126 = %scan3A_111 to %scan3A_113 step %scan3A_114 iter_args(%scan3A_127 = %scan3A_110) -> (i32)  : i32 {
        %mul3A_128 = arith.constant 128 : i32
        %mul3A_129 = arith.muli %scan3A_126, %mul3A_128 : i32
        %add3A_130 = arith.constant 0 : i32
        %add3A_131 = arith.addi %mul3A_129, %add3A_130 : i32
        %get3A = arith.index_cast %add3A_131 : i32 to index
        %get3A_132 = tpu.vector_load %arg8[%get3A] {strides = array<i32>} : memref<2560xf32, #tpu.memory_space<vmem>>, vector<16xf32>,
        %get3A_133 = vector.shape_cast %get3A_132 : vector<16xf32> to vector<16xf32>
        %mul3A_134 = arith.constant 8.000000e+00 : f32
        %mul3A_135 = vector.broadcast %mul3A_134 : f32 to vector<16xf32>
        %mul3A_136 = arith.mulf %get3A_133, %mul3A_135 : vector<16xf32>
        %swap3A = arith.index_cast %scan3A_126 : i32 to index
        %swap3A_137 = arith.constant 0 : index
        %swap3A_138 = tpu.vector_load %arg11[%swap3A, %swap3A_137] {strides = array<i32>} : memref<20x128xf32, #tpu.memory_space<vmem>>, vector<1x16xf32>,
        %swap3A_139 = vector.shape_cast %swap3A_138 : vector<1x16xf32> to vector<16xf32>
        %swap3A_140 = vector.shape_cast %mul3A_136 : vector<16xf32> to vector<1x16xf32>
        tpu.vector_store %arg11[%swap3A, %swap3A_137], %swap3A_140 {strides = array<i32>} : memref<20x128xf32, #tpu.memory_space<vmem>>, vector<1x16xf32>,
        %mul3A_141 = arith.constant 128 : i32
        %mul3A_142 = arith.muli %scan3A_126, %mul3A_141 : i32
        %add3A_143 = arith.constant 16 : i32
        %add3A_144 = arith.addi %mul3A_142, %add3A_143 : i32
        %get3A_145 = arith.index_cast %add3A_144 : i32 to index
        %get3A_146 = tpu.vector_load %arg8[%get3A_145] {strides = array<i32>} : memref<2560xf32, #tpu.memory_space<vmem>>, vector<16xf32>,
        %get3A_147 = vector.shape_cast %get3A_146 : vector<16xf32> to vector<16xf32>
        %mul3A_148 = arith.constant 8.000000e+00 : f32
        %mul3A_149 = vector.broadcast %mul3A_148 : f32 to vector<16xf32>
        %mul3A_150 = arith.mulf %get3A_147, %mul3A_149 : vector<16xf32>
        %swap3A_151 = arith.index_cast %scan3A_126 : i32 to index
        %swap3A_152 = arith.constant 16 : index
        %swap3A_153 = tpu.vector_load %arg11[%swap3A_151, %swap3A_152] {strides = array<i32>} : memref<20x128xf32, #tpu.memory_space<vmem>>, vector<1x16xf32>,
        %swap3A_154 = vector.shape_cast %swap3A_153 : vector<1x16xf32> to vector<16xf32>
        %swap3A_155 = vector.shape_cast %mul3A_150 : vector<16xf32> to vector<1x16xf32>
        tpu.vector_store %arg11[%swap3A_151, %swap3A_152], %swap3A_155 {strides = array<i32>} : memref<20x128xf32, #tpu.memory_space<vmem>>, vector<1x16xf32>,
        %mul3A_156 = arith.constant 128 : i32
        %mul3A_157 = arith.muli %scan3A_126, %mul3A_156 : i32
        %add3A_158 = arith.constant 32 : i32
        %add3A_159 = arith.addi %mul3A_157, %add3A_158 : i32
        %get3A_160 = arith.index_cast %add3A_159 : i32 to index
        %get3A_161 = tpu.vector_load %arg8[%get3A_160] {strides = array<i32>} : memref<2560xf32, #tpu.memory_space<vmem>>, vector<16xf32>,
        %get3A_162 = vector.shape_cast %get3A_161 : vector<16xf32> to vector<16xf32>
        %mul3A_163 = arith.constant 8.000000e+00 : f32
        %mul3A_164 = vector.broadcast %mul3A_163 : f32 to vector<16xf32>
        %mul3A_165 = arith.mulf %get3A_162, %mul3A_164 : vector<16xf32>
        %swap3A_166 = arith.index_cast %scan3A_126 : i32 to index
        %swap3A_167 = arith.constant 32 : index
        %swap3A_168 = tpu.vector_load %arg11[%swap3A_166, %swap3A_167] {strides = array<i32>} : memref<20x128xf32, #tpu.memory_space<vmem>>, vector<1x16xf32>,
        %swap3A_169 = vector.shape_cast %swap3A_168 : vector<1x16xf32> to vector<16xf32>
        %swap3A_170 = vector.shape_cast %mul3A_165 : vector<16xf32> to vector<1x16xf32>
        tpu.vector_store %arg11[%swap3A_166, %swap3A_167], %swap3A_170 {strides = array<i32>} : memref<20x128xf32, #tpu.memory_space<vmem>>, vector<1x16xf32>,
        %mul3A_171 = arith.constant 128 : i32
        %mul3A_172 = arith.muli %scan3A_126, %mul3A_171 : i32
        %add3A_173 = arith.constant 48 : i32
        %add3A_174 = arith.addi %mul3A_172, %add3A_173 : i32
        %get3A_175 = arith.index_cast %add3A_174 : i32 to index
        %get3A_176 = tpu.vector_load %arg8[%get3A_175] {strides = array<i32>} : memref<2560xf32, #tpu.memory_space<vmem>>, vector<16xf32>,
        %get3A_177 = vector.shape_cast %get3A_176 : vector<16xf32> to vector<16xf32>
        %mul3A_178 = arith.constant 8.000000e+00 : f32
        %mul3A_179 = vector.broadcast %mul3A_178 : f32 to vector<16xf32>
        %mul3A_180 = arith.mulf %get3A_177, %mul3A_179 : vector<16xf32>
        %swap3A_181 = arith.index_cast %scan3A_126 : i32 to index
        %swap3A_182 = arith.constant 48 : index
        %swap3A_183 = tpu.vector_load %arg11[%swap3A_181, %swap3A_182] {strides = array<i32>} : memref<20x128xf32, #tpu.memory_space<vmem>>, vector<1x16xf32>,
        %swap3A_184 = vector.shape_cast %swap3A_183 : vector<1x16xf32> to vector<16xf32>
        %swap3A_185 = vector.shape_cast %mul3A_180 : vector<16xf32> to vector<1x16xf32>
        tpu.vector_store %arg11[%swap3A_181, %swap3A_182], %swap3A_185 {strides = array<i32>} : memref<20x128xf32, #tpu.memory_space<vmem>>, vector<1x16xf32>,
        %mul3A_186 = arith.constant 128 : i32
        %mul3A_187 = arith.muli %scan3A_126, %mul3A_186 : i32
        %add3A_188 = arith.constant 64 : i32
        %add3A_189 = arith.addi %mul3A_187, %add3A_188 : i32
        %get3A_190 = arith.index_cast %add3A_189 : i32 to index
        %get3A_191 = tpu.vector_load %arg8[%get3A_190] {strides = array<i32>} : memref<2560xf32, #tpu.memory_space<vmem>>, vector<16xf32>,
        %get3A_192 = vector.shape_cast %get3A_191 : vector<16xf32> to vector<16xf32>
        %mul3A_193 = arith.constant 8.000000e+00 : f32
        %mul3A_194 = vector.broadcast %mul3A_193 : f32 to vector<16xf32>
        %mul3A_195 = arith.mulf %get3A_192, %mul3A_194 : vector<16xf32>
        %swap3A_196 = arith.index_cast %scan3A_126 : i32 to index
        %swap3A_197 = arith.constant 64 : index
        %swap3A_198 = tpu.vector_load %arg11[%swap3A_196, %swap3A_197] {strides = array<i32>} : memref<20x128xf32, #tpu.memory_space<vmem>>, vector<1x16xf32>,
        %swap3A_199 = vector.shape_cast %swap3A_198 : vector<1x16xf32> to vector<16xf32>
        %swap3A_200 = vector.shape_cast %mul3A_195 : vector<16xf32> to vector<1x16xf32>
        tpu.vector_store %arg11[%swap3A_196, %swap3A_197], %swap3A_200 {strides = array<i32>} : memref<20x128xf32, #tpu.memory_space<vmem>>, vector<1x16xf32>,
        %mul3A_201 = arith.constant 128 : i32
        %mul3A_202 = arith.muli %scan3A_126, %mul3A_201 : i32
        %add3A_203 = arith.constant 80 : i32
        %add3A_204 = arith.addi %mul3A_202, %add3A_203 : i32
        %get3A_205 = arith.index_cast %add3A_204 : i32 to index
        %get3A_206 = tpu.vector_load %arg8[%get3A_205] {strides = array<i32>} : memref<2560xf32, #tpu.memory_space<vmem>>, vector<16xf32>,
        %get3A_207 = vector.shape_cast %get3A_206 : vector<16xf32> to vector<16xf32>
        %mul3A_208 = arith.constant 8.000000e+00 : f32
        %mul3A_209 = vector.broadcast %mul3A_208 : f32 to vector<16xf32>
        %mul3A_210 = arith.mulf %get3A_207, %mul3A_209 : vector<16xf32>
        %swap3A_211 = arith.index_cast %scan3A_126 : i32 to index
        %swap3A_212 = arith.constant 80 : index
        %swap3A_213 = tpu.vector_load %arg11[%swap3A_211, %swap3A_212] {strides = array<i32>} : memref<20x128xf32, #tpu.memory_space<vmem>>, vector<1x16xf32>,
        %swap3A_214 = vector.shape_cast %swap3A_213 : vector<1x16xf32> to vector<16xf32>
        %swap3A_215 = vector.shape_cast %mul3A_210 : vector<16xf32> to vector<1x16xf32>
        tpu.vector_store %arg11[%swap3A_211, %swap3A_212], %swap3A_215 {strides = array<i32>} : memref<20x128xf32, #tpu.memory_space<vmem>>, vector<1x16xf32>,
        %mul3A_216 = arith.constant 128 : i32
        %mul3A_217 = arith.muli %scan3A_126, %mul3A_216 : i32
        %add3A_218 = arith.constant 96 : i32
        %add3A_219 = arith.addi %mul3A_217, %add3A_218 : i32
        %get3A_220 = arith.index_cast %add3A_219 : i32 to index
        %get3A_221 = tpu.vector_load %arg8[%get3A_220] {strides = array<i32>} : memref<2560xf32, #tpu.memory_space<vmem>>, vector<16xf32>,
        %get3A_222 = vector.shape_cast %get3A_221 : vector<16xf32> to vector<16xf32>
        %mul3A_223 = arith.constant 8.000000e+00 : f32
        %mul3A_224 = vector.broadcast %mul3A_223 : f32 to vector<16xf32>
        %mul3A_225 = arith.mulf %get3A_222, %mul3A_224 : vector<16xf32>
        %swap3A_226 = arith.index_cast %scan3A_126 : i32 to index
        %swap3A_227 = arith.constant 96 : index
        %swap3A_228 = tpu.vector_load %arg11[%swap3A_226, %swap3A_227] {strides = array<i32>} : memref<20x128xf32, #tpu.memory_space<vmem>>, vector<1x16xf32>,
        %swap3A_229 = vector.shape_cast %swap3A_228 : vector<1x16xf32> to vector<16xf32>
        %swap3A_230 = vector.shape_cast %mul3A_225 : vector<16xf32> to vector<1x16xf32>
        tpu.vector_store %arg11[%swap3A_226, %swap3A_227], %swap3A_230 {strides = array<i32>} : memref<20x128xf32, #tpu.memory_space<vmem>>, vector<1x16xf32>,
        %mul3A_231 = arith.constant 128 : i32
        %mul3A_232 = arith.muli %scan3A_126, %mul3A_231 : i32
        %add3A_233 = arith.constant 112 : i32
        %add3A_234 = arith.addi %mul3A_232, %add3A_233 : i32
        %get3A_235 = arith.index_cast %add3A_234 : i32 to index
        %get3A_236 = tpu.vector_load %arg8[%get3A_235] {strides = array<i32>} : memref<2560xf32, #tpu.memory_space<vmem>>, vector<16xf32>,
        %get3A_237 = vector.shape_cast %get3A_236 : vector<16xf32> to vector<16xf32>
        %mul3A_238 = arith.constant 8.000000e+00 : f32
        %mul3A_239 = vector.broadcast %mul3A_238 : f32 to vector<16xf32>
        %mul3A_240 = arith.mulf %get3A_237, %mul3A_239 : vector<16xf32>
        %swap3A_241 = arith.index_cast %scan3A_126 : i32 to index
        %swap3A_242 = arith.constant 112 : index
        %swap3A_243 = tpu.vector_load %arg11[%swap3A_241, %swap3A_242] {strides = array<i32>} : memref<20x128xf32, #tpu.memory_space<vmem>>, vector<1x16xf32>,
        %swap3A_244 = vector.shape_cast %swap3A_243 : vector<1x16xf32> to vector<16xf32>
        %swap3A_245 = vector.shape_cast %mul3A_240 : vector<16xf32> to vector<1x16xf32>
        tpu.vector_store %arg11[%swap3A_241, %swap3A_242], %swap3A_245 {strides = array<i32>} : memref<20x128xf32, #tpu.memory_space<vmem>>, vector<1x16xf32>,
        %scan3A_246 = arith.constant 0 : i32
        scf.yield %scan3A_246 : i32
      }
      %scan3A_116 = arith.constant 20 : i32
      %add3A_117 = arith.constant 128 : i32
      %add3A_118 = arith.addi %mul3A_0, %add3A_117 : i32
      %dma_start3A_119 = arith.constant 180 : i32
      %dma_start3A_120 = tpu.memref_slice %arg5[%dma_start3A_119, %add3A_38, %add3A_118] : memref<200x64x4096xf32, #tpu.memory_space<hbm>> -> memref<20x1x128xf32, #tpu.memory_space<hbm>>
      %dma_start3A_121 = tpu.memref_squeeze %dma_start3A_120 : memref<20x1x128xf32, #tpu.memory_space<hbm>> -> memref<20x128xf32, #tpu.memory_space<hbm>>
      %dma_start3A_122 = arith.constant 180 : i32
      %dma_start3A_123 = tpu.memref_slice %arg5[%dma_start3A_122, %add3A_38, %add3A_118] : memref<200x64x4096xf32, #tpu.memory_space<hbm>> -> memref<20x1x128xf32, #tpu.memory_space<hbm>>
      %dma_start3A_124 = tpu.memref_squeeze %dma_start3A_123 : memref<20x1x128xf32, #tpu.memory_space<hbm>> -> memref<20x128xf32, #tpu.memory_space<hbm>>
      tpu.enqueue_dma source(%arg11 : memref<20x128xf32, #tpu.memory_space<vmem>>) target(%dma_start3A_124 : memref<20x128xf32, #tpu.memory_space<hbm>>) target_semaphore(%arg16 : memref<!tpu.dma_semaphore, #tpu.memory_space<semaphore_mem>>)
      %scan3A_125 = arith.constant 0 : i32
      scf.yield %scan3A_125 : i32
    }
    %scan3A_14 = arith.constant 32 : i32
    %mul3A_15 = arith.constant 32 : i32
    %mul3A_16 = arith.muli %arg0, %mul3A_15 : i32
    %add3A = arith.constant 32 : i32
    %add3A_17 = arith.addi %mul3A_16, %add3A : i32
    %sub3A = arith.constant 1 : i32
    %sub3A_18 = arith.subi %add3A_17, %sub3A : i32
    %add3A_19 = arith.constant 128 : i32
    %add3A_20 = arith.addi %mul3A_0, %add3A_19 : i32
    %dma_wait3A = arith.constant 160 : i32
    %dma_wait3A_21 = tpu.memref_slice %arg5[%dma_wait3A, %sub3A_18, %add3A_20] : memref<200x64x4096xf32, #tpu.memory_space<hbm>> -> memref<20x1x128xf32, #tpu.memory_space<hbm>>
    %dma_wait3A_22 = tpu.memref_squeeze %dma_wait3A_21 : memref<20x1x128xf32, #tpu.memory_space<hbm>> -> memref<20x128xf32, #tpu.memory_space<hbm>>
    %dma_wait3A_23 = arith.constant 160 : i32
    %dma_wait3A_24 = tpu.memref_slice %arg5[%dma_wait3A_23, %sub3A_18, %add3A_20] : memref<200x64x4096xf32, #tpu.memory_space<hbm>> -> memref<20x1x128xf32, #tpu.memory_space<hbm>>
    %dma_wait3A_25 = tpu.memref_squeeze %dma_wait3A_24 : memref<20x1x128xf32, #tpu.memory_space<hbm>> -> memref<20x128xf32, #tpu.memory_space<hbm>>
    tpu.wait_dma2 semaphore(%arg15 : memref<!tpu.dma_semaphore, #tpu.memory_space<semaphore_mem>>) src(%arg10 : memref<20x128xf32, #tpu.memory_space<vmem>>) dst(%dma_wait3A_25 : memref<20x128xf32, #tpu.memory_space<hbm>>)
    %add3A_26 = arith.constant 128 : i32
    %add3A_27 = arith.addi %mul3A_0, %add3A_26 : i32
    %dma_wait3A_28 = arith.constant 180 : i32
    %dma_wait3A_29 = tpu.memref_slice %arg5[%dma_wait3A_28, %sub3A_18, %add3A_27] : memref<200x64x4096xf32, #tpu.memory_space<hbm>> -> memref<20x1x128xf32, #tpu.memory_space<hbm>>
    %dma_wait3A_30 = tpu.memref_squeeze %dma_wait3A_29 : memref<20x1x128xf32, #tpu.memory_space<hbm>> -> memref<20x128xf32, #tpu.memory_space<hbm>>
    %dma_wait3A_31 = arith.constant 180 : i32
    %dma_wait3A_32 = tpu.memref_slice %arg5[%dma_wait3A_31, %sub3A_18, %add3A_27] : memref<200x64x4096xf32, #tpu.memory_space<hbm>> -> memref<20x1x128xf32, #tpu.memory_space<hbm>>
    %dma_wait3A_33 = tpu.memref_squeeze %dma_wait3A_32 : memref<20x1x128xf32, #tpu.memory_space<hbm>> -> memref<20x128xf32, #tpu.memory_space<hbm>>
    tpu.wait_dma2 semaphore(%arg16 : memref<!tpu.dma_semaphore, #tpu.memory_space<semaphore_mem>>) src(%arg11 : memref<20x128xf32, #tpu.memory_space<vmem>>) dst(%dma_wait3A_33 : memref<20x128xf32, #tpu.memory_space<hbm>>)
    return
  }
}

</mosaic_0001>

<sc_bundles>
// kernel: kernel.3.cloned.1.call-start
scs
__scs_entry_jumppad:
0x0: {  	(pc) =	sbr.rel $0x88, $3  }
0x1: {  	(tag) =	ssettag $0x0;
	lr =	simm.s32 $0x1  }
0x2: {  	[smem:$0x3F9F] =	sst lr;
	_ =	strace $0xD0000000  }
0x3: {  	_ = 	snop  }
0x4: {  	_ = 	snop  }
0x5: {  	_ = 	snop  }
0x6: {  	_ = 	snop  }
0x7: {  	_ = 	snop  }
__scs_overlays_trampoline_lowered:
0x8: {  	[smem:$0x3FAE] =	sst s0  }
0x9: {  	[smem:$0x3FAF] =	sst s1  }
0xa: {  	[smem:$0x3FB0] =	sst s2  }
0xb: {  	[smem:$0x3FB1] =	sst s3  }
0xc: {  	[smem:$0x3FB2] =	sst s4  }
0xd: {  	[smem:$0x3FB3] =	sst s5  }
0xe: {  	[smem:$0x3FB4] =	sst s6  }
0xf: {  	[smem:$0x3FB5] =	sst s7  }
0x10: {  	[smem:$0x3FB6] =	sst s8  }
0x11: {  	[smem:$0x3FB7] =	sst s9;
	s0 =	simm.s32 @!p0 $0x0  }
0x12: {  	s1 =	sld [smem:$0x3F9D];
	s0 =	simm.s32 @p0 $0x1  }
0x13: {  	[smem:$0x3FB8] =	sst s0;
	s0 =	simm.s32 @!p1 $0x0  }
0x14: {  	s2 =	sld [smem:$0x3F9C];
	s0 =	simm.s32 @p1 $0x1  }
0x15: {  	[smem:$0x3FB9] =	sst s0;
	s0 =	simm.s32 @!p2 $0x0  }
0x16: {  	s3 =	sld [smem:$0x3FDB];
	s0 =	simm.s32 @p2 $0x1  }
0x17: {  	s4 =	simm.s32 $0x1BF5;
	[smem:$0x3FBB] =	sst s0  }
0x18: {  	s0 =	sld [smem:$0x3F9E];
	_ =	swait.ge [sflag:s4], $0x0  }
0x19: {  	s7 =	sld [smem:$0x3F9F]  }
0x1a: {  	s8 =	sadd.s32 $0xFFFFE003, lr  }
0x1b: {  	s9 =	sadd.s32 $0xFFFFFEF7, lr;
	s5 =	simm.s32 $0xFFFFFFFF;
	p2 =	slt.u32 s8, $0xFFFFF086  }
0x1c: {  	p1 =	slt.u32 s9, $0xF7A;
	s5 =	simm.s32 @!p2 $0x0  }
0x1d: {  	s5 =	simm.s32 @p1 $0x1;
	p0 =	seq.s32 s7, s2  }
0x1e: {  	s7 =	smul.u32 @!p0 $0xF7A, s2;
	p2 =	seq.s32 @!p0 s5, $0x0  }
0x1f: {  	s9 =	smul.u32 $0xF7A, s1;
	s8 =	simm.s32 @!p0 $0x1BF5;
	p2 =	por !p2, p0  }
0x20: {  	[sflag:s8] =	ssyncset.s32 @!p0 $0xFFFFF086;
	s6 =	sadd.s32 @!p0 s3, s7;
	s7 =	simm.s32 @!p0 $0x108  }
0x21: {  	s3 =	sadd.s32 s3, s9;
	s6 =	sadd.s32 @!p0 $0x88, s6;
	s7 =	simm.s32 @p2 $0x1082  }
0x22: {  	[simem:s7], [sflag:s8] =	dma.local @!p0 [hbm:s6], $0xF7A  }
0x23: {  	s9 =	sor.u32 $0xD0000000, s2;
	s6 =	simm.s32 $0x108;
	_ =	swait.ge @!p0 [sflag:s8], $0x0  }
0x24: {  	s3 =	sadd.s32 $0x88, s3;
	s6 =	simm.s32 @!p1 $0x1082;
	[sflag:s4] =	ssyncset.s32 $0xFFFFF086  }
0x25: {  	[simem:s6], [sflag:s4] =	dma.local [hbm:s3], $0xF7A  }
0x26: {  	[smem:$0x3F9F] =	sst s1;
	(tag) =	ssettag s2;
	_ =	strace s9  }
0x27: {  	s1 =	sld [smem:$0x3FAF]  }
0x28: {  	s2 =	sld [smem:$0x3FB0]  }
0x29: {  	s4 =	sld [smem:$0x3FB2]  }
0x2a: {  	p0 =	seq.s32 s5, $0x0;
	s5 =	sld [smem:$0x3FB3]  }
0x2b: {  	s6 =	sld [smem:$0x3FB4]  }
0x2c: {  	s7 =	sld [smem:$0x3FB5]  }
0x2d: {  	s3 =	simm.s32 $0x108;
	s8 =	sld [smem:$0x3FB6]  }
0x2e: {  	s3 =	simm.s32 @!p0 $0x1082;
	s9 =	sld [smem:$0x3FB7]  }
0x2f: {  	lr =	sadd.s32 s0, s3;
	s0 =	sld [smem:$0x3FAE]  }
0x30: {  	s3 =	sld [smem:$0x3FB1]  }
0x31: {  	[smem:$0x3FBA] =	sst s10  }
0x32: {  	s10 =	sld [smem:$0x3FB8];
	_ =	sdelay $0x3  }
0x33: {  	p0 =	seq.s32 s10, $0x1;
	s10 =	sld [smem:$0x3FBA];
	_ =	sdelay $0x3  }
0x34: {  	[smem:$0x3FBA] =	sst s10  }
0x35: {  	s10 =	sld [smem:$0x3FB9];
	_ =	sdelay $0x3  }
0x36: {  	p1 =	seq.s32 s10, $0x1;
	s10 =	sld [smem:$0x3FBA];
	_ =	sdelay $0x3  }
0x37: {  	[smem:$0x3FBA] =	sst s10  }
0x38: {  	s10 =	sld [smem:$0x3FBB]  }
0x39: {  	_ = 	snop;
	(pc) =	sbr.ind lr, $3  }
0x3a: {  	_ = 	snop  }
0x3b: {  	_ = 	snop  }
0x3c: {  	p2 =	seq.s32 s10, $0x1;
	s10 =	sld [smem:$0x3FBA]  }
0x3d: {  	_ =	shalt  }
0x3e: {  	_ =	shalt  }
0x3f: {  	_ =	shalt  }
0x40: {  	_ =	shalt  }
0x41: {  	_ =	shalt  }
0x42: {  	_ =	shalt  }
0x43: {  	_ =	shalt  }
0x44: {  	_ =	shalt  }
0x45: {  	_ =	shalt  }
0x46: {  	_ =	shalt  }
0x47: {  	_ =	shalt  }
0x48: {  	_ =	shalt  }
0x49: {  	_ =	shalt  }
0x4a: {  	_ =	shalt  }
0x4b: {  	_ =	shalt  }
0x4c: {  	_ =	shalt  }
0x4d: {  	_ =	shalt  }
0x4e: {  	_ =	shalt  }
0x4f: {  	_ =	shalt  }
0x50: {  	_ =	shalt  }
0x51: {  	_ =	shalt  }
0x52: {  	_ =	shalt  }
0x53: {  	_ =	shalt  }
0x54: {  	_ =	shalt  }
0x55: {  	_ =	shalt  }
0x56: {  	_ =	shalt  }
0x57: {  	_ =	shalt  }
0x58: {  	_ =	shalt  }
0x59: {  	_ =	shalt  }
0x5a: {  	_ =	shalt  }
0x5b: {  	_ =	shalt  }
0x5c: {  	_ =	shalt  }
0x5d: {  	_ =	shalt  }
0x5e: {  	_ =	shalt  }
0x5f: {  	_ =	shalt  }
0x60: {  	_ =	shalt  }
0x61: {  	_ =	shalt  }
0x62: {  	_ =	shalt  }
0x63: {  	_ =	shalt  }
0x64: {  	_ =	shalt  }
0x65: {  	_ =	shalt  }
0x66: {  	_ =	shalt  }
0x67: {  	_ =	shalt  }
0x68: {  	_ =	shalt  }
0x69: {  	_ =	shalt  }
0x6a: {  	_ =	shalt  }
0x6b: {  	_ =	shalt  }
0x6c: {  	_ =	shalt  }
0x6d: {  	_ =	shalt  }
0x6e: {  	_ =	shalt  }
0x6f: {  	_ =	shalt  }
0x70: {  	_ =	shalt  }
0x71: {  	_ =	shalt  }
0x72: {  	_ =	shalt  }
0x73: {  	_ =	shalt  }
0x74: {  	_ =	shalt  }
0x75: {  	_ =	shalt  }
0x76: {  	_ =	shalt  }
0x77: {  	_ =	shalt  }
0x78: {  	_ =	shalt  }
0x79: {  	_ =	shalt  }
0x7a: {  	_ =	shalt  }
0x7b: {  	_ =	shalt  }
0x7c: {  	_ =	shalt  }
0x7d: {  	_ =	shalt  }
0x7e: {  	_ =	shalt  }
0x7f: {  	_ =	shalt  }
0x80: {  	_ =	shalt  }
0x81: {  	_ =	shalt  }
0x82: {  	_ =	shalt  }
0x83: {  	_ =	shalt  }
0x84: {  	_ =	shalt  }
0x85: {  	_ =	shalt  }
0x86: {  	_ =	shalt  }
0x87: {  	_ =	shalt  }
.Lfunc_end0:
.L_simem_size_0:
called_computation_lowered:
.L_overlay_start_0:
0x88: {  	s2 =	sld [smem:$0x3FD9]  }
0x89: {  	s3 =	sld [smem:$0x3FFE];
	_ =	sdelay $0x1  }
0x8a: {  	s1 =	srdreg.scid  }
0x8b: {  	s0 =	sand.u32 $0x1, s1  }
0x8c: {  	s17 =	sshll.u32 s0, $0xA;
	s2 =	sadd.s32 s3, s2  }
0x8d: {  	s2 =	sadd.s32 s2, s17  }
0x8e: {  	[smem:$0x3FC6] =	sst s2  }
0x8f: {  	_ = 	snop  }
0x90: {  	s2 =	sld [smem:$0x3FC8]  }
0x91: {  	s18 =	sld [smem:$0x3FD0];
	(tm) =	ssettm $0x1  }
0x92: {  	s4 =	sld [smem:$0x3FFB];
	_ =	sdelay $0x3  }
0x93: {  	_ =	strace s4  }
0x94: {  	s4 =	sld [smem:$0x3FFC];
	_ =	sdelay $0x3  }
0x95: {  	_ =	strace s4  }
0x96: {  	s4 =	sld [smem:$0x3FFD];
	_ =	sdelay $0x3  }
0x97: {  	_ =	strace s4  }
0x98: {  	_ =	strace $0x8FFFFFFF  }
0x99: {  	s19 =	sld [smem:$0x3FDB];
	_ =	sdelay $0x1  }
0x9a: {  	s5 =	simm.s32 $_scs_section_size  }
0x9b: {  	s6 =	simm.s32 $_size__tile_overlayer_lowered;
	s7 =	simm.s32 $_tile_overlayer_lowered  }
0x9c: {  	s22 =	simm.s32 $0x1BFF;
	s21 =	sshll.u32 s7, $0x1;
	s4 =	sadd.s32 s5, s19  }
0x9d: {  	s8 =	simm.s32 $0x0;
	s20 =	sshll.u32 s6, $0x1;
	s6 =	sadd.s32 s21, s4  }
0x9e: {  	[timem:s8], [sflag:s22] =	dma.local [hbm:s6], s20  }
0x9f: {  	_ =	swait.ge [sflag:s22], s20  }
0xa0: {  	s5 =	ssub.s32 $0x0, s20;
	[sflag:s22] =	ssyncset.done $0x0  }
0xa1: {  	[sflag:s22] =	ssyncadd.s32 s5;
	_ =	sdelay $0x1  }
0xa2: {  	s23 =	simm.s32 $0x1B8B  }
0xa3: {  	_ =	swait.ge [sflag:s23], $0x1  }
0xa4: {  	[sflag:s23] =	ssyncset.done $0x0  }
0xa5: {  	s25 =	simm.s32 $0x1B8E;
	s24 =	sld [smem:$0x3FFE];
	[sflag:s23] =	ssyncadd.s32 $0xFFFFFFFF  }
0xa6: {  	s26 =	simm.s32 $execute0_lowered;
	[smem:$0x3FD2] =	sst s25  }
0xa7: {  	s6 =	sshll.u32 s26, $0x1;
	_ =	strace $0x80000046;
	[dreg:$0x1] =	wrdreg $0xFFFFFFFF  }
0xa8: {  	s28 =	simm.s32 $_size_execute0_lowered;
	s4 =	sadd.s32 s4, s6;
	[dreg:$0x0] =	wrdreg $0x0  }
0xa9: {  	s6 =	sshll.u32 s28, $0x1;
	[dreg:$0x2] =	wrdreg s4  }
0xaa: {  	[dreg:$0x3] =	wrdreg s6  }
0xab: {  	[dreg:$0x4] =	wrdreg $0xC0  }
0xac: {  	_ =	task [dreg:s8], $0x5FFFF  }
0xad: {  	[dreg:$0x1] =	wrdreg $0xFFFFFFFF  }
0xae: {  	[dreg:$0x0] =	wrdreg $0x60  }
0xaf: {  	[dreg:$0x2] =	wrdreg s24  }
0xb0: {  	[dreg:$0x3] =	wrdreg s2  }
0xb1: {  	[dreg:$0x4] =	wrdreg s18  }
0xb2: {  	[dreg:$0x5] =	wrdreg $0xFE000  }
0xb3: {  	[dreg:$0x6] =	wrdreg $0x9  }
0xb4: {  	_ =	task.clear_ibuf [dreg:s8], $0x7FFFF;
	_ =	strace $0x90000046  }
0xb5: {  	s29 =	simm.s32 $0x9;
	_ =	strace $0x80000048  }
0xb6: {  	_ =	swait.ge [sflag:s29], $0x1  }
0xb7: {  	[sflag:s29] =	ssyncadd.s32 $0xFFFFFFFF  }
0xb8: {  	_ =	strace $0x90000048  }
0xb9: {  	_ =	sfence  }
0xba: {  	s30 =	sld [smem:$0x0];
	_ =	sdelay $0x2  }
0xbb: {  	s31 =	sshll.u32 s1, $0xD;
	s1 =	sshrl.u32 s1, $0x2  }
0xbc: {  	s3 =	sand.u32 $0x4000, s31;
	s1 =	sadd.s32 s1, s30  }
0xbd: {  	s0 =	sor.u32 s3, s0;
	s1 =	sshll.u32 s1, $0x11  }
0xbe: {  	s0 =	sor.u32 s1, s0  }
0xbf: {  	s0 =	sadd.s32 $0x8F2B, s0  }
0xc0: {  	[sflag:s0] =	ssyncadd.remote.s32 $0x1  }
0xc1: {  	_ =	sfence.sel $0xFFFF  }
0xc2: {  	[dreg:$0x0] =	wrdreg $0xFFFFFFFF;
	(pc) =	sbr.abs _section_cstart, $3  }
0xc3: {  	[dreg:$0x1] =	wrdreg $0xFFFFFFFF  }
0xc4: {  	_ =	task.clear_ibuf [dreg:s8], $0x2FFFF;
	_ =	strace $0x9FFFFFFF  }
0xc5: {  	(tm) =	ssettm $0x7FFFFFFF  }
tec
execute0_lowered:
.L_overlay_start_1:
0x0: {  	(tag) =	ssettag $0x1  }
0x1: {  	s0 =	rddreg [dreg:$0x0]  }
0x2: {  	s9 =	rddreg [dreg:$0x1]  }
0x3: {  	s3 =	rddreg [dreg:$0x2]  }
0x4: {  	s4 =	rddreg [dreg:$0x3];
	s8 =	stileid.u32  }
0x5: {  	s5 =	simm.s32 $0x0;
	s16 =	srdreg.scid;
	s28 =	simm.s32 $0xA00  }
0x6: {  	s29 =	simm.s32 $0xC800;
	s30 =	simm.s32 $0xD200;
	s31 =	simm.s32 $0x2  }
0x7: {  	s13 =	simm.s32 $0x4;
	s1 =	sshrl.u32 s8, $0x3;
	s2 =	sshll.u32 s8, $0x7  }
0x8: {  	[smem:$0x7FF] =	sst s5;
	s17 =	sand.u32 $0x1, s16;
	s10 =	smul.u32 $0x7A000, s8  }
0x9: {  	s11 =	sadd.s32 $0x19400, s0;
	s19 =	smul.u32 $0x3D000, s8;
	s24 =	sshll.u32 s8, $0x8  }
0xa: {  	s16 =	sshll.u32 s8, $0xB;
	s25 =	sadd.s32 $0x500000, s3;
	s26 =	sadd.s32 $0x5A0000, s3  }
0xb: {  	p0 =	seq.s32 s8, $0xF;
	_ =	strace $0x80000047;
	[dreg:$0x9] =	wrdreg s11  }
0xc: {  	s1 =	smul.u32 $0x64000, s1;
	s2 =	sand.u32 $0x380, s2;
	[dreg:$0xe] =	wrdreg s25  }
0xd: {  	s5 =	ssub.s32 $0x2, s17;
	s20 =	sshll.u32 s17, $0x5;
	[dreg:$0xf] =	wrdreg s26  }
0xe: {  	s6 =	smul.u32 $0x1E85000, s17;
	s23 =	sshll.u32 s17, $0x9;
	[dreg:$0x7] =	wrdreg s20  }
0xf: {  	s7 =	sshrl.u32 s5, $0x1;
	[dreg:$0x5] =	wrdreg s10;
	s1 =	sor.u32 s2, s1  }
0x10: {  	s18 =	ssub.s32 s5, s7;
	s21 =	sadd.s32 s10, s6;
	s5 =	sshrl.u32 s19, $0x2  }
0x11: {  	s6 =	sshrl.u32 s6, $0x3;
	s2 =	sadd.s32 $0xF4200, s4;
	s1 =	sshrl.u32 s1, $0x3  }
0x12: {  	s10 =	sadd.s32 s5, s4;
	s22 =	sadd.s32 s9, s6;
	s5 =	sadd.s32 $0xE4C00, s4  }
0x13: {  	s1 =	sadd.s32 s1, s0;
	s0 =	smax.u32 s18, $0x1;
	[dreg:$0xb] =	wrdreg s5  }
0x14: {  	s1 =	sadd.s32 $0x400, s1;
	[dreg:$0x10] =	wrdreg s0;
	s0 =	sshll.u32 @!p0 s8, $0x6  }
0x15: {  	[dreg:$0x6] =	wrdreg s1;
	s1 =	sshrl.u32 s21, $0x3;
	s0 =	sor.u32 @!p0 $0x1C01, s0  }
0x16: {  	s19 =	smov.u32 s2;
	s1 =	sadd.s32 s9, s1;
	[dreg:$0x12] =	wrdreg s0  }
0x17: {  	s8 =	simm.s32 $0xF200;
	s0 =	sshrl.u32 @p0 s2, $0x3;
	[dreg:$0x8] =	wrdreg s1  }
0x18: {  	s21 =	simm.s32 $0x80;
	s1 =	sadd.s32 $0xE4C00, s22;
	[dreg:$0x13] =	wrdreg s0  }
0x19: {  	s2 =	simm.s32 $0x0;
	[dreg:$0xa] =	wrdreg s1;
	s1 =	sadd.s32 s11, s23  }
0x1a: {  	s0 =	simm.s32 $0xDC00;
	[dreg:$0xc] =	wrdreg s1;
	s1 =	sor.u32 $0x80, s24  }
0x1b: {  	s22 =	simm.s32 $0xE600;
	[dreg:$0xd] =	wrdreg s1;
	s1 =	sshrl.u32 @p0 s5, $0x3  }
0x1c: {  	s11 =	simm.s32 $0x3;
	s5 =	simm.s32 $0x40000;
	[dreg:$0x11] =	wrdreg s1  }
.LBB2_1:
0x1d: {  	[dreg:$0x14] =	wrdreg s2;
	s1 =	simm.s32 $0x0  }
0x1e: {  	s25 =	rddreg [dreg:$0x6];
	s6 =	simm.s32 $0x400;
	s26 =	simm.s32 $0x5  }
0x1f: {  	[tilespmem:s1], [sflag:$0x5] =	stream.strided.gather [hbm4b:s25+s21], $0xC800, s6, s21, $0x38;
	[tilespmem:$0x1F228] =	vst v63  }
0x20: {  	s20 =	simm.s32 @p0 $0x1;
	s2 =	simm.s32 @p0 $0x80;
	_ =	swait.ge [sflag:s26], $0xC800  }
0x21: {  	s1 =	simm.s32 @p0 $0x10;
	[sflag:s26] =	ssyncset.done $0x0;
	s7 =	rddreg [dreg:$0xa]  }
0x22: {  	s6 =	simm.s32 @p0 $0x1FC1;
	s9 =	rddreg [dreg:$0x11];
	[sflag:s26] =	ssyncadd.s32 $0xFFFF3800  }
0x23: {  	[spmem:s9@s1], [sflag:s6] =	dma.strided @p0 [hbm:s7@s2], $0x1EC0, s20, $0x10   }
0x24: {  	s1 =	rddreg [dreg:$0xc]  }
0x25: {  	s24 =	simm.s32 @!p0 $0x1;
	s2 =	rddreg [dreg:$0x13]  }
0x26: {  	[spmem:s2], [sflag:s6] =	dma.local @p0 [hbm:s1], $0x10  }
0x27: {  	s25 =	simm.s32 $0x0;
	s1 =	sshrl.u32 @!p0 s10, $0x3;
	s7 =	rddreg [dreg:$0x8]  }
0x28: {  	s2 =	simm.s32 @!p0 $0x10;
	s6 =	simm.s32 @!p0 $0x80;
	s9 =	rddreg [dreg:$0x12]  }
0x29: {  	[spmem:s1@s2], [sflag:s9] =	dma.strided @!p0 [hbm:s7@s6], $0x1E80, s24, $0x10   }
.LBB2_2:
0x2a: {  	_ =	swait.ge @p0 [sflag:s20], $0x1EC0  }
0x2b: {  	[sflag:s20] =	ssyncset.done @p0 $0x0  }
0x2c: {  	[sflag:s20] =	ssyncadd.s32 @p0 $0xFFFFE140  }
0x2d: {  	_ =	swait.ge @p0 [sflag:s20], $0x10  }
0x2e: {  	[sflag:s20] =	ssyncset.done @p0 $0x0  }
0x2f: {  	[sflag:s20] =	ssyncadd.s32 @p0 $0xFFFFFFF0  }
0x30: {  	_ =	swait.ge @!p0 [sflag:s24], $0x1E80  }
0x31: {  	[sflag:s24] =	ssyncset.done @!p0 $0x0  }
0x32: {  	[sflag:s24] =	ssyncadd.s32 @!p0 $0xFFFFE180  }
0x33: {  	s23 =	simm.s32 $0x0;
	[bflag:$0x0] =	sbarrier.arrive $0xFFFF  }
0x34: {  	[tilespmem:s29], [sflag:$0x2] =	stream.indirect.gather [spmem:s4], $0x1, s23, s28, $0xb8;
	[tilespmem:$0x1F228] =	vst v63  }
0x35: {  	s1 =	rddreg [dreg:$0x7]  }
0x36: {  	s18 =	sshll.u32 s25, $0x7;
	s26 =	sadd.s32 s1, s25  }
0x37: {  	[tilespmem:s30], [sflag:$0x2] =	stream.indirect.gather [spmem:s4], $0x1, s28, s28, $0xb8;
	[tilespmem:$0x1F228] =	vst v63  }
0x38: {  	s1 =	sand.u32 $0x380, s18;
	s2 =	sshll.u32 s26, $0xC  }
0x39: {  	s6 =	sor.u32 s16, s1;
	s2 =	sand.u32 $0x38000, s2  }
0x3a: {  	s15 =	sor.u32 s1, s2;
	s2 =	sor.u32 s2, s6  }
.LBB2_3:
0x3b: {  	s1 =	smul.u32 $0x6, s23;
	_ =	sdelay $0x1  }
0x3c: {  	s6 =	sadd.s32 $0x2, s1  }
0x3d: {  	_ =	swait.ge [sflag:s31], $0xA00;
	s7 =	smul.u32 $0x2800, s6  }
0x3e: {  	s18 =	sor.u32 s25, s23;
	[sflag:s31] =	ssyncset.done $0x0  }
0x3f: {  	p1 =	seq.s32 s18, $0x0;
	[sflag:s31] =	ssyncadd.s32 $0xFFFFF600;
	s7 =	sshra.s32 s7, $0x2  }
0x40: {  	[tilespmem:s0], [sflag:$0x2] =	stream.indirect.gather [spmem:s4], $0x1, s7, s28, $0xb8;
	[tilespmem:$0x1F228] =	vst v63  }
0x41: {  	s7 =	simm.s32 @!p1 $0x3  }
0x42: {  	_ =	swait.ge @!p1 [sflag:s7], $0xA00  }
0x43: {  	[sflag:s7] =	ssyncset.done @!p1 $0x0  }
0x44: {  	s9 =	simm.s32 $0x0;
	[sflag:s7] =	ssyncadd.s32 @!p1 $0xFFFFF600  }
0x45: {  	v1 =	vld [tilespmem:s9+$0xC870]  }
0x46: {  	v5 =	vld [tilespmem:s9+$0xC800]  }
0x47: {  	v6 =	vld [tilespmem:s9+$0xC810]  }
0x48: {  	v4 =	vld [tilespmem:s9+$0xC820]  }
0x49: {  	v3 =	vld [tilespmem:s9+$0xC830]  }
0x4a: {  	v0 =	vld [tilespmem:s9+$0xC840];
	v7 =	vmul.f32 $8.000000000e+00, v1  }
0x4b: {  	v1 =	vld [tilespmem:s9+$0xC850];
	v5 =	vmul.f32 $8.000000000e+00, v5  }
0x4c: {  	s12 =	simm.s32 $0x400;
	s7 =	simm.s32 $0x80;
	v2 =	vld [tilespmem:s9+$0xC860];
	v6 =	vmul.f32 $8.000000000e+00, v6;
	[tilespmem:s9+$0xE670] =	vst v7  }
.LBB2_4:
0x4d: {  	p2 =	sne.s32 s12, $0x2600;
	v7 =	vld [tilespmem:s7+$0xC870];
	[tilespmem:s9+$0xE600] =	vst v5;
	v4 =	vmul.f32 $8.000000000e+00, v4  }
0x4e: {  	v5 =	vld [tilespmem:s7+$0xC800];
	[tilespmem:s9+$0xE610] =	vst v6;
	v3 =	vmul.f32 $8.000000000e+00, v3  }
0x4f: {  	v6 =	vld [tilespmem:s7+$0xC810];
	[tilespmem:s9+$0xE620] =	vst v4;
	v0 =	vmul.f32 $8.000000000e+00, v0  }
.Ltmp0:
0x50: {  	v4 =	vld [tilespmem:s7+$0xC820];
	[tilespmem:s9+$0xE630] =	vst v3;
	v1 =	vmul.f32 $8.000000000e+00, v1;
	(pc) =	sbr.rel @p2 .LBB2_4-.Ltmp0, $4  }
0x51: {  	v3 =	vld [tilespmem:s7+$0xC830];
	[tilespmem:s9+$0xE640] =	vst v0;
	v2 =	vmul.f32 $8.000000000e+00, v2  }
0x52: {  	v0 =	vld [tilespmem:s7+$0xC840];
	v7 =	vmul.f32 $8.000000000e+00, v7;
	[tilespmem:s9+$0xE650] =	vst v1  }
0x53: {  	v5 =	vmul.f32 $8.000000000e+00, v5;
	v1 =	vld [tilespmem:s7+$0xC850];
	[tilespmem:s9+$0xE660] =	vst v2;
	s9 =	smov.u32 s7  }
0x54: {  	s7 =	sshra.s32 s12, $0x2;
	s12 =	sadd.s32 $0x200, s12;
	v6 =	vmul.f32 $8.000000000e+00, v6;
	v2 =	vld [tilespmem:s9+$0xC860];
	[tilespmem:s9+$0xE670] =	vst v7  }
0x55: {  	v7 =	vld [tilespmem:s7+$0xC870];
	[tilespmem:s9+$0xE600] =	vst v5;
	v4 =	vmul.f32 $8.000000000e+00, v4  }
0x56: {  	v5 =	vld [tilespmem:s7+$0xC800];
	[tilespmem:s9+$0xE610] =	vst v6;
	v3 =	vmul.f32 $8.000000000e+00, v3  }
0x57: {  	v6 =	vld [tilespmem:s7+$0xC810];
	[tilespmem:s9+$0xE620] =	vst v4;
	v0 =	vmul.f32 $8.000000000e+00, v0  }
0x58: {  	s12 =	smulhi.u32 $0xCCCCCCCD, s1;
	v4 =	vld [tilespmem:s7+$0xC820];
	[tilespmem:s9+$0xE630] =	vst v3;
	v1 =	vmul.f32 $8.000000000e+00, v1  }
0x59: {  	v3 =	vld [tilespmem:s7+$0xC830];
	[tilespmem:s9+$0xE640] =	vst v0;
	v2 =	vmul.f32 $8.000000000e+00, v2  }
0x5a: {  	s14 =	sshrl.u32 s12, $0x3;
	v0 =	vld [tilespmem:s7+$0xC840];
	[tilespmem:s9+$0xE650] =	vst v1;
	v7 =	vmul.f32 $8.000000000e+00, v7  }
0x5b: {  	s12 =	smul.u32 $0xA, s14;
	v1 =	vld [tilespmem:s7+$0xC850];
	[tilespmem:s9+$0xE660] =	vst v2;
	v2 =	vmul.f32 $8.000000000e+00, v5  }
0x5c: {  	v5 =	vld [tilespmem:s7+$0xC860];
	v6 =	vmul.f32 $8.000000000e+00, v6;
	[tilespmem:s7+$0xE670] =	vst v7  }
0x5d: {  	s12 =	ssub.s32 s1, s12;
	[tilespmem:s7+$0xE600] =	vst v2;
	v2 =	vmul.f32 $8.000000000e+00, v4  }
0x5e: {  	s12 =	smul.u32 $0x500000, s12;
	[tilespmem:s7+$0xE610] =	vst v6;
	v3 =	vmul.f32 $8.000000000e+00, v3  }
0x5f: {  	s9 =	sshll.u32 s14, $0xA;
	[tilespmem:s7+$0xE620] =	vst v2;
	v0 =	vmul.f32 $8.000000000e+00, v0  }
0x60: {  	s9 =	sadd.s32 s16, s9;
	s12 =	sor.u32 s15, s12;
	[tilespmem:s7+$0xE630] =	vst v3;
	v1 =	vmul.f32 $8.000000000e+00, v1  }
0x61: {  	s12 =	sadd.s32 s9, s12;
	[tilespmem:s7+$0xE640] =	vst v0;
	v0 =	vmul.f32 $8.000000000e+00, v5  }
0x62: {  	s12 =	sshrl.u32 s12, $0x3;
	[tilespmem:s7+$0xE650] =	vst v1  }
0x63: {  	s17 =	sadd.s32 s3, s12;
	[tilespmem:s7+$0xE660] =	vst v0;
	s7 =	sadd.s32 $0x3, s1  }
0x64: {  	[hbm4b:s17+s21] =	stream.strided.scatter [tilespmem:s22], [sflag:$0x3], $0xA00, s5, s21, $0x38;
	[tilespmem:$0x1F228] =	vst v63  }
0x65: {  	s18 =	smul.u32 $0x2800, s7;
	_ =	swait.ge [sflag:s31], $0xA00  }
0x66: {  	[sflag:s31] =	ssyncset.done $0x0  }
0x67: {  	s12 =	sshra.s32 s18, $0x2;
	[sflag:s31] =	ssyncadd.s32 $0xFFFFF600  }
0x68: {  	[tilespmem:s29], [sflag:$0x2] =	stream.indirect.gather [spmem:s4], $0x1, s12, s28, $0xb8;
	[tilespmem:$0x1F228] =	vst v63  }
0x69: {  	s12 =	simm.s32 @!p1 $0x4  }
0x6a: {  	_ =	swait.ge @!p1 [sflag:s12], $0xA00  }
0x6b: {  	[sflag:s12] =	ssyncset.done @!p1 $0x0  }
0x6c: {  	s17 =	simm.s32 $0x0;
	[sflag:s12] =	ssyncadd.s32 @!p1 $0xFFFFF600  }
0x6d: {  	v1 =	vld [tilespmem:s17+$0xD270]  }
0x6e: {  	v5 =	vld [tilespmem:s17+$0xD200]  }
0x6f: {  	v6 =	vld [tilespmem:s17+$0xD210]  }
0x70: {  	v4 =	vld [tilespmem:s17+$0xD220]  }
0x71: {  	v3 =	vld [tilespmem:s17+$0xD230]  }
0x72: {  	v0 =	vld [tilespmem:s17+$0xD240];
	v7 =	vmul.f32 $8.000000000e+00, v1  }
0x73: {  	v1 =	vld [tilespmem:s17+$0xD250];
	v5 =	vmul.f32 $8.000000000e+00, v5  }
0x74: {  	s14 =	sor.u32 $0x1, s1;
	s18 =	simm.s32 $0x400;
	s12 =	simm.s32 $0x80;
	v2 =	vld [tilespmem:s17+$0xD260];
	v6 =	vmul.f32 $8.000000000e+00, v6;
	[tilespmem:s17+$0xF270] =	vst v7  }
.LBB2_6:
0x75: {  	p1 =	sne.s32 s18, $0x2600;
	v7 =	vld [tilespmem:s12+$0xD270];
	[tilespmem:s17+$0xF200] =	vst v5;
	v4 =	vmul.f32 $8.000000000e+00, v4  }
0x76: {  	v5 =	vld [tilespmem:s12+$0xD200];
	[tilespmem:s17+$0xF210] =	vst v6;
	v3 =	vmul.f32 $8.000000000e+00, v3  }
0x77: {  	v6 =	vld [tilespmem:s12+$0xD210];
	[tilespmem:s17+$0xF220] =	vst v4;
	v0 =	vmul.f32 $8.000000000e+00, v0  }
.Ltmp1:
0x78: {  	v4 =	vld [tilespmem:s12+$0xD220];
	[tilespmem:s17+$0xF230] =	vst v3;
	v1 =	vmul.f32 $8.000000000e+00, v1;
	(pc) =	sbr.rel @p1 .LBB2_6-.Ltmp1, $4  }
0x79: {  	v3 =	vld [tilespmem:s12+$0xD230];
	[tilespmem:s17+$0xF240] =	vst v0;
	v2 =	vmul.f32 $8.000000000e+00, v2  }
0x7a: {  	v0 =	vld [tilespmem:s12+$0xD240];
	v7 =	vmul.f32 $8.000000000e+00, v7;
	[tilespmem:s17+$0xF250] =	vst v1  }
0x7b: {  	v5 =	vmul.f32 $8.000000000e+00, v5;
	v1 =	vld [tilespmem:s12+$0xD250];
	[tilespmem:s17+$0xF260] =	vst v2;
	s17 =	smov.u32 s12  }
0x7c: {  	s12 =	sshra.s32 s18, $0x2;
	s18 =	sadd.s32 $0x200, s18;
	v6 =	vmul.f32 $8.000000000e+00, v6;
	v2 =	vld [tilespmem:s17+$0xD260];
	[tilespmem:s17+$0xF270] =	vst v7  }
0x7d: {  	v7 =	vld [tilespmem:s12+$0xD270];
	[tilespmem:s17+$0xF200] =	vst v5;
	v4 =	vmul.f32 $8.000000000e+00, v4  }
0x7e: {  	v5 =	vld [tilespmem:s12+$0xD200];
	[tilespmem:s17+$0xF210] =	vst v6;
	v3 =	vmul.f32 $8.000000000e+00, v3  }
0x7f: {  	v6 =	vld [tilespmem:s12+$0xD210];
	[tilespmem:s17+$0xF220] =	vst v4;
	v0 =	vmul.f32 $8.000000000e+00, v0  }
0x80: {  	v4 =	vld [tilespmem:s12+$0xD220];
	[tilespmem:s17+$0xF230] =	vst v3;
	v1 =	vmul.f32 $8.000000000e+00, v1  }
0x81: {  	s18 =	smulhi.u32 $0xCCCCCCCD, s14;
	v3 =	vld [tilespmem:s12+$0xD230];
	[tilespmem:s17+$0xF240] =	vst v0;
	v2 =	vmul.f32 $8.000000000e+00, v2  }
0x82: {  	v0 =	vld [tilespmem:s12+$0xD240];
	[tilespmem:s17+$0xF250] =	vst v1  }
0x83: {  	s18 =	sshrl.u32 s18, $0x3;
	v1 =	vld [tilespmem:s12+$0xD250];
	[tilespmem:s17+$0xF260] =	vst v2;
	v2 =	vmul.f32 $8.000000000e+00, v7  }
0x84: {  	v5 =	vmul.f32 $8.000000000e+00, v5;
	s17 =	smul.u32 $0xA, s18  }
0x85: {  	v7 =	vld [tilespmem:s12+$0xD260];
	v6 =	vmul.f32 $8.000000000e+00, v6;
	[tilespmem:s12+$0xF270] =	vst v2  }
0x86: {  	[tilespmem:s12+$0xF200] =	vst v5;
	v2 =	vmul.f32 $8.000000000e+00, v4;
	s17 =	ssub.s32 s14, s17  }
0x87: {  	[tilespmem:s12+$0xF210] =	vst v6;
	v3 =	vmul.f32 $8.000000000e+00, v3;
	s14 =	smul.u32 $0x500000, s17  }
0x88: {  	[tilespmem:s12+$0xF220] =	vst v2;
	v0 =	vmul.f32 $8.000000000e+00, v0  }
0x89: {  	[tilespmem:s12+$0xF230] =	vst v3;
	v1 =	vmul.f32 $8.000000000e+00, v1;
	s14 =	sor.u32 s15, s14  }
0x8a: {  	[tilespmem:s12+$0xF240] =	vst v0;
	v0 =	vmul.f32 $8.000000000e+00, v7;
	s9 =	sadd.s32 s9, s14  }
0x8b: {  	[tilespmem:s12+$0xF250] =	vst v1;
	s9 =	sshrl.u32 s9, $0x3  }
0x8c: {  	[tilespmem:s12+$0xF260] =	vst v0;
	s9 =	sadd.s32 s3, s9  }
0x8d: {  	[hbm4b:s9+s21] =	stream.strided.scatter [tilespmem:s8], [sflag:$0x4], $0xA00, s5, s21, $0x38;
	[tilespmem:$0x1F228] =	vst v63  }
0x8e: {  	s9 =	sadd.s32 $0x4, s1  }
0x8f: {  	_ =	swait.ge [sflag:s31], $0xA00;
	s18 =	smul.u32 $0x2800, s9  }
0x90: {  	[sflag:s31] =	ssyncset.done $0x0  }
0x91: {  	[sflag:s31] =	ssyncadd.s32 $0xFFFFF600;
	s12 =	sshra.s32 s18, $0x2  }
0x92: {  	[tilespmem:s30], [sflag:$0x2] =	stream.indirect.gather [spmem:s4], $0x1, s12, s28, $0xb8;
	[tilespmem:$0x1F228] =	vst v63  }
0x93: {  	_ =	swait.ge [sflag:s11], $0xA00  }
0x94: {  	[sflag:s11] =	ssyncset.done $0x0  }
0x95: {  	s14 =	simm.s32 $0x0;
	[sflag:s11] =	ssyncadd.s32 $0xFFFFF600  }
0x96: {  	v1 =	vld [tilespmem:s14+$0xDC70]  }
0x97: {  	v5 =	vld [tilespmem:s14+$0xDC00]  }
0x98: {  	v6 =	vld [tilespmem:s14+$0xDC10]  }
0x99: {  	v4 =	vld [tilespmem:s14+$0xDC20]  }
0x9a: {  	v3 =	vld [tilespmem:s14+$0xDC30]  }
0x9b: {  	v0 =	vld [tilespmem:s14+$0xDC40];
	v7 =	vmul.f32 $8.000000000e+00, v1  }
0x9c: {  	v1 =	vld [tilespmem:s14+$0xDC50];
	v5 =	vmul.f32 $8.000000000e+00, v5  }
0x9d: {  	s17 =	simm.s32 $0x400;
	s12 =	simm.s32 $0x80;
	v2 =	vld [tilespmem:s14+$0xDC60];
	v6 =	vmul.f32 $8.000000000e+00, v6;
	[tilespmem:s14+$0xE670] =	vst v7  }
.LBB2_8:
0x9e: {  	p1 =	sne.s32 s17, $0x2600;
	v7 =	vld [tilespmem:s12+$0xDC70];
	[tilespmem:s14+$0xE600] =	vst v5;
	v4 =	vmul.f32 $8.000000000e+00, v4  }
0x9f: {  	v5 =	vld [tilespmem:s12+$0xDC00];
	[tilespmem:s14+$0xE610] =	vst v6;
	v3 =	vmul.f32 $8.000000000e+00, v3  }
0xa0: {  	v6 =	vld [tilespmem:s12+$0xDC10];
	[tilespmem:s14+$0xE620] =	vst v4;
	v0 =	vmul.f32 $8.000000000e+00, v0  }
.Ltmp2:
0xa1: {  	v4 =	vld [tilespmem:s12+$0xDC20];
	[tilespmem:s14+$0xE630] =	vst v3;
	v1 =	vmul.f32 $8.000000000e+00, v1;
	(pc) =	sbr.rel @p1 .LBB2_8-.Ltmp2, $4  }
0xa2: {  	v3 =	vld [tilespmem:s12+$0xDC30];
	[tilespmem:s14+$0xE640] =	vst v0;
	v2 =	vmul.f32 $8.000000000e+00, v2  }
0xa3: {  	v0 =	vld [tilespmem:s12+$0xDC40];
	v7 =	vmul.f32 $8.000000000e+00, v7;
	[tilespmem:s14+$0xE650] =	vst v1  }
0xa4: {  	v5 =	vmul.f32 $8.000000000e+00, v5;
	v1 =	vld [tilespmem:s12+$0xDC50];
	[tilespmem:s14+$0xE660] =	vst v2;
	s14 =	smov.u32 s12  }
0xa5: {  	s12 =	sshra.s32 s17, $0x2;
	s17 =	sadd.s32 $0x200, s17;
	v6 =	vmul.f32 $8.000000000e+00, v6;
	v2 =	vld [tilespmem:s14+$0xDC60];
	[tilespmem:s14+$0xE670] =	vst v7  }
0xa6: {  	v7 =	vld [tilespmem:s12+$0xDC70];
	[tilespmem:s14+$0xE600] =	vst v5;
	v4 =	vmul.f32 $8.000000000e+00, v4  }
0xa7: {  	v5 =	vld [tilespmem:s12+$0xDC00];
	[tilespmem:s14+$0xE610] =	vst v6;
	v3 =	vmul.f32 $8.000000000e+00, v3  }
0xa8: {  	v6 =	vld [tilespmem:s12+$0xDC10];
	[tilespmem:s14+$0xE620] =	vst v4;
	v0 =	vmul.f32 $8.000000000e+00, v0  }
0xa9: {  	s17 =	smulhi.u32 $0xCCCCCCCD, s6;
	v4 =	vld [tilespmem:s12+$0xDC20];
	[tilespmem:s14+$0xE630] =	vst v3;
	v1 =	vmul.f32 $8.000000000e+00, v1  }
0xaa: {  	v3 =	vld [tilespmem:s12+$0xDC30];
	[tilespmem:s14+$0xE640] =	vst v0;
	v2 =	vmul.f32 $8.000000000e+00, v2  }
0xab: {  	s18 =	sshrl.u32 s17, $0x3;
	v0 =	vld [tilespmem:s12+$0xDC40];
	[tilespmem:s14+$0xE650] =	vst v1;
	v7 =	vmul.f32 $8.000000000e+00, v7  }
0xac: {  	s17 =	smul.u32 $0xA, s18;
	v1 =	vld [tilespmem:s12+$0xDC50];
	[tilespmem:s14+$0xE660] =	vst v2;
	v2 =	vmul.f32 $8.000000000e+00, v5  }
0xad: {  	v5 =	vld [tilespmem:s12+$0xDC60];
	v6 =	vmul.f32 $8.000000000e+00, v6;
	[tilespmem:s12+$0xE670] =	vst v7  }
0xae: {  	s17 =	ssub.s32 s6, s17;
	[tilespmem:s12+$0xE600] =	vst v2;
	v2 =	vmul.f32 $8.000000000e+00, v4  }
0xaf: {  	s6 =	smul.u32 $0x500000, s17;
	[tilespmem:s12+$0xE610] =	vst v6;
	v3 =	vmul.f32 $8.000000000e+00, v3  }
0xb0: {  	[tilespmem:s12+$0xE620] =	vst v2;
	v0 =	vmul.f32 $8.000000000e+00, v0  }
0xb1: {  	s14 =	sshll.u32 s18, $0xA;
	s6 =	sor.u32 s2, s6;
	[tilespmem:s12+$0xE630] =	vst v3;
	v1 =	vmul.f32 $8.000000000e+00, v1  }
0xb2: {  	s6 =	sadd.s32 s14, s6;
	[tilespmem:s12+$0xE640] =	vst v0;
	v0 =	vmul.f32 $8.000000000e+00, v5  }
0xb3: {  	s6 =	sshrl.u32 s6, $0x3;
	[tilespmem:s12+$0xE650] =	vst v1  }
0xb4: {  	s1 =	sadd.s32 $0x5, s1;
	s6 =	sadd.s32 s3, s6;
	[tilespmem:s12+$0xE660] =	vst v0  }
0xb5: {  	[hbm4b:s6+s21] =	stream.strided.scatter [tilespmem:s22], [sflag:$0x3], $0xA00, s5, s21, $0x38;
	[tilespmem:$0x1F228] =	vst v63  }
0xb6: {  	s18 =	smul.u32 $0x2800, s1;
	_ =	swait.ge [sflag:s31], $0xA00  }
0xb7: {  	[sflag:s31] =	ssyncset.done $0x0  }
0xb8: {  	s6 =	sshra.s32 s18, $0x2;
	[sflag:s31] =	ssyncadd.s32 $0xFFFFF600  }
0xb9: {  	[tilespmem:s0], [sflag:$0x2] =	stream.indirect.gather [spmem:s4], $0x1, s6, s28, $0xb8;
	[tilespmem:$0x1F228] =	vst v63  }
0xba: {  	_ =	swait.ge [sflag:s13], $0xA00  }
0xbb: {  	[sflag:s13] =	ssyncset.done $0x0  }
0xbc: {  	s12 =	simm.s32 $0x0;
	[sflag:s13] =	ssyncadd.s32 $0xFFFFF600  }
0xbd: {  	v1 =	vld [tilespmem:s12+$0xC870]  }
0xbe: {  	v5 =	vld [tilespmem:s12+$0xC800]  }
0xbf: {  	v6 =	vld [tilespmem:s12+$0xC810]  }
0xc0: {  	v4 =	vld [tilespmem:s12+$0xC820]  }
0xc1: {  	v3 =	vld [tilespmem:s12+$0xC830]  }
0xc2: {  	v0 =	vld [tilespmem:s12+$0xC840];
	v7 =	vmul.f32 $8.000000000e+00, v1  }
0xc3: {  	v1 =	vld [tilespmem:s12+$0xC850];
	v5 =	vmul.f32 $8.000000000e+00, v5  }
0xc4: {  	s14 =	simm.s32 $0x400;
	s6 =	simm.s32 $0x80;
	v2 =	vld [tilespmem:s12+$0xC860];
	v6 =	vmul.f32 $8.000000000e+00, v6;
	[tilespmem:s12+$0xF270] =	vst v7  }
.LBB2_10:
0xc5: {  	p1 =	sne.s32 s14, $0x2600;
	v7 =	vld [tilespmem:s6+$0xC870];
	[tilespmem:s12+$0xF200] =	vst v5;
	v4 =	vmul.f32 $8.000000000e+00, v4  }
0xc6: {  	v5 =	vld [tilespmem:s6+$0xC800];
	[tilespmem:s12+$0xF210] =	vst v6;
	v3 =	vmul.f32 $8.000000000e+00, v3  }
0xc7: {  	v6 =	vld [tilespmem:s6+$0xC810];
	[tilespmem:s12+$0xF220] =	vst v4;
	v0 =	vmul.f32 $8.000000000e+00, v0  }
.Ltmp3:
0xc8: {  	v4 =	vld [tilespmem:s6+$0xC820];
	[tilespmem:s12+$0xF230] =	vst v3;
	v1 =	vmul.f32 $8.000000000e+00, v1;
	(pc) =	sbr.rel @p1 .LBB2_10-.Ltmp3, $4  }
0xc9: {  	v3 =	vld [tilespmem:s6+$0xC830];
	[tilespmem:s12+$0xF240] =	vst v0;
	v2 =	vmul.f32 $8.000000000e+00, v2  }
0xca: {  	v0 =	vld [tilespmem:s6+$0xC840];
	v7 =	vmul.f32 $8.000000000e+00, v7;
	[tilespmem:s12+$0xF250] =	vst v1  }
0xcb: {  	v5 =	vmul.f32 $8.000000000e+00, v5;
	v1 =	vld [tilespmem:s6+$0xC850];
	[tilespmem:s12+$0xF260] =	vst v2;
	s12 =	smov.u32 s6  }
0xcc: {  	s6 =	sshra.s32 s14, $0x2;
	s14 =	sadd.s32 $0x200, s14;
	v6 =	vmul.f32 $8.000000000e+00, v6;
	v2 =	vld [tilespmem:s12+$0xC860];
	[tilespmem:s12+$0xF270] =	vst v7  }
0xcd: {  	v7 =	vld [tilespmem:s6+$0xC870];
	[tilespmem:s12+$0xF200] =	vst v5;
	v4 =	vmul.f32 $8.000000000e+00, v4  }
0xce: {  	v5 =	vld [tilespmem:s6+$0xC800];
	[tilespmem:s12+$0xF210] =	vst v6;
	v3 =	vmul.f32 $8.000000000e+00, v3  }
0xcf: {  	v6 =	vld [tilespmem:s6+$0xC810];
	[tilespmem:s12+$0xF220] =	vst v4;
	v0 =	vmul.f32 $8.000000000e+00, v0  }
0xd0: {  	s14 =	smulhi.u32 $0xCCCCCCCD, s7;
	v4 =	vld [tilespmem:s6+$0xC820];
	[tilespmem:s12+$0xF230] =	vst v3;
	v1 =	vmul.f32 $8.000000000e+00, v1  }
0xd1: {  	v3 =	vld [tilespmem:s6+$0xC830];
	[tilespmem:s12+$0xF240] =	vst v0;
	v2 =	vmul.f32 $8.000000000e+00, v2  }
0xd2: {  	s17 =	sshrl.u32 s14, $0x3;
	v0 =	vld [tilespmem:s6+$0xC840];
	[tilespmem:s12+$0xF250] =	vst v1;
	v7 =	vmul.f32 $8.000000000e+00, v7  }
0xd3: {  	s14 =	smul.u32 $0xA, s17;
	v1 =	vld [tilespmem:s6+$0xC850];
	[tilespmem:s12+$0xF260] =	vst v2;
	v2 =	vmul.f32 $8.000000000e+00, v5  }
0xd4: {  	v5 =	vld [tilespmem:s6+$0xC860];
	v6 =	vmul.f32 $8.000000000e+00, v6;
	[tilespmem:s6+$0xF270] =	vst v7  }
0xd5: {  	s18 =	ssub.s32 s7, s14;
	[tilespmem:s6+$0xF200] =	vst v2;
	v2 =	vmul.f32 $8.000000000e+00, v4  }
0xd6: {  	s7 =	smul.u32 $0x500000, s18;
	[tilespmem:s6+$0xF210] =	vst v6;
	v3 =	vmul.f32 $8.000000000e+00, v3  }
0xd7: {  	[tilespmem:s6+$0xF220] =	vst v2;
	v0 =	vmul.f32 $8.000000000e+00, v0  }
0xd8: {  	s12 =	sshll.u32 s17, $0xA;
	s7 =	sor.u32 s2, s7;
	[tilespmem:s6+$0xF230] =	vst v3;
	v1 =	vmul.f32 $8.000000000e+00, v1  }
0xd9: {  	s7 =	sadd.s32 s12, s7;
	[tilespmem:s6+$0xF240] =	vst v0;
	v0 =	vmul.f32 $8.000000000e+00, v5  }
0xda: {  	s7 =	sshrl.u32 s7, $0x3;
	[tilespmem:s6+$0xF250] =	vst v1  }
0xdb: {  	s17 =	smul.u32 $0xF000, s23;
	s14 =	sadd.s32 s3, s7;
	[tilespmem:s6+$0xF260] =	vst v0  }
0xdc: {  	[hbm4b:s14+s21] =	stream.strided.scatter [tilespmem:s8], [sflag:$0x4], $0xA00, s5, s21, $0x38;
	[tilespmem:$0x1F228] =	vst v63  }
0xdd: {  	_ =	swait.ge [sflag:s31], $0xA00  }
0xde: {  	s6 =	sshra.s32 s17, $0x2;
	[sflag:s31] =	ssyncset.done $0x0  }
0xdf: {  	s18 =	sadd.s32 $0x3C00, s6;
	[sflag:s31] =	ssyncadd.s32 $0xFFFFF600  }
0xe0: {  	[tilespmem:s29], [sflag:$0x2] =	stream.indirect.gather [spmem:s4], $0x1, s18, s28, $0xb8;
	[tilespmem:$0x1F228] =	vst v63  }
0xe1: {  	_ =	swait.ge [sflag:s11], $0xA00  }
0xe2: {  	[sflag:s11] =	ssyncset.done $0x0  }
0xe3: {  	s12 =	simm.s32 $0x0;
	[sflag:s11] =	ssyncadd.s32 $0xFFFFF600  }
0xe4: {  	v1 =	vld [tilespmem:s12+$0xD270]  }
0xe5: {  	v5 =	vld [tilespmem:s12+$0xD200]  }
0xe6: {  	v6 =	vld [tilespmem:s12+$0xD210]  }
0xe7: {  	v4 =	vld [tilespmem:s12+$0xD220]  }
0xe8: {  	v3 =	vld [tilespmem:s12+$0xD230]  }
0xe9: {  	v0 =	vld [tilespmem:s12+$0xD240];
	v7 =	vmul.f32 $8.000000000e+00, v1  }
0xea: {  	v1 =	vld [tilespmem:s12+$0xD250];
	v5 =	vmul.f32 $8.000000000e+00, v5  }
0xeb: {  	s7 =	simm.s32 $0x80;
	s14 =	simm.s32 $0x400;
	v2 =	vld [tilespmem:s12+$0xD260];
	v6 =	vmul.f32 $8.000000000e+00, v6;
	[tilespmem:s12+$0xE670] =	vst v7  }
.LBB2_12:
0xec: {  	p1 =	sne.s32 s14, $0x2600;
	v7 =	vld [tilespmem:s7+$0xD270];
	[tilespmem:s12+$0xE600] =	vst v5;
	v4 =	vmul.f32 $8.000000000e+00, v4  }
0xed: {  	v5 =	vld [tilespmem:s7+$0xD200];
	[tilespmem:s12+$0xE610] =	vst v6;
	v3 =	vmul.f32 $8.000000000e+00, v3  }
0xee: {  	v6 =	vld [tilespmem:s7+$0xD210];
	[tilespmem:s12+$0xE620] =	vst v4;
	v0 =	vmul.f32 $8.000000000e+00, v0  }
.Ltmp4:
0xef: {  	v4 =	vld [tilespmem:s7+$0xD220];
	[tilespmem:s12+$0xE630] =	vst v3;
	v1 =	vmul.f32 $8.000000000e+00, v1;
	(pc) =	sbr.rel @p1 .LBB2_12-.Ltmp4, $4  }
0xf0: {  	v3 =	vld [tilespmem:s7+$0xD230];
	[tilespmem:s12+$0xE640] =	vst v0;
	v2 =	vmul.f32 $8.000000000e+00, v2  }
0xf1: {  	v0 =	vld [tilespmem:s7+$0xD240];
	v7 =	vmul.f32 $8.000000000e+00, v7;
	[tilespmem:s12+$0xE650] =	vst v1  }
0xf2: {  	v5 =	vmul.f32 $8.000000000e+00, v5;
	v1 =	vld [tilespmem:s7+$0xD250];
	[tilespmem:s12+$0xE660] =	vst v2;
	s12 =	smov.u32 s7  }
0xf3: {  	s7 =	sshra.s32 s14, $0x2;
	s14 =	sadd.s32 $0x200, s14;
	v6 =	vmul.f32 $8.000000000e+00, v6;
	v2 =	vld [tilespmem:s12+$0xD260];
	[tilespmem:s12+$0xE670] =	vst v7  }
0xf4: {  	v7 =	vld [tilespmem:s7+$0xD270];
	[tilespmem:s12+$0xE600] =	vst v5;
	v4 =	vmul.f32 $8.000000000e+00, v4  }
0xf5: {  	v5 =	vld [tilespmem:s7+$0xD200];
	[tilespmem:s12+$0xE610] =	vst v6;
	v3 =	vmul.f32 $8.000000000e+00, v3  }
0xf6: {  	v6 =	vld [tilespmem:s7+$0xD210];
	[tilespmem:s12+$0xE620] =	vst v4;
	v0 =	vmul.f32 $8.000000000e+00, v0  }
0xf7: {  	s14 =	smulhi.u32 $0xCCCCCCCD, s9;
	v4 =	vld [tilespmem:s7+$0xD220];
	[tilespmem:s12+$0xE630] =	vst v3;
	v1 =	vmul.f32 $8.000000000e+00, v1  }
0xf8: {  	v3 =	vld [tilespmem:s7+$0xD230];
	[tilespmem:s12+$0xE640] =	vst v0;
	v2 =	vmul.f32 $8.000000000e+00, v2  }
0xf9: {  	s18 =	sshrl.u32 s14, $0x3;
	v0 =	vld [tilespmem:s7+$0xD240];
	[tilespmem:s12+$0xE650] =	vst v1;
	v7 =	vmul.f32 $8.000000000e+00, v7  }
0xfa: {  	s14 =	smul.u32 $0xA, s18;
	v1 =	vld [tilespmem:s7+$0xD250];
	[tilespmem:s12+$0xE660] =	vst v2;
	v2 =	vmul.f32 $8.000000000e+00, v5  }
0xfb: {  	v5 =	vld [tilespmem:s7+$0xD260];
	v6 =	vmul.f32 $8.000000000e+00, v6;
	[tilespmem:s7+$0xE670] =	vst v7  }
0xfc: {  	s17 =	ssub.s32 s9, s14;
	[tilespmem:s7+$0xE600] =	vst v2;
	v2 =	vmul.f32 $8.000000000e+00, v4  }
0xfd: {  	s9 =	smul.u32 $0x500000, s17;
	[tilespmem:s7+$0xE610] =	vst v6;
	v3 =	vmul.f32 $8.000000000e+00, v3  }
0xfe: {  	[tilespmem:s7+$0xE620] =	vst v2;
	v0 =	vmul.f32 $8.000000000e+00, v0  }
0xff: {  	s12 =	sshll.u32 s18, $0xA;
	s9 =	sor.u32 s2, s9;
	[tilespmem:s7+$0xE630] =	vst v3;
	v1 =	vmul.f32 $8.000000000e+00, v1  }
0x100: {  	s9 =	sadd.s32 s12, s9;
	[tilespmem:s7+$0xE640] =	vst v0;
	v0 =	vmul.f32 $8.000000000e+00, v5  }
0x101: {  	s9 =	sshrl.u32 s9, $0x3;
	[tilespmem:s7+$0xE650] =	vst v1  }
0x102: {  	s18 =	sadd.s32 s3, s9;
	[tilespmem:s7+$0xE660] =	vst v0  }
0x103: {  	[hbm4b:s18+s21] =	stream.strided.scatter [tilespmem:s22], [sflag:$0x3], $0xA00, s5, s21, $0x38;
	[tilespmem:$0x1F228] =	vst v63  }
0x104: {  	_ =	swait.ge [sflag:s31], $0xA00  }
0x105: {  	[sflag:s31] =	ssyncset.done $0x0  }
0x106: {  	s6 =	sadd.s32 $0x4600, s6;
	[sflag:s31] =	ssyncadd.s32 $0xFFFFF600  }
0x107: {  	[tilespmem:s30], [sflag:$0x2] =	stream.indirect.gather [spmem:s4], $0x1, s6, s28, $0xb8;
	[tilespmem:$0x1F228] =	vst v63  }
0x108: {  	_ =	swait.ge [sflag:s13], $0xA00  }
0x109: {  	[sflag:s13] =	ssyncset.done $0x0  }
0x10a: {  	s7 =	simm.s32 $0x0;
	[sflag:s13] =	ssyncadd.s32 $0xFFFFF600  }
0x10b: {  	v1 =	vld [tilespmem:s7+$0xDC70]  }
0x10c: {  	v5 =	vld [tilespmem:s7+$0xDC00]  }
0x10d: {  	v6 =	vld [tilespmem:s7+$0xDC10]  }
0x10e: {  	v4 =	vld [tilespmem:s7+$0xDC20]  }
0x10f: {  	v3 =	vld [tilespmem:s7+$0xDC30]  }
0x110: {  	v0 =	vld [tilespmem:s7+$0xDC40];
	v7 =	vmul.f32 $8.000000000e+00, v1  }
0x111: {  	v1 =	vld [tilespmem:s7+$0xDC50];
	v5 =	vmul.f32 $8.000000000e+00, v5  }
0x112: {  	s9 =	simm.s32 $0x400;
	s6 =	simm.s32 $0x80;
	v2 =	vld [tilespmem:s7+$0xDC60];
	v6 =	vmul.f32 $8.000000000e+00, v6;
	[tilespmem:s7+$0xF270] =	vst v7  }
.LBB2_14:
0x113: {  	p1 =	sne.s32 s9, $0x2600;
	v7 =	vld [tilespmem:s6+$0xDC70];
	[tilespmem:s7+$0xF200] =	vst v5;
	v4 =	vmul.f32 $8.000000000e+00, v4  }
0x114: {  	v5 =	vld [tilespmem:s6+$0xDC00];
	[tilespmem:s7+$0xF210] =	vst v6;
	v3 =	vmul.f32 $8.000000000e+00, v3  }
0x115: {  	v6 =	vld [tilespmem:s6+$0xDC10];
	[tilespmem:s7+$0xF220] =	vst v4;
	v0 =	vmul.f32 $8.000000000e+00, v0  }
.Ltmp5:
0x116: {  	v4 =	vld [tilespmem:s6+$0xDC20];
	[tilespmem:s7+$0xF230] =	vst v3;
	v1 =	vmul.f32 $8.000000000e+00, v1;
	(pc) =	sbr.rel @p1 .LBB2_14-.Ltmp5, $4  }
0x117: {  	v3 =	vld [tilespmem:s6+$0xDC30];
	[tilespmem:s7+$0xF240] =	vst v0;
	v2 =	vmul.f32 $8.000000000e+00, v2  }
0x118: {  	v0 =	vld [tilespmem:s6+$0xDC40];
	v7 =	vmul.f32 $8.000000000e+00, v7;
	[tilespmem:s7+$0xF250] =	vst v1  }
0x119: {  	v5 =	vmul.f32 $8.000000000e+00, v5;
	v1 =	vld [tilespmem:s6+$0xDC50];
	[tilespmem:s7+$0xF260] =	vst v2;
	s7 =	smov.u32 s6  }
0x11a: {  	s6 =	sshra.s32 s9, $0x2;
	s9 =	sadd.s32 $0x200, s9;
	v6 =	vmul.f32 $8.000000000e+00, v6;
	v2 =	vld [tilespmem:s7+$0xDC60];
	[tilespmem:s7+$0xF270] =	vst v7  }
0x11b: {  	v7 =	vld [tilespmem:s6+$0xDC70];
	[tilespmem:s7+$0xF200] =	vst v5;
	v4 =	vmul.f32 $8.000000000e+00, v4  }
0x11c: {  	v5 =	vld [tilespmem:s6+$0xDC00];
	[tilespmem:s7+$0xF210] =	vst v6;
	v3 =	vmul.f32 $8.000000000e+00, v3  }
0x11d: {  	v6 =	vld [tilespmem:s6+$0xDC10];
	[tilespmem:s7+$0xF220] =	vst v4;
	v0 =	vmul.f32 $8.000000000e+00, v0  }
0x11e: {  	s9 =	smulhi.u32 $0xCCCCCCCD, s1;
	v4 =	vld [tilespmem:s6+$0xDC20];
	[tilespmem:s7+$0xF230] =	vst v3;
	v1 =	vmul.f32 $8.000000000e+00, v1  }
0x11f: {  	v3 =	vld [tilespmem:s6+$0xDC30];
	[tilespmem:s7+$0xF240] =	vst v0;
	v2 =	vmul.f32 $8.000000000e+00, v2  }
0x120: {  	s17 =	sshrl.u32 s9, $0x3;
	v0 =	vld [tilespmem:s6+$0xDC40];
	[tilespmem:s7+$0xF250] =	vst v1;
	v7 =	vmul.f32 $8.000000000e+00, v7  }
0x121: {  	s9 =	smul.u32 $0xA, s17;
	v1 =	vld [tilespmem:s6+$0xDC50];
	[tilespmem:s7+$0xF260] =	vst v2;
	v60 =	vmul.f32 $8.000000000e+00, v5  }
0x122: {  	v61 =	vld [tilespmem:s6+$0xDC60];
	v6 =	vmul.f32 $8.000000000e+00, v6;
	[tilespmem:s6+$0xF270] =	vst v7  }
0x123: {  	s18 =	ssub.s32 s1, s9;
	[tilespmem:s6+$0xF200] =	vst v60;
	v62 =	vmul.f32 $8.000000000e+00, v4  }
0x124: {  	s23 =	sadd.s32 $0x1, s23;
	s1 =	smul.u32 $0x500000, s18;
	[tilespmem:s6+$0xF210] =	vst v6;
	v3 =	vmul.f32 $8.000000000e+00, v3  }
0x125: {  	p1 =	sne.s32 s23, $0x3;
	[tilespmem:s6+$0xF220] =	vst v62;
	v0 =	vmul.f32 $8.000000000e+00, v0  }
.Ltmp6:
0x126: {  	s7 =	sshll.u32 s17, $0xA;
	s1 =	sor.u32 s2, s1;
	[tilespmem:s6+$0xF230] =	vst v3;
	v1 =	vmul.f32 $8.000000000e+00, v1;
	(pc) =	sbr.rel @p1 .LBB2_3-.Ltmp6, $4  }
0x127: {  	s1 =	sadd.s32 s7, s1;
	[tilespmem:s6+$0xF240] =	vst v0;
	v63 =	vmul.f32 $8.000000000e+00, v61  }
0x128: {  	s1 =	sshrl.u32 s1, $0x3;
	[tilespmem:s6+$0xF250] =	vst v1  }
0x129: {  	s1 =	sadd.s32 s3, s1;
	[tilespmem:s6+$0xF260] =	vst v63  }
0x12a: {  	[hbm4b:s1+s21] =	stream.strided.scatter [tilespmem:s8], [sflag:$0x4], $0xA00, s5, s21, $0x38;
	[tilespmem:$0x1F228] =	vst v63  }
0x12b: {  	_ =	swait.ge [sflag:s31], $0xA00  }
0x12c: {  	[sflag:s31] =	ssyncset.done $0x0  }
0x12d: {  	[sflag:s31] =	ssyncadd.s32 $0xFFFFF600  }
0x12e: {  	_ =	swait.ge [sflag:s11], $0xA00  }
0x12f: {  	[sflag:s11] =	ssyncset.done $0x0  }
0x130: {  	s1 =	simm.s32 $0x0;
	[sflag:s11] =	ssyncadd.s32 $0xFFFFF600  }
0x131: {  	v1 =	vld [tilespmem:s1+$0xC870]  }
0x132: {  	v5 =	vld [tilespmem:s1+$0xC800]  }
0x133: {  	v6 =	vld [tilespmem:s1+$0xC810]  }
0x134: {  	v4 =	vld [tilespmem:s1+$0xC820]  }
0x135: {  	v3 =	vld [tilespmem:s1+$0xC830]  }
0x136: {  	v0 =	vld [tilespmem:s1+$0xC840];
	v7 =	vmul.f32 $8.000000000e+00, v1  }
0x137: {  	v1 =	vld [tilespmem:s1+$0xC850];
	v5 =	vmul.f32 $8.000000000e+00, v5  }
0x138: {  	s2 =	simm.s32 $0x80;
	s6 =	simm.s32 $0x400;
	v2 =	vld [tilespmem:s1+$0xC860];
	v6 =	vmul.f32 $8.000000000e+00, v6;
	[tilespmem:s1+$0xE670] =	vst v7  }
.LBB2_17:
0x139: {  	p1 =	sne.s32 s6, $0x2600;
	v7 =	vld [tilespmem:s2+$0xC870];
	[tilespmem:s1+$0xE600] =	vst v5;
	v4 =	vmul.f32 $8.000000000e+00, v4  }
0x13a: {  	v5 =	vld [tilespmem:s2+$0xC800];
	[tilespmem:s1+$0xE610] =	vst v6;
	v3 =	vmul.f32 $8.000000000e+00, v3  }
0x13b: {  	v6 =	vld [tilespmem:s2+$0xC810];
	[tilespmem:s1+$0xE620] =	vst v4;
	v0 =	vmul.f32 $8.000000000e+00, v0  }
.Ltmp7:
0x13c: {  	v4 =	vld [tilespmem:s2+$0xC820];
	[tilespmem:s1+$0xE630] =	vst v3;
	v1 =	vmul.f32 $8.000000000e+00, v1;
	(pc) =	sbr.rel @p1 .LBB2_17-.Ltmp7, $4  }
0x13d: {  	v3 =	vld [tilespmem:s2+$0xC830];
	[tilespmem:s1+$0xE640] =	vst v0;
	v2 =	vmul.f32 $8.000000000e+00, v2  }
0x13e: {  	v0 =	vld [tilespmem:s2+$0xC840];
	v7 =	vmul.f32 $8.000000000e+00, v7;
	[tilespmem:s1+$0xE650] =	vst v1  }
0x13f: {  	v5 =	vmul.f32 $8.000000000e+00, v5;
	v1 =	vld [tilespmem:s2+$0xC850];
	[tilespmem:s1+$0xE660] =	vst v2;
	s1 =	smov.u32 s2  }
0x140: {  	s2 =	sshra.s32 s6, $0x2;
	s6 =	sadd.s32 $0x200, s6;
	v6 =	vmul.f32 $8.000000000e+00, v6;
	v2 =	vld [tilespmem:s1+$0xC860];
	[tilespmem:s1+$0xE670] =	vst v7  }
0x141: {  	v7 =	vld [tilespmem:s2+$0xC870];
	[tilespmem:s1+$0xE600] =	vst v5;
	v4 =	vmul.f32 $8.000000000e+00, v4  }
0x142: {  	v5 =	vld [tilespmem:s2+$0xC800];
	[tilespmem:s1+$0xE610] =	vst v6;
	v3 =	vmul.f32 $8.000000000e+00, v3  }
0x143: {  	v6 =	vld [tilespmem:s2+$0xC810];
	[tilespmem:s1+$0xE620] =	vst v4;
	v0 =	vmul.f32 $8.000000000e+00, v0  }
0x144: {  	v4 =	vld [tilespmem:s2+$0xC820];
	[tilespmem:s1+$0xE630] =	vst v3;
	v1 =	vmul.f32 $8.000000000e+00, v1  }
0x145: {  	v3 =	vld [tilespmem:s2+$0xC830];
	[tilespmem:s1+$0xE640] =	vst v0;
	v2 =	vmul.f32 $8.000000000e+00, v2  }
0x146: {  	v0 =	vld [tilespmem:s2+$0xC840];
	[tilespmem:s1+$0xE650] =	vst v1;
	v7 =	vmul.f32 $8.000000000e+00, v7  }
0x147: {  	v1 =	vld [tilespmem:s2+$0xC850];
	[tilespmem:s1+$0xE660] =	vst v2;
	v2 =	vmul.f32 $8.000000000e+00, v5  }
0x148: {  	v5 =	vld [tilespmem:s2+$0xC860];
	v6 =	vmul.f32 $8.000000000e+00, v6;
	[tilespmem:s2+$0xE670] =	vst v7  }
0x149: {  	[tilespmem:s2+$0xE600] =	vst v2;
	v2 =	vmul.f32 $8.000000000e+00, v4  }
0x14a: {  	[tilespmem:s2+$0xE610] =	vst v6;
	v3 =	vmul.f32 $8.000000000e+00, v3  }
0x14b: {  	s18 =	sshll.u32 s26, $0x9;
	[tilespmem:s2+$0xE620] =	vst v2;
	v0 =	vmul.f32 $8.000000000e+00, v0  }
0x14c: {  	s6 =	sshll.u32 s25, $0x4;
	s7 =	rddreg [dreg:$0xd];
	s1 =	sand.u32 $0x7000, s18;
	[tilespmem:s2+$0xE630] =	vst v3;
	v1 =	vmul.f32 $8.000000000e+00, v1  }
0x14d: {  	s6 =	sand.u32 $0x70, s6;
	s1 =	sor.u32 s7, s1;
	[tilespmem:s2+$0xE640] =	vst v0;
	v0 =	vmul.f32 $8.000000000e+00, v5  }
0x14e: {  	s23 =	rddreg [dreg:$0xe];
	s1 =	sor.u32 s6, s1;
	[tilespmem:s2+$0xE650] =	vst v1  }
0x14f: {  	p1 =	seq.s32 s25, $0x1F;
	[tilespmem:s2+$0xE660] =	vst v0;
	s2 =	sadd.s32 s1, s23  }
0x150: {  	[hbm4b:s2+s21] =	stream.strided.scatter [tilespmem:s22], [sflag:$0x3], $0xA00, s5, s21, $0x38;
	[tilespmem:$0x1F228] =	vst v63  }
0x151: {  	s23 =	stileid.u32;
	s2 =	sadd.s32 @!p1 $0x1, s26  }
0x152: {  	p2 =	seq.s32 @!p1 s23, $0xF;
	s6 =	sshrl.u32 @!p1 s2, $0x3  }
0x153: {  	s2 =	sshll.u32 @!p1 s2, $0x7;
	_ =	swait.ge [sflag:s31], $0xA00;
	p3 =	por !p2, p1  }
0x154: {  	s7 =	smul.u32 @!p1 $0x7A1400, s6;
	s2 =	sand.u32 @!p1 $0x380, s2;
	[sflag:s31] =	ssyncset.done $0x0  }
0x155: {  	s14 =	simm.s32 @!p3 $0x1;
	s15 =	simm.s32 @!p3 $0x10;
	[sflag:s31] =	ssyncadd.s32 $0xFFFFF600  }
0x156: {  	s17 =	simm.s32 @!p3 $0x80;
	s9 =	sadd.s32 @!p3 s2, s7;
	[bflag:$0x0] =	sbarrier.arrive $0xFFFF  }
0x157: {  	s18 =	simm.s32 @!p3 $0x1FC1;
	s9 =	sadd.s32 @!p3 $0x726000, s9;
	s26 =	rddreg [dreg:$0x1]  }
0x158: {  	s6 =	sshll.u32 @!p3 s6, $0xA;
	s12 =	rddreg [dreg:$0xb];
	s9 =	sshrl.u32 @!p3 s9, $0x3  }
0x159: {  	s6 =	sor.u32 @!p3 s2, s6;
	s12 =	sshrl.u32 @!p3 s12, $0x3;
	s9 =	sadd.s32 @!p3 s26, s9  }
0x15a: {  	[spmem:s12@s15], [sflag:s18] =	dma.strided @!p3 [hbm:s9@s17], $0x1EC0, s14, $0x10   }
0x15b: {  	s6 =	sshrl.u32 @!p3 s6, $0x3;
	s9 =	rddreg [dreg:$0x9]  }
0x15c: {  	s6 =	sadd.s32 @!p3 s9, s6;
	s9 =	sshrl.u32 @!p3 s19, $0x3  }
0x15d: {  	[spmem:s9], [sflag:s18] =	dma.local @!p3 [hbm:s6], $0x10  }
0x15e: {  	p1 =	por p2, p1;
	s6 =	rddreg [dreg:$0x5]  }
0x15f: {  	s6 =	sadd.s32 @!p1 s6, s7  }
0x160: {  	s12 =	simm.s32 @!p1 $0x10;
	s14 =	simm.s32 @!p1 $0x80;
	s2 =	sor.u32 @!p1 s2, s6  }
0x161: {  	s9 =	simm.s32 @!p1 $0x1;
	s6 =	sshll.u32 @!p1 s23, $0x6;
	s2 =	sshrl.u32 @!p1 s2, $0x3  }
0x162: {  	s7 =	sshrl.u32 @!p1 s10, $0x3;
	s6 =	sor.u32 @!p1 $0x1C01, s6;
	s2 =	sadd.s32 @!p1 s26, s2  }
0x163: {  	[spmem:s7@s12], [sflag:s6] =	dma.strided @!p1 [hbm:s2@s14], $0x1E80, s9, $0x10   }
0x164: {  	_ =	swait.ge [sflag:s13], $0xA00  }
0x165: {  	[sflag:s13] =	ssyncset.done $0x0  }
0x166: {  	s6 =	simm.s32 $0x0;
	[sflag:s13] =	ssyncadd.s32 $0xFFFFF600  }
0x167: {  	v1 =	vld [tilespmem:s6+$0xD270]  }
0x168: {  	v5 =	vld [tilespmem:s6+$0xD200]  }
0x169: {  	v6 =	vld [tilespmem:s6+$0xD210]  }
0x16a: {  	v4 =	vld [tilespmem:s6+$0xD220]  }
0x16b: {  	v3 =	vld [tilespmem:s6+$0xD230]  }
0x16c: {  	v0 =	vld [tilespmem:s6+$0xD240];
	v7 =	vmul.f32 $8.000000000e+00, v1  }
0x16d: {  	s25 =	sadd.s32 $0x1, s25;
	v1 =	vld [tilespmem:s6+$0xD250];
	v5 =	vmul.f32 $8.000000000e+00, v5  }
0x16e: {  	s15 =	stileid.u32;
	s2 =	simm.s32 $0x80;
	s7 =	simm.s32 $0x400;
	v2 =	vld [tilespmem:s6+$0xD260];
	v6 =	vmul.f32 $8.000000000e+00, v6;
	[tilespmem:s6+$0xF270] =	vst v7  }
.LBB2_19:
0x16f: {  	p1 =	sne.s32 s7, $0x2600;
	v7 =	vld [tilespmem:s2+$0xD270];
	[tilespmem:s6+$0xF200] =	vst v5;
	v4 =	vmul.f32 $8.000000000e+00, v4  }
0x170: {  	v5 =	vld [tilespmem:s2+$0xD200];
	[tilespmem:s6+$0xF210] =	vst v6;
	v3 =	vmul.f32 $8.000000000e+00, v3  }
0x171: {  	v6 =	vld [tilespmem:s2+$0xD210];
	[tilespmem:s6+$0xF220] =	vst v4;
	v0 =	vmul.f32 $8.000000000e+00, v0  }
.Ltmp8:
0x172: {  	v4 =	vld [tilespmem:s2+$0xD220];
	[tilespmem:s6+$0xF230] =	vst v3;
	v1 =	vmul.f32 $8.000000000e+00, v1;
	(pc) =	sbr.rel @p1 .LBB2_19-.Ltmp8, $4  }
0x173: {  	v3 =	vld [tilespmem:s2+$0xD230];
	[tilespmem:s6+$0xF240] =	vst v0;
	v2 =	vmul.f32 $8.000000000e+00, v2  }
0x174: {  	v0 =	vld [tilespmem:s2+$0xD240];
	v7 =	vmul.f32 $8.000000000e+00, v7;
	[tilespmem:s6+$0xF250] =	vst v1  }
0x175: {  	v5 =	vmul.f32 $8.000000000e+00, v5;
	v1 =	vld [tilespmem:s2+$0xD250];
	[tilespmem:s6+$0xF260] =	vst v2;
	s6 =	smov.u32 s2  }
0x176: {  	s2 =	sshra.s32 s7, $0x2;
	s7 =	sadd.s32 $0x200, s7;
	v6 =	vmul.f32 $8.000000000e+00, v6;
	v2 =	vld [tilespmem:s6+$0xD260];
	[tilespmem:s6+$0xF270] =	vst v7  }
0x177: {  	v7 =	vld [tilespmem:s2+$0xD270];
	[tilespmem:s6+$0xF200] =	vst v5;
	v4 =	vmul.f32 $8.000000000e+00, v4  }
0x178: {  	v5 =	vld [tilespmem:s2+$0xD200];
	[tilespmem:s6+$0xF210] =	vst v6;
	v3 =	vmul.f32 $8.000000000e+00, v3  }
0x179: {  	v6 =	vld [tilespmem:s2+$0xD210];
	[tilespmem:s6+$0xF220] =	vst v4;
	v0 =	vmul.f32 $8.000000000e+00, v0  }
0x17a: {  	v4 =	vld [tilespmem:s2+$0xD220];
	[tilespmem:s6+$0xF230] =	vst v3;
	v1 =	vmul.f32 $8.000000000e+00, v1  }
0x17b: {  	v3 =	vld [tilespmem:s2+$0xD230];
	[tilespmem:s6+$0xF240] =	vst v0;
	v2 =	vmul.f32 $8.000000000e+00, v2  }
0x17c: {  	v0 =	vld [tilespmem:s2+$0xD240];
	[tilespmem:s6+$0xF250] =	vst v1;
	v7 =	vmul.f32 $8.000000000e+00, v7  }
0x17d: {  	v1 =	vld [tilespmem:s2+$0xD250];
	[tilespmem:s6+$0xF260] =	vst v2;
	v60 =	vmul.f32 $8.000000000e+00, v5  }
0x17e: {  	v61 =	vld [tilespmem:s2+$0xD260];
	v6 =	vmul.f32 $8.000000000e+00, v6;
	[tilespmem:s2+$0xF270] =	vst v7  }
0x17f: {  	[tilespmem:s2+$0xF200] =	vst v60;
	v62 =	vmul.f32 $8.000000000e+00, v4  }
0x180: {  	[tilespmem:s2+$0xF210] =	vst v6;
	v3 =	vmul.f32 $8.000000000e+00, v3  }
0x181: {  	p1 =	sne.s32 s25, $0x20;
	[tilespmem:s2+$0xF220] =	vst v62;
	v0 =	vmul.f32 $8.000000000e+00, v0  }
.Ltmp9:
0x182: {  	[tilespmem:s2+$0xF230] =	vst v3;
	v1 =	vmul.f32 $8.000000000e+00, v1;
	(pc) =	sbr.rel @p1 .LBB2_2-.Ltmp9, $4  }
0x183: {  	[tilespmem:s2+$0xF240] =	vst v0;
	v63 =	vmul.f32 $8.000000000e+00, v61  }
0x184: {  	s26 =	rddreg [dreg:$0xf];
	[tilespmem:s2+$0xF250] =	vst v1  }
0x185: {  	s1 =	sadd.s32 s1, s26;
	[tilespmem:s2+$0xF260] =	vst v63  }
0x186: {  	[hbm4b:s1+s21] =	stream.strided.scatter [tilespmem:s8], [sflag:$0x4], $0xA00, s5, s21, $0x38;
	[tilespmem:$0x1F228] =	vst v63  }
0x187: {  	_ =	swait.ge [sflag:s11], $0xA00  }
0x188: {  	[sflag:s11] =	ssyncset.done $0x0  }
0x189: {  	[sflag:s11] =	ssyncadd.s32 $0xFFFFF600  }
0x18a: {  	_ =	swait.ge [sflag:s13], $0xA00  }
0x18b: {  	s2 =	rddreg [dreg:$0x14]  }
0x18c: {  	s1 =	rddreg [dreg:$0x10];
	s2 =	sadd.s32 $0x1, s2  }
0x18d: {  	p1 =	sne.s32 s2, s1  }
.Ltmp10:
0x18e: {  	_ = 	snop;
	(pc) =	sbr.rel @p1 .LBB2_1-.Ltmp10, $3  }
0x18f: {  	_ =	sdelay $0x1  }
0x190: {  	[sflag:s13] =	ssyncset.done $0x0  }
0x191: {  	[sflag:s13] =	ssyncadd.s32 $0xFFFFF600  }
0x192: {  	_ =	sfence.sel $0x180000  }
0x193: {  	[bflag:$0x0] =	sbarrier.arrive $0xFFFF  }
0x194: {  	_ =	strace $0x90000047  }
0x195: {  	[bflag:$0x2] =	sbarrier.arrive $0xFFFF  }
0x196: {  	p0 =	sne.s32 s15, $0x0;
	s0 =	rddreg [dreg:$0x4]  }
0x197: {  	s0 =	sadd.s32 @!p0 $0x100000, s0  }
0x198: {  	[sflag:s0] =	ssyncadd.tile.s32 @!p0 $0x1;
	_ =	shalt  }
.Lfunc_end2:
_tile_overlayer_lowered:
.L_overlay_start_2:
0x199: {  	(tag) =	ssettag $0x2  }
0x19a: {  	s0 =	rddreg [dreg:$0x0];
	s2 =	stileid.u32  }
0x19b: {  	s1 =	rddreg [dreg:$0x1];
	p0 =	sne.s32 s2, $0x0  }
0x19c: {  	s3 =	rddreg [dreg:$0x2];
	[bflag:$0x3] =	sbarrier.arrive $0xFFFF;
	s2 =	simm.s32 @!p0 $0x1C05  }
0x19d: {  	[timem:s3], [sflag:s2] =	dma.local @!p0 [hbm:s0], s1  }
0x19e: {  	s0 =	simm.s32 @!p0 $0x5  }
0x19f: {  	_ =	swait.ge @!p0 [sflag:s0], s1  }
0x1a0: {  	s1 =	ssub.s32 @!p0 $0x0, s1;
	[sflag:s0] =	ssyncset.done @!p0 $0x0  }
0x1a1: {  	[sflag:s0] =	ssyncadd.s32 @!p0 s1  }
0x1a2: {  	[bflag:$0x3] =	sbarrier.arrive $0xFFFF  }
0x1a3: {  	_ =	shalt  }

</sc_bundles>
